<compile_context>
chip_gen: v7x
topology: tpu7x:2x2x1
jax: 0.10.2.dev20260603
libtpu: 0.0.44.dev20260713+nightly
codegen_flags: <defaults>
</compile_context>

<pallas_src>
import functools

import jax
import jax.numpy as jnp
import numpy as np
from jax import lax
from jax.experimental import pallas as pl
from jax.experimental.pallas import tpu as pltpu
from jax.experimental.pallas import tpu_sc as plsc

_B = 64
_SPATIAL = 1024
_CDIM = 768
_SS = 32
_PS = 16
_NPOOL = 256
_TDIM = 32
_NC = 2
_NS = 16
_NW = _NC * _NS
_BLK_S = 64

_K_SC = 32
_SC_BLOCKS = _K_SC * (_SPATIAL // _BLK_S)
_BLK_PER_W = _SC_BLOCKS // _NW
assert _SC_BLOCKS % _NW == 0 and _BLK_PER_W % 2 == 0

_CH = np.linspace(0, _CDIM - 1, _TDIM).astype(np.int32)



def _issue_block(feat_hbm, blk, buf, sem):
    pltpu.async_copy(
        feat_hbm.at[pl.ds(blk * _BLK_S, _BLK_S), :],
        buf,
        sem,
    )


def _drain_block(feat_hbm, buf, sem):
    pltpu.make_async_copy(
        feat_hbm.at[pl.ds(0, _BLK_S), :],
        buf,
        sem,
    ).wait()


def _compute_block(ch_v, buf, out_v):
    for h in range(2):
        chv = ch_v[h]
        for c_col in range(_PS):
            acc = None
            for r in (2 * c_col, 2 * c_col + 1,
                      _SS + 2 * c_col, _SS + 2 * c_col + 1):
                rv = jnp.full((16,), r, jnp.int32)
                v = plsc.load_gather(buf, [rv, chv])
                acc = v if acc is None else acc + v
            out_v[c_col, pl.ds(h * 16, 16)] = acc * jnp.float32(0.25)


def _store_block(out_hbm, blk, out_v):
    b = blk // (_SPATIAL // _BLK_S)
    g = blk % (_SPATIAL // _BLK_S)
    pltpu.sync_copy(out_v, out_hbm.at[b, pl.ds(g * _PS, _PS)])


def _sc_body(feat_hbm, ch_hbm, out_hbm, ch_v, buf_a, buf_b, out_v,
             sem_a, sem_b):
    wid = lax.axis_index("s") * _NC + lax.axis_index("c")
    pltpu.sync_copy(ch_hbm, ch_v)

    blk0 = wid * _BLK_PER_W
    _issue_block(feat_hbm, blk0, buf_a, sem_a)

    def blk_body(g, _):
        blk = blk0 + g * 2
        _issue_block(feat_hbm, blk + 1, buf_b, sem_b)
        _drain_block(feat_hbm, buf_a, sem_a)
        _compute_block(ch_v, buf_a, out_v)
        _store_block(out_hbm, blk, out_v)

        @pl.when(g < _BLK_PER_W // 2 - 1)
        def _prefetch():
            _issue_block(feat_hbm, blk + 2, buf_a, sem_a)

        _drain_block(feat_hbm, buf_b, sem_b)
        _compute_block(ch_v, buf_b, out_v)
        _store_block(out_hbm, blk + 1, out_v)
        return _

    lax.fori_loop(0, _BLK_PER_W // 2, blk_body, None)


def _sc_part(features):
    feat2d = features.reshape(_B * _SPATIAL, _CDIM)
    chans = jnp.asarray(_CH.reshape(2, 16))
    sc_call = functools.partial(
        pl.kernel,
        mesh=plsc.VectorSubcoreMesh(core_axis_name="c", subcore_axis_name="s"),
        compiler_params=pltpu.CompilerParams(
            use_tc_tiling_on_sc=True, needs_layout_passes=False),
        out_type=jax.ShapeDtypeStruct((_K_SC, _NPOOL, _TDIM), jnp.float32),
        scratch_types=[
            pltpu.VMEM((2, 16), jnp.int32),
            pltpu.VMEM((_BLK_S, _CDIM), jnp.float32),
            pltpu.VMEM((_BLK_S, _CDIM), jnp.float32),
            pltpu.VMEM((_PS, _TDIM), jnp.float32),
            pltpu.SemaphoreType.DMA,
            pltpu.SemaphoreType.DMA,
        ],
    )(_sc_body)
    return sc_call(feat2d, chans)



def _pool_matrix() -> np.ndarray:
    P = np.zeros((_NPOOL, _SS * _SS), dtype=np.float32)
    for R in range(_PS):
        for C in range(_PS):
            p = R * _PS + C
            for dr in range(2):
                for dc in range(2):
                    s = (2 * R + dr) * _SS + (2 * C + dc)
                    P[p, s] = 0.25
    return P


def _select_matrix() -> np.ndarray:
    S = np.zeros((_CDIM, _TDIM), dtype=np.float32)
    S[_CH, np.arange(_TDIM)] = 1.0
    return S


def _tc_body(x_ref, p_ref, s_ref, o_ref):
    x = x_ref[0]
    sel = jnp.dot(x, s_ref[...], preferred_element_type=jnp.float32)
    o_ref[0] = jnp.dot(p_ref[...], sel, preferred_element_type=jnp.float32)


def _tc_part(features):
    nb = _B - _K_SC
    P = jnp.asarray(_pool_matrix())
    S = jnp.asarray(_select_matrix())
    return pl.pallas_call(
        _tc_body,
        grid=(nb,),
        in_specs=[
            pl.BlockSpec((1, _SPATIAL, _CDIM), lambda i: (i + _K_SC, 0, 0)),
            pl.BlockSpec((_NPOOL, _SPATIAL), lambda i: (0, 0)),
            pl.BlockSpec((_CDIM, _TDIM), lambda i: (0, 0)),
        ],
        out_specs=pl.BlockSpec((1, _NPOOL, _TDIM), lambda i: (i, 0, 0)),
        out_shape=jax.ShapeDtypeStruct((nb, _NPOOL, _TDIM), jnp.float32),
    )(features, P, S)


def kernel(features):
    sc_out = _sc_part(features)
    tc_out = _tc_part(features)
    return jnp.concatenate([sc_out, tc_out], axis=0)

# --- scband reference (transcript-rebuilt; emitter-appended) ---
"""Pipeline reference for scband-di-nov2-feature-compressor-5111011082398 (READ-ONLY COPY).

The authoritative reference and input builder live on the scoring server;
editing this copy changes nothing except your own understanding.
"""

import jax, jax.numpy as jnp
import numpy as np


def setup_inputs(seed: int = 0) -> dict:
    key = jax.random.key(seed)
    features = jax.random.normal(key, (64, 1024, 768), dtype=jnp.float32)
    return {"features": features}


def reference(features):
    input_dim = 768
    target_dim = 32
    pool_size = 2
    # buffer initialized as torch.linspace(0, input_dim-1, target_dim, dtype=long)
    selected_indices = jnp.asarray(np.linspace(0, input_dim - 1, target_dim).astype(np.int64))
    # eval mode: no feature-importance update
    # spatial pooling (avg_pool2d kernel=stride=pool_size) on [B, S, S, C]
    b, spatial_dim, c = features.shape
    ss = int(np.sqrt(spatial_dim))
    if ss * ss == spatial_dim:
        f2 = features.reshape(b, ss // pool_size, pool_size, ss // pool_size, pool_size, c)
        pooled = f2.mean(axis=(2, 4))
        features = pooled.reshape(b, (ss // pool_size) * (ss // pool_size), c)
    # top-k selection: all indices < feature dim, exactly target_dim of them
    compressed = jnp.take(features, selected_indices, axis=-1)
    return compressed

if __name__ == "__main__":
    import jax
    _d = setup_inputs()
    print(jax.jit(kernel)(*tuple(_d.values())))

</pallas_src>

<mosaic_0001>
#map = affine_map<(d0, d1) -> (0, 0)>
#map1 = affine_map<(d0, d1) -> (0, 0, 0)>
module attributes {stable_mosaic.version = 14 : i64} {
  func.func @_sc_body(%arg0: i32, %arg1: i32, %arg2: memref<65536x768xf32, #tpu.memory_space<hbm>>, %arg3: memref<2x16xi32, #tpu.memory_space<hbm>>, %arg4: memref<32x256x32xf32, #tpu.memory_space<hbm>>, %arg5: memref<2x16xi32, #tpu.memory_space<vmem>>, %arg6: memref<64x768xf32, #tpu.memory_space<vmem>>, %arg7: memref<64x768xf32, #tpu.memory_space<vmem>>, %arg8: memref<16x32xf32, #tpu.memory_space<vmem>>, %arg9: memref<!tpu.dma_semaphore, #tpu.memory_space<semaphore_mem>>, %arg10: memref<!tpu.dma_semaphore, #tpu.memory_space<semaphore_mem>>) attributes {dimension_semantics = [#tpu.dimension_semantics<core_parallel>, #tpu.dimension_semantics<subcore_parallel>], iteration_bounds = array<i64: 2, 16>, scalar_prefetch = 0 : i64, scratch_operands = 6 : i64, tpu.core_type = #tpu.core_type<sc_vector_subcore>, window_params = [{transform_indices = #map}, {transform_indices = #map}, {transform_indices = #map1}]} {
    %mul3A = arith.constant 2 : i32
    %mul3A_0 = arith.muli %arg1, %mul3A : i32
    %add3A = arith.addi %mul3A_0, %arg0 : i32
    "tpu.region"() ({
      %run_scoped3A = tpu.sem_alloc : memref<!tpu.dma_semaphore, #tpu.memory_space<semaphore_mem>>
      tpu.enqueue_dma source(%arg3 : memref<2x16xi32, #tpu.memory_space<hbm>>) target(%arg5 : memref<2x16xi32, #tpu.memory_space<vmem>>) target_semaphore(%run_scoped3A : memref<!tpu.dma_semaphore, #tpu.memory_space<semaphore_mem>>)
      tpu.wait_dma2 semaphore(%run_scoped3A : memref<!tpu.dma_semaphore, #tpu.memory_space<semaphore_mem>>) src(%arg3 : memref<2x16xi32, #tpu.memory_space<hbm>>) dst(%arg5 : memref<2x16xi32, #tpu.memory_space<vmem>>)
      tpu.yield
    }) : () -> ()
    %mul3A_1 = arith.constant 16 : i32
    %mul3A_2 = arith.muli %add3A, %mul3A_1 : i32
    %mul3A_3 = arith.constant 64 : i32
    %mul3A_4 = arith.muli %mul3A_2, %mul3A_3 : i32
    %dma_start3A = arith.constant 0 : i32
    %dma_start3A_5 = tpu.memref_slice %arg2[%mul3A_4, %dma_start3A] : memref<65536x768xf32, #tpu.memory_space<hbm>> -> memref<64x768xf32, #tpu.memory_space<hbm>>
    %dma_start3A_6 = arith.constant 0 : i32
    %dma_start3A_7 = tpu.memref_slice %arg2[%mul3A_4, %dma_start3A_6] : memref<65536x768xf32, #tpu.memory_space<hbm>> -> memref<64x768xf32, #tpu.memory_space<hbm>>
    tpu.enqueue_dma source(%dma_start3A_7 : memref<64x768xf32, #tpu.memory_space<hbm>>) target(%arg6 : memref<64x768xf32, #tpu.memory_space<vmem>>) target_semaphore(%arg9 : memref<!tpu.dma_semaphore, #tpu.memory_space<semaphore_mem>>)
    %scan3A = arith.constant 0 : i32
    %scan3A_8 = arith.constant 8 : i32
    %scan3A_9 = arith.addi %scan3A, %scan3A_8 : i32
    %scan3A_10 = arith.constant 1 : i32
    scf.for %scan3A_12 = %scan3A to %scan3A_9 step %scan3A_10  : i32 {
      %mul3A_13 = arith.constant 2 : i32
      %mul3A_14 = arith.muli %scan3A_12, %mul3A_13 : i32
      %add3A_15 = arith.addi %mul3A_2, %mul3A_14 : i32
      %add3A_16 = arith.constant 1 : i32
      %add3A_17 = arith.addi %add3A_15, %add3A_16 : i32
      %mul3A_18 = arith.constant 64 : i32
      %mul3A_19 = arith.muli %add3A_17, %mul3A_18 : i32
      %dma_start3A_20 = arith.constant 0 : i32
      %dma_start3A_21 = tpu.memref_slice %arg2[%mul3A_19, %dma_start3A_20] : memref<65536x768xf32, #tpu.memory_space<hbm>> -> memref<64x768xf32, #tpu.memory_space<hbm>>
      %dma_start3A_22 = arith.constant 0 : i32
      %dma_start3A_23 = tpu.memref_slice %arg2[%mul3A_19, %dma_start3A_22] : memref<65536x768xf32, #tpu.memory_space<hbm>> -> memref<64x768xf32, #tpu.memory_space<hbm>>
      tpu.enqueue_dma source(%dma_start3A_23 : memref<64x768xf32, #tpu.memory_space<hbm>>) target(%arg7 : memref<64x768xf32, #tpu.memory_space<vmem>>) target_semaphore(%arg10 : memref<!tpu.dma_semaphore, #tpu.memory_space<semaphore_mem>>)
      %dma_wait3A = arith.constant 0 : i32
      %dma_wait3A_24 = arith.constant 0 : i32
      %dma_wait3A_25 = tpu.memref_slice %arg2[%dma_wait3A, %dma_wait3A_24] : memref<65536x768xf32, #tpu.memory_space<hbm>> -> memref<64x768xf32, #tpu.memory_space<hbm>>
      %dma_wait3A_26 = arith.constant 0 : i32
      %dma_wait3A_27 = arith.constant 0 : i32
      %dma_wait3A_28 = tpu.memref_slice %arg2[%dma_wait3A_26, %dma_wait3A_27] : memref<65536x768xf32, #tpu.memory_space<hbm>> -> memref<64x768xf32, #tpu.memory_space<hbm>>
      tpu.wait_dma2 semaphore(%arg9 : memref<!tpu.dma_semaphore, #tpu.memory_space<semaphore_mem>>) src(%dma_wait3A_28 : memref<64x768xf32, #tpu.memory_space<hbm>>) dst(%arg6 : memref<64x768xf32, #tpu.memory_space<vmem>>)
      %get3A = arith.constant 0 : i32
      %get3A_29 = arith.index_cast %get3A : i32 to index
      %get3A_30 = arith.constant 0 : index
      %get3A_31 = tpu.vector_load %arg5[%get3A_29, %get3A_30] {strides = array<i32>} : memref<2x16xi32, #tpu.memory_space<vmem>>, vector<16xi32>,
      %broadcast_in_dim3A = arith.constant 0 : i32
      %broadcast_in_dim3A_32 = vector.broadcast %broadcast_in_dim3A : i32 to vector<16xi32>
      %gather3A = tpu.vector_load_idx %arg6[%broadcast_in_dim3A_32, %get3A_31] : memref<64x768xf32, #tpu.memory_space<vmem>>[vector<16xi32>, vector<16xi32>], vector<16xf32>,
      %broadcast_in_dim3A_33 = arith.constant 1 : i32
      %broadcast_in_dim3A_34 = vector.broadcast %broadcast_in_dim3A_33 : i32 to vector<16xi32>
      %gather3A_35 = tpu.vector_load_idx %arg6[%broadcast_in_dim3A_34, %get3A_31] : memref<64x768xf32, #tpu.memory_space<vmem>>[vector<16xi32>, vector<16xi32>], vector<16xf32>,
      %add3A_36 = arith.addf %gather3A, %gather3A_35 : vector<16xf32>
      %broadcast_in_dim3A_37 = arith.constant 32 : i32
      %broadcast_in_dim3A_38 = vector.broadcast %broadcast_in_dim3A_37 : i32 to vector<16xi32>
      %gather3A_39 = tpu.vector_load_idx %arg6[%broadcast_in_dim3A_38, %get3A_31] : memref<64x768xf32, #tpu.memory_space<vmem>>[vector<16xi32>, vector<16xi32>], vector<16xf32>,
      %add3A_40 = arith.addf %add3A_36, %gather3A_39 : vector<16xf32>
      %broadcast_in_dim3A_41 = arith.constant 33 : i32
      %broadcast_in_dim3A_42 = vector.broadcast %broadcast_in_dim3A_41 : i32 to vector<16xi32>
      %gather3A_43 = tpu.vector_load_idx %arg6[%broadcast_in_dim3A_42, %get3A_31] : memref<64x768xf32, #tpu.memory_space<vmem>>[vector<16xi32>, vector<16xi32>], vector<16xf32>,
      %add3A_44 = arith.addf %add3A_40, %gather3A_43 : vector<16xf32>
      %mul3A_45 = arith.constant 2.500000e-01 : f32
      %mul3A_46 = vector.broadcast %mul3A_45 : f32 to vector<16xf32>
      %mul3A_47 = arith.mulf %add3A_44, %mul3A_46 : vector<16xf32>
      %swap3A = arith.constant 0 : i32
      %swap3A_48 = arith.index_cast %swap3A : i32 to index
      %swap3A_49 = arith.constant 0 : index
      %swap3A_50 = tpu.vector_load %arg8[%swap3A_48, %swap3A_49] {strides = array<i32>} : memref<16x32xf32, #tpu.memory_space<vmem>>, vector<16xf32>,
      tpu.vector_store %arg8[%swap3A_48, %swap3A_49], %mul3A_47 {strides = array<i32>} : memref<16x32xf32, #tpu.memory_space<vmem>>, vector<16xf32>,
      %broadcast_in_dim3A_51 = arith.constant 2 : i32
      %broadcast_in_dim3A_52 = vector.broadcast %broadcast_in_dim3A_51 : i32 to vector<16xi32>
      %gather3A_53 = tpu.vector_load_idx %arg6[%broadcast_in_dim3A_52, %get3A_31] : memref<64x768xf32, #tpu.memory_space<vmem>>[vector<16xi32>, vector<16xi32>], vector<16xf32>,
      %broadcast_in_dim3A_54 = arith.constant 3 : i32
      %broadcast_in_dim3A_55 = vector.broadcast %broadcast_in_dim3A_54 : i32 to vector<16xi32>
      %gather3A_56 = tpu.vector_load_idx %arg6[%broadcast_in_dim3A_55, %get3A_31] : memref<64x768xf32, #tpu.memory_space<vmem>>[vector<16xi32>, vector<16xi32>], vector<16xf32>,
      %add3A_57 = arith.addf %gather3A_53, %gather3A_56 : vector<16xf32>
      %broadcast_in_dim3A_58 = arith.constant 34 : i32
      %broadcast_in_dim3A_59 = vector.broadcast %broadcast_in_dim3A_58 : i32 to vector<16xi32>
      %gather3A_60 = tpu.vector_load_idx %arg6[%broadcast_in_dim3A_59, %get3A_31] : memref<64x768xf32, #tpu.memory_space<vmem>>[vector<16xi32>, vector<16xi32>], vector<16xf32>,
      %add3A_61 = arith.addf %add3A_57, %gather3A_60 : vector<16xf32>
      %broadcast_in_dim3A_62 = arith.constant 35 : i32
      %broadcast_in_dim3A_63 = vector.broadcast %broadcast_in_dim3A_62 : i32 to vector<16xi32>
      %gather3A_64 = tpu.vector_load_idx %arg6[%broadcast_in_dim3A_63, %get3A_31] : memref<64x768xf32, #tpu.memory_space<vmem>>[vector<16xi32>, vector<16xi32>], vector<16xf32>,
      %add3A_65 = arith.addf %add3A_61, %gather3A_64 : vector<16xf32>
      %mul3A_66 = arith.constant 2.500000e-01 : f32
      %mul3A_67 = vector.broadcast %mul3A_66 : f32 to vector<16xf32>
      %mul3A_68 = arith.mulf %add3A_65, %mul3A_67 : vector<16xf32>
      %swap3A_69 = arith.constant 1 : i32
      %swap3A_70 = arith.index_cast %swap3A_69 : i32 to index
      %swap3A_71 = arith.constant 0 : index
      %swap3A_72 = tpu.vector_load %arg8[%swap3A_70, %swap3A_71] {strides = array<i32>} : memref<16x32xf32, #tpu.memory_space<vmem>>, vector<16xf32>,
      tpu.vector_store %arg8[%swap3A_70, %swap3A_71], %mul3A_68 {strides = array<i32>} : memref<16x32xf32, #tpu.memory_space<vmem>>, vector<16xf32>,
      %broadcast_in_dim3A_73 = arith.constant 4 : i32
      %broadcast_in_dim3A_74 = vector.broadcast %broadcast_in_dim3A_73 : i32 to vector<16xi32>
      %gather3A_75 = tpu.vector_load_idx %arg6[%broadcast_in_dim3A_74, %get3A_31] : memref<64x768xf32, #tpu.memory_space<vmem>>[vector<16xi32>, vector<16xi32>], vector<16xf32>,
      %broadcast_in_dim3A_76 = arith.constant 5 : i32
      %broadcast_in_dim3A_77 = vector.broadcast %broadcast_in_dim3A_76 : i32 to vector<16xi32>
      %gather3A_78 = tpu.vector_load_idx %arg6[%broadcast_in_dim3A_77, %get3A_31] : memref<64x768xf32, #tpu.memory_space<vmem>>[vector<16xi32>, vector<16xi32>], vector<16xf32>,
      %add3A_79 = arith.addf %gather3A_75, %gather3A_78 : vector<16xf32>
      %broadcast_in_dim3A_80 = arith.constant 36 : i32
      %broadcast_in_dim3A_81 = vector.broadcast %broadcast_in_dim3A_80 : i32 to vector<16xi32>
      %gather3A_82 = tpu.vector_load_idx %arg6[%broadcast_in_dim3A_81, %get3A_31] : memref<64x768xf32, #tpu.memory_space<vmem>>[vector<16xi32>, vector<16xi32>], vector<16xf32>,
      %add3A_83 = arith.addf %add3A_79, %gather3A_82 : vector<16xf32>
      %broadcast_in_dim3A_84 = arith.constant 37 : i32
      %broadcast_in_dim3A_85 = vector.broadcast %broadcast_in_dim3A_84 : i32 to vector<16xi32>
      %gather3A_86 = tpu.vector_load_idx %arg6[%broadcast_in_dim3A_85, %get3A_31] : memref<64x768xf32, #tpu.memory_space<vmem>>[vector<16xi32>, vector<16xi32>], vector<16xf32>,
      %add3A_87 = arith.addf %add3A_83, %gather3A_86 : vector<16xf32>
      %mul3A_88 = arith.constant 2.500000e-01 : f32
      %mul3A_89 = vector.broadcast %mul3A_88 : f32 to vector<16xf32>
      %mul3A_90 = arith.mulf %add3A_87, %mul3A_89 : vector<16xf32>
      %swap3A_91 = arith.constant 2 : i32
      %swap3A_92 = arith.index_cast %swap3A_91 : i32 to index
      %swap3A_93 = arith.constant 0 : index
      %swap3A_94 = tpu.vector_load %arg8[%swap3A_92, %swap3A_93] {strides = array<i32>} : memref<16x32xf32, #tpu.memory_space<vmem>>, vector<16xf32>,
      tpu.vector_store %arg8[%swap3A_92, %swap3A_93], %mul3A_90 {strides = array<i32>} : memref<16x32xf32, #tpu.memory_space<vmem>>, vector<16xf32>,
      %broadcast_in_dim3A_95 = arith.constant 6 : i32
      %broadcast_in_dim3A_96 = vector.broadcast %broadcast_in_dim3A_95 : i32 to vector<16xi32>
      %gather3A_97 = tpu.vector_load_idx %arg6[%broadcast_in_dim3A_96, %get3A_31] : memref<64x768xf32, #tpu.memory_space<vmem>>[vector<16xi32>, vector<16xi32>], vector<16xf32>,
      %broadcast_in_dim3A_98 = arith.constant 7 : i32
      %broadcast_in_dim3A_99 = vector.broadcast %broadcast_in_dim3A_98 : i32 to vector<16xi32>
      %gather3A_100 = tpu.vector_load_idx %arg6[%broadcast_in_dim3A_99, %get3A_31] : memref<64x768xf32, #tpu.memory_space<vmem>>[vector<16xi32>, vector<16xi32>], vector<16xf32>,
      %add3A_101 = arith.addf %gather3A_97, %gather3A_100 : vector<16xf32>
      %broadcast_in_dim3A_102 = arith.constant 38 : i32
      %broadcast_in_dim3A_103 = vector.broadcast %broadcast_in_dim3A_102 : i32 to vector<16xi32>
      %gather3A_104 = tpu.vector_load_idx %arg6[%broadcast_in_dim3A_103, %get3A_31] : memref<64x768xf32, #tpu.memory_space<vmem>>[vector<16xi32>, vector<16xi32>], vector<16xf32>,
      %add3A_105 = arith.addf %add3A_101, %gather3A_104 : vector<16xf32>
      %broadcast_in_dim3A_106 = arith.constant 39 : i32
      %broadcast_in_dim3A_107 = vector.broadcast %broadcast_in_dim3A_106 : i32 to vector<16xi32>
      %gather3A_108 = tpu.vector_load_idx %arg6[%broadcast_in_dim3A_107, %get3A_31] : memref<64x768xf32, #tpu.memory_space<vmem>>[vector<16xi32>, vector<16xi32>], vector<16xf32>,
      %add3A_109 = arith.addf %add3A_105, %gather3A_108 : vector<16xf32>
      %mul3A_110 = arith.constant 2.500000e-01 : f32
      %mul3A_111 = vector.broadcast %mul3A_110 : f32 to vector<16xf32>
      %mul3A_112 = arith.mulf %add3A_109, %mul3A_111 : vector<16xf32>
      %swap3A_113 = arith.constant 3 : i32
      %swap3A_114 = arith.index_cast %swap3A_113 : i32 to index
      %swap3A_115 = arith.constant 0 : index
      %swap3A_116 = tpu.vector_load %arg8[%swap3A_114, %swap3A_115] {strides = array<i32>} : memref<16x32xf32, #tpu.memory_space<vmem>>, vector<16xf32>,
      tpu.vector_store %arg8[%swap3A_114, %swap3A_115], %mul3A_112 {strides = array<i32>} : memref<16x32xf32, #tpu.memory_space<vmem>>, vector<16xf32>,
      %broadcast_in_dim3A_117 = arith.constant 8 : i32
      %broadcast_in_dim3A_118 = vector.broadcast %broadcast_in_dim3A_117 : i32 to vector<16xi32>
      %gather3A_119 = tpu.vector_load_idx %arg6[%broadcast_in_dim3A_118, %get3A_31] : memref<64x768xf32, #tpu.memory_space<vmem>>[vector<16xi32>, vector<16xi32>], vector<16xf32>,
      %broadcast_in_dim3A_120 = arith.constant 9 : i32
      %broadcast_in_dim3A_121 = vector.broadcast %broadcast_in_dim3A_120 : i32 to vector<16xi32>
      %gather3A_122 = tpu.vector_load_idx %arg6[%broadcast_in_dim3A_121, %get3A_31] : memref<64x768xf32, #tpu.memory_space<vmem>>[vector<16xi32>, vector<16xi32>], vector<16xf32>,
      %add3A_123 = arith.addf %gather3A_119, %gather3A_122 : vector<16xf32>
      %broadcast_in_dim3A_124 = arith.constant 40 : i32
      %broadcast_in_dim3A_125 = vector.broadcast %broadcast_in_dim3A_124 : i32 to vector<16xi32>
      %gather3A_126 = tpu.vector_load_idx %arg6[%broadcast_in_dim3A_125, %get3A_31] : memref<64x768xf32, #tpu.memory_space<vmem>>[vector<16xi32>, vector<16xi32>], vector<16xf32>,
      %add3A_127 = arith.addf %add3A_123, %gather3A_126 : vector<16xf32>
      %broadcast_in_dim3A_128 = arith.constant 41 : i32
      %broadcast_in_dim3A_129 = vector.broadcast %broadcast_in_dim3A_128 : i32 to vector<16xi32>
      %gather3A_130 = tpu.vector_load_idx %arg6[%broadcast_in_dim3A_129, %get3A_31] : memref<64x768xf32, #tpu.memory_space<vmem>>[vector<16xi32>, vector<16xi32>], vector<16xf32>,
      %add3A_131 = arith.addf %add3A_127, %gather3A_130 : vector<16xf32>
      %mul3A_132 = arith.constant 2.500000e-01 : f32
      %mul3A_133 = vector.broadcast %mul3A_132 : f32 to vector<16xf32>
      %mul3A_134 = arith.mulf %add3A_131, %mul3A_133 : vector<16xf32>
      %swap3A_135 = arith.constant 4 : i32
      %swap3A_136 = arith.index_cast %swap3A_135 : i32 to index
      %swap3A_137 = arith.constant 0 : index
      %swap3A_138 = tpu.vector_load %arg8[%swap3A_136, %swap3A_137] {strides = array<i32>} : memref<16x32xf32, #tpu.memory_space<vmem>>, vector<16xf32>,
      tpu.vector_store %arg8[%swap3A_136, %swap3A_137], %mul3A_134 {strides = array<i32>} : memref<16x32xf32, #tpu.memory_space<vmem>>, vector<16xf32>,
      %broadcast_in_dim3A_139 = arith.constant 10 : i32
      %broadcast_in_dim3A_140 = vector.broadcast %broadcast_in_dim3A_139 : i32 to vector<16xi32>
      %gather3A_141 = tpu.vector_load_idx %arg6[%broadcast_in_dim3A_140, %get3A_31] : memref<64x768xf32, #tpu.memory_space<vmem>>[vector<16xi32>, vector<16xi32>], vector<16xf32>,
      %broadcast_in_dim3A_142 = arith.constant 11 : i32
      %broadcast_in_dim3A_143 = vector.broadcast %broadcast_in_dim3A_142 : i32 to vector<16xi32>
      %gather3A_144 = tpu.vector_load_idx %arg6[%broadcast_in_dim3A_143, %get3A_31] : memref<64x768xf32, #tpu.memory_space<vmem>>[vector<16xi32>, vector<16xi32>], vector<16xf32>,
      %add3A_145 = arith.addf %gather3A_141, %gather3A_144 : vector<16xf32>
      %broadcast_in_dim3A_146 = arith.constant 42 : i32
      %broadcast_in_dim3A_147 = vector.broadcast %broadcast_in_dim3A_146 : i32 to vector<16xi32>
      %gather3A_148 = tpu.vector_load_idx %arg6[%broadcast_in_dim3A_147, %get3A_31] : memref<64x768xf32, #tpu.memory_space<vmem>>[vector<16xi32>, vector<16xi32>], vector<16xf32>,
      %add3A_149 = arith.addf %add3A_145, %gather3A_148 : vector<16xf32>
      %broadcast_in_dim3A_150 = arith.constant 43 : i32
      %broadcast_in_dim3A_151 = vector.broadcast %broadcast_in_dim3A_150 : i32 to vector<16xi32>
      %gather3A_152 = tpu.vector_load_idx %arg6[%broadcast_in_dim3A_151, %get3A_31] : memref<64x768xf32, #tpu.memory_space<vmem>>[vector<16xi32>, vector<16xi32>], vector<16xf32>,
      %add3A_153 = arith.addf %add3A_149, %gather3A_152 : vector<16xf32>
      %mul3A_154 = arith.constant 2.500000e-01 : f32
      %mul3A_155 = vector.broadcast %mul3A_154 : f32 to vector<16xf32>
      %mul3A_156 = arith.mulf %add3A_153, %mul3A_155 : vector<16xf32>
      %swap3A_157 = arith.constant 5 : i32
      %swap3A_158 = arith.index_cast %swap3A_157 : i32 to index
      %swap3A_159 = arith.constant 0 : index
      %swap3A_160 = tpu.vector_load %arg8[%swap3A_158, %swap3A_159] {strides = array<i32>} : memref<16x32xf32, #tpu.memory_space<vmem>>, vector<16xf32>,
      tpu.vector_store %arg8[%swap3A_158, %swap3A_159], %mul3A_156 {strides = array<i32>} : memref<16x32xf32, #tpu.memory_space<vmem>>, vector<16xf32>,
      %broadcast_in_dim3A_161 = arith.constant 12 : i32
      %broadcast_in_dim3A_162 = vector.broadcast %broadcast_in_dim3A_161 : i32 to vector<16xi32>
      %gather3A_163 = tpu.vector_load_idx %arg6[%broadcast_in_dim3A_162, %get3A_31] : memref<64x768xf32, #tpu.memory_space<vmem>>[vector<16xi32>, vector<16xi32>], vector<16xf32>,
      %broadcast_in_dim3A_164 = arith.constant 13 : i32
      %broadcast_in_dim3A_165 = vector.broadcast %broadcast_in_dim3A_164 : i32 to vector<16xi32>
      %gather3A_166 = tpu.vector_load_idx %arg6[%broadcast_in_dim3A_165, %get3A_31] : memref<64x768xf32, #tpu.memory_space<vmem>>[vector<16xi32>, vector<16xi32>], vector<16xf32>,
      %add3A_167 = arith.addf %gather3A_163, %gather3A_166 : vector<16xf32>
      %broadcast_in_dim3A_168 = arith.constant 44 : i32
      %broadcast_in_dim3A_169 = vector.broadcast %broadcast_in_dim3A_168 : i32 to vector<16xi32>
      %gather3A_170 = tpu.vector_load_idx %arg6[%broadcast_in_dim3A_169, %get3A_31] : memref<64x768xf32, #tpu.memory_space<vmem>>[vector<16xi32>, vector<16xi32>], vector<16xf32>,
      %add3A_171 = arith.addf %add3A_167, %gather3A_170 : vector<16xf32>
      %broadcast_in_dim3A_172 = arith.constant 45 : i32
      %broadcast_in_dim3A_173 = vector.broadcast %broadcast_in_dim3A_172 : i32 to vector<16xi32>
      %gather3A_174 = tpu.vector_load_idx %arg6[%broadcast_in_dim3A_173, %get3A_31] : memref<64x768xf32, #tpu.memory_space<vmem>>[vector<16xi32>, vector<16xi32>], vector<16xf32>,
      %add3A_175 = arith.addf %add3A_171, %gather3A_174 : vector<16xf32>
      %mul3A_176 = arith.constant 2.500000e-01 : f32
      %mul3A_177 = vector.broadcast %mul3A_176 : f32 to vector<16xf32>
      %mul3A_178 = arith.mulf %add3A_175, %mul3A_177 : vector<16xf32>
      %swap3A_179 = arith.constant 6 : i32
      %swap3A_180 = arith.index_cast %swap3A_179 : i32 to index
      %swap3A_181 = arith.constant 0 : index
      %swap3A_182 = tpu.vector_load %arg8[%swap3A_180, %swap3A_181] {strides = array<i32>} : memref<16x32xf32, #tpu.memory_space<vmem>>, vector<16xf32>,
      tpu.vector_store %arg8[%swap3A_180, %swap3A_181], %mul3A_178 {strides = array<i32>} : memref<16x32xf32, #tpu.memory_space<vmem>>, vector<16xf32>,
      %broadcast_in_dim3A_183 = arith.constant 14 : i32
      %broadcast_in_dim3A_184 = vector.broadcast %broadcast_in_dim3A_183 : i32 to vector<16xi32>
      %gather3A_185 = tpu.vector_load_idx %arg6[%broadcast_in_dim3A_184, %get3A_31] : memref<64x768xf32, #tpu.memory_space<vmem>>[vector<16xi32>, vector<16xi32>], vector<16xf32>,
      %broadcast_in_dim3A_186 = arith.constant 15 : i32
      %broadcast_in_dim3A_187 = vector.broadcast %broadcast_in_dim3A_186 : i32 to vector<16xi32>
      %gather3A_188 = tpu.vector_load_idx %arg6[%broadcast_in_dim3A_187, %get3A_31] : memref<64x768xf32, #tpu.memory_space<vmem>>[vector<16xi32>, vector<16xi32>], vector<16xf32>,
      %add3A_189 = arith.addf %gather3A_185, %gather3A_188 : vector<16xf32>
      %broadcast_in_dim3A_190 = arith.constant 46 : i32
      %broadcast_in_dim3A_191 = vector.broadcast %broadcast_in_dim3A_190 : i32 to vector<16xi32>
      %gather3A_192 = tpu.vector_load_idx %arg6[%broadcast_in_dim3A_191, %get3A_31] : memref<64x768xf32, #tpu.memory_space<vmem>>[vector<16xi32>, vector<16xi32>], vector<16xf32>,
      %add3A_193 = arith.addf %add3A_189, %gather3A_192 : vector<16xf32>
      %broadcast_in_dim3A_194 = arith.constant 47 : i32
      %broadcast_in_dim3A_195 = vector.broadcast %broadcast_in_dim3A_194 : i32 to vector<16xi32>
      %gather3A_196 = tpu.vector_load_idx %arg6[%broadcast_in_dim3A_195, %get3A_31] : memref<64x768xf32, #tpu.memory_space<vmem>>[vector<16xi32>, vector<16xi32>], vector<16xf32>,
      %add3A_197 = arith.addf %add3A_193, %gather3A_196 : vector<16xf32>
      %mul3A_198 = arith.constant 2.500000e-01 : f32
      %mul3A_199 = vector.broadcast %mul3A_198 : f32 to vector<16xf32>
      %mul3A_200 = arith.mulf %add3A_197, %mul3A_199 : vector<16xf32>
      %swap3A_201 = arith.constant 7 : i32
      %swap3A_202 = arith.index_cast %swap3A_201 : i32 to index
      %swap3A_203 = arith.constant 0 : index
      %swap3A_204 = tpu.vector_load %arg8[%swap3A_202, %swap3A_203] {strides = array<i32>} : memref<16x32xf32, #tpu.memory_space<vmem>>, vector<16xf32>,
      tpu.vector_store %arg8[%swap3A_202, %swap3A_203], %mul3A_200 {strides = array<i32>} : memref<16x32xf32, #tpu.memory_space<vmem>>, vector<16xf32>,
      %broadcast_in_dim3A_205 = arith.constant 16 : i32
      %broadcast_in_dim3A_206 = vector.broadcast %broadcast_in_dim3A_205 : i32 to vector<16xi32>
      %gather3A_207 = tpu.vector_load_idx %arg6[%broadcast_in_dim3A_206, %get3A_31] : memref<64x768xf32, #tpu.memory_space<vmem>>[vector<16xi32>, vector<16xi32>], vector<16xf32>,
      %broadcast_in_dim3A_208 = arith.constant 17 : i32
      %broadcast_in_dim3A_209 = vector.broadcast %broadcast_in_dim3A_208 : i32 to vector<16xi32>
      %gather3A_210 = tpu.vector_load_idx %arg6[%broadcast_in_dim3A_209, %get3A_31] : memref<64x768xf32, #tpu.memory_space<vmem>>[vector<16xi32>, vector<16xi32>], vector<16xf32>,
      %add3A_211 = arith.addf %gather3A_207, %gather3A_210 : vector<16xf32>
      %broadcast_in_dim3A_212 = arith.constant 48 : i32
      %broadcast_in_dim3A_213 = vector.broadcast %broadcast_in_dim3A_212 : i32 to vector<16xi32>
      %gather3A_214 = tpu.vector_load_idx %arg6[%broadcast_in_dim3A_213, %get3A_31] : memref<64x768xf32, #tpu.memory_space<vmem>>[vector<16xi32>, vector<16xi32>], vector<16xf32>,
      %add3A_215 = arith.addf %add3A_211, %gather3A_214 : vector<16xf32>
      %broadcast_in_dim3A_216 = arith.constant 49 : i32
      %broadcast_in_dim3A_217 = vector.broadcast %broadcast_in_dim3A_216 : i32 to vector<16xi32>
      %gather3A_218 = tpu.vector_load_idx %arg6[%broadcast_in_dim3A_217, %get3A_31] : memref<64x768xf32, #tpu.memory_space<vmem>>[vector<16xi32>, vector<16xi32>], vector<16xf32>,
      %add3A_219 = arith.addf %add3A_215, %gather3A_218 : vector<16xf32>
      %mul3A_220 = arith.constant 2.500000e-01 : f32
      %mul3A_221 = vector.broadcast %mul3A_220 : f32 to vector<16xf32>
      %mul3A_222 = arith.mulf %add3A_219, %mul3A_221 : vector<16xf32>
      %swap3A_223 = arith.constant 8 : i32
      %swap3A_224 = arith.index_cast %swap3A_223 : i32 to index
      %swap3A_225 = arith.constant 0 : index
      %swap3A_226 = tpu.vector_load %arg8[%swap3A_224, %swap3A_225] {strides = array<i32>} : memref<16x32xf32, #tpu.memory_space<vmem>>, vector<16xf32>,
      tpu.vector_store %arg8[%swap3A_224, %swap3A_225], %mul3A_222 {strides = array<i32>} : memref<16x32xf32, #tpu.memory_space<vmem>>, vector<16xf32>,
      %broadcast_in_dim3A_227 = arith.constant 18 : i32
      %broadcast_in_dim3A_228 = vector.broadcast %broadcast_in_dim3A_227 : i32 to vector<16xi32>
      %gather3A_229 = tpu.vector_load_idx %arg6[%broadcast_in_dim3A_228, %get3A_31] : memref<64x768xf32, #tpu.memory_space<vmem>>[vector<16xi32>, vector<16xi32>], vector<16xf32>,
      %broadcast_in_dim3A_230 = arith.constant 19 : i32
      %broadcast_in_dim3A_231 = vector.broadcast %broadcast_in_dim3A_230 : i32 to vector<16xi32>
      %gather3A_232 = tpu.vector_load_idx %arg6[%broadcast_in_dim3A_231, %get3A_31] : memref<64x768xf32, #tpu.memory_space<vmem>>[vector<16xi32>, vector<16xi32>], vector<16xf32>,
      %add3A_233 = arith.addf %gather3A_229, %gather3A_232 : vector<16xf32>
      %broadcast_in_dim3A_234 = arith.constant 50 : i32
      %broadcast_in_dim3A_235 = vector.broadcast %broadcast_in_dim3A_234 : i32 to vector<16xi32>
      %gather3A_236 = tpu.vector_load_idx %arg6[%broadcast_in_dim3A_235, %get3A_31] : memref<64x768xf32, #tpu.memory_space<vmem>>[vector<16xi32>, vector<16xi32>], vector<16xf32>,
      %add3A_237 = arith.addf %add3A_233, %gather3A_236 : vector<16xf32>
      %broadcast_in_dim3A_238 = arith.constant 51 : i32
      %broadcast_in_dim3A_239 = vector.broadcast %broadcast_in_dim3A_238 : i32 to vector<16xi32>
      %gather3A_240 = tpu.vector_load_idx %arg6[%broadcast_in_dim3A_239, %get3A_31] : memref<64x768xf32, #tpu.memory_space<vmem>>[vector<16xi32>, vector<16xi32>], vector<16xf32>,
      %add3A_241 = arith.addf %add3A_237, %gather3A_240 : vector<16xf32>
      %mul3A_242 = arith.constant 2.500000e-01 : f32
      %mul3A_243 = vector.broadcast %mul3A_242 : f32 to vector<16xf32>
      %mul3A_244 = arith.mulf %add3A_241, %mul3A_243 : vector<16xf32>
      %swap3A_245 = arith.constant 9 : i32
      %swap3A_246 = arith.index_cast %swap3A_245 : i32 to index
      %swap3A_247 = arith.constant 0 : index
      %swap3A_248 = tpu.vector_load %arg8[%swap3A_246, %swap3A_247] {strides = array<i32>} : memref<16x32xf32, #tpu.memory_space<vmem>>, vector<16xf32>,
      tpu.vector_store %arg8[%swap3A_246, %swap3A_247], %mul3A_244 {strides = array<i32>} : memref<16x32xf32, #tpu.memory_space<vmem>>, vector<16xf32>,
      %broadcast_in_dim3A_249 = arith.constant 20 : i32
      %broadcast_in_dim3A_250 = vector.broadcast %broadcast_in_dim3A_249 : i32 to vector<16xi32>
      %gather3A_251 = tpu.vector_load_idx %arg6[%broadcast_in_dim3A_250, %get3A_31] : memref<64x768xf32, #tpu.memory_space<vmem>>[vector<16xi32>, vector<16xi32>], vector<16xf32>,
      %broadcast_in_dim3A_252 = arith.constant 21 : i32
      %broadcast_in_dim3A_253 = vector.broadcast %broadcast_in_dim3A_252 : i32 to vector<16xi32>
      %gather3A_254 = tpu.vector_load_idx %arg6[%broadcast_in_dim3A_253, %get3A_31] : memref<64x768xf32, #tpu.memory_space<vmem>>[vector<16xi32>, vector<16xi32>], vector<16xf32>,
      %add3A_255 = arith.addf %gather3A_251, %gather3A_254 : vector<16xf32>
      %broadcast_in_dim3A_256 = arith.constant 52 : i32
      %broadcast_in_dim3A_257 = vector.broadcast %broadcast_in_dim3A_256 : i32 to vector<16xi32>
      %gather3A_258 = tpu.vector_load_idx %arg6[%broadcast_in_dim3A_257, %get3A_31] : memref<64x768xf32, #tpu.memory_space<vmem>>[vector<16xi32>, vector<16xi32>], vector<16xf32>,
      %add3A_259 = arith.addf %add3A_255, %gather3A_258 : vector<16xf32>
      %broadcast_in_dim3A_260 = arith.constant 53 : i32
      %broadcast_in_dim3A_261 = vector.broadcast %broadcast_in_dim3A_260 : i32 to vector<16xi32>
      %gather3A_262 = tpu.vector_load_idx %arg6[%broadcast_in_dim3A_261, %get3A_31] : memref<64x768xf32, #tpu.memory_space<vmem>>[vector<16xi32>, vector<16xi32>], vector<16xf32>,
      %add3A_263 = arith.addf %add3A_259, %gather3A_262 : vector<16xf32>
      %mul3A_264 = arith.constant 2.500000e-01 : f32
      %mul3A_265 = vector.broadcast %mul3A_264 : f32 to vector<16xf32>
      %mul3A_266 = arith.mulf %add3A_263, %mul3A_265 : vector<16xf32>
      %swap3A_267 = arith.constant 10 : i32
      %swap3A_268 = arith.index_cast %swap3A_267 : i32 to index
      %swap3A_269 = arith.constant 0 : index
      %swap3A_270 = tpu.vector_load %arg8[%swap3A_268, %swap3A_269] {strides = array<i32>} : memref<16x32xf32, #tpu.memory_space<vmem>>, vector<16xf32>,
      tpu.vector_store %arg8[%swap3A_268, %swap3A_269], %mul3A_266 {strides = array<i32>} : memref<16x32xf32, #tpu.memory_space<vmem>>, vector<16xf32>,
      %broadcast_in_dim3A_271 = arith.constant 22 : i32
      %broadcast_in_dim3A_272 = vector.broadcast %broadcast_in_dim3A_271 : i32 to vector<16xi32>
      %gather3A_273 = tpu.vector_load_idx %arg6[%broadcast_in_dim3A_272, %get3A_31] : memref<64x768xf32, #tpu.memory_space<vmem>>[vector<16xi32>, vector<16xi32>], vector<16xf32>,
      %broadcast_in_dim3A_274 = arith.constant 23 : i32
      %broadcast_in_dim3A_275 = vector.broadcast %broadcast_in_dim3A_274 : i32 to vector<16xi32>
      %gather3A_276 = tpu.vector_load_idx %arg6[%broadcast_in_dim3A_275, %get3A_31] : memref<64x768xf32, #tpu.memory_space<vmem>>[vector<16xi32>, vector<16xi32>], vector<16xf32>,
      %add3A_277 = arith.addf %gather3A_273, %gather3A_276 : vector<16xf32>
      %broadcast_in_dim3A_278 = arith.constant 54 : i32
      %broadcast_in_dim3A_279 = vector.broadcast %broadcast_in_dim3A_278 : i32 to vector<16xi32>
      %gather3A_280 = tpu.vector_load_idx %arg6[%broadcast_in_dim3A_279, %get3A_31] : memref<64x768xf32, #tpu.memory_space<vmem>>[vector<16xi32>, vector<16xi32>], vector<16xf32>,
      %add3A_281 = arith.addf %add3A_277, %gather3A_280 : vector<16xf32>
      %broadcast_in_dim3A_282 = arith.constant 55 : i32
      %broadcast_in_dim3A_283 = vector.broadcast %broadcast_in_dim3A_282 : i32 to vector<16xi32>
      %gather3A_284 = tpu.vector_load_idx %arg6[%broadcast_in_dim3A_283, %get3A_31] : memref<64x768xf32, #tpu.memory_space<vmem>>[vector<16xi32>, vector<16xi32>], vector<16xf32>,
      %add3A_285 = arith.addf %add3A_281, %gather3A_284 : vector<16xf32>
      %mul3A_286 = arith.constant 2.500000e-01 : f32
      %mul3A_287 = vector.broadcast %mul3A_286 : f32 to vector<16xf32>
      %mul3A_288 = arith.mulf %add3A_285, %mul3A_287 : vector<16xf32>
      %swap3A_289 = arith.constant 11 : i32
      %swap3A_290 = arith.index_cast %swap3A_289 : i32 to index
      %swap3A_291 = arith.constant 0 : index
      %swap3A_292 = tpu.vector_load %arg8[%swap3A_290, %swap3A_291] {strides = array<i32>} : memref<16x32xf32, #tpu.memory_space<vmem>>, vector<16xf32>,
      tpu.vector_store %arg8[%swap3A_290, %swap3A_291], %mul3A_288 {strides = array<i32>} : memref<16x32xf32, #tpu.memory_space<vmem>>, vector<16xf32>,
      %broadcast_in_dim3A_293 = arith.constant 24 : i32
      %broadcast_in_dim3A_294 = vector.broadcast %broadcast_in_dim3A_293 : i32 to vector<16xi32>
      %gather3A_295 = tpu.vector_load_idx %arg6[%broadcast_in_dim3A_294, %get3A_31] : memref<64x768xf32, #tpu.memory_space<vmem>>[vector<16xi32>, vector<16xi32>], vector<16xf32>,
      %broadcast_in_dim3A_296 = arith.constant 25 : i32
      %broadcast_in_dim3A_297 = vector.broadcast %broadcast_in_dim3A_296 : i32 to vector<16xi32>
      %gather3A_298 = tpu.vector_load_idx %arg6[%broadcast_in_dim3A_297, %get3A_31] : memref<64x768xf32, #tpu.memory_space<vmem>>[vector<16xi32>, vector<16xi32>], vector<16xf32>,
      %add3A_299 = arith.addf %gather3A_295, %gather3A_298 : vector<16xf32>
      %broadcast_in_dim3A_300 = arith.constant 56 : i32
      %broadcast_in_dim3A_301 = vector.broadcast %broadcast_in_dim3A_300 : i32 to vector<16xi32>
      %gather3A_302 = tpu.vector_load_idx %arg6[%broadcast_in_dim3A_301, %get3A_31] : memref<64x768xf32, #tpu.memory_space<vmem>>[vector<16xi32>, vector<16xi32>], vector<16xf32>,
      %add3A_303 = arith.addf %add3A_299, %gather3A_302 : vector<16xf32>
      %broadcast_in_dim3A_304 = arith.constant 57 : i32
      %broadcast_in_dim3A_305 = vector.broadcast %broadcast_in_dim3A_304 : i32 to vector<16xi32>
      %gather3A_306 = tpu.vector_load_idx %arg6[%broadcast_in_dim3A_305, %get3A_31] : memref<64x768xf32, #tpu.memory_space<vmem>>[vector<16xi32>, vector<16xi32>], vector<16xf32>,
      %add3A_307 = arith.addf %add3A_303, %gather3A_306 : vector<16xf32>
      %mul3A_308 = arith.constant 2.500000e-01 : f32
      %mul3A_309 = vector.broadcast %mul3A_308 : f32 to vector<16xf32>
      %mul3A_310 = arith.mulf %add3A_307, %mul3A_309 : vector<16xf32>
      %swap3A_311 = arith.constant 12 : i32
      %swap3A_312 = arith.index_cast %swap3A_311 : i32 to index
      %swap3A_313 = arith.constant 0 : index
      %swap3A_314 = tpu.vector_load %arg8[%swap3A_312, %swap3A_313] {strides = array<i32>} : memref<16x32xf32, #tpu.memory_space<vmem>>, vector<16xf32>,
      tpu.vector_store %arg8[%swap3A_312, %swap3A_313], %mul3A_310 {strides = array<i32>} : memref<16x32xf32, #tpu.memory_space<vmem>>, vector<16xf32>,
      %broadcast_in_dim3A_315 = arith.constant 26 : i32
      %broadcast_in_dim3A_316 = vector.broadcast %broadcast_in_dim3A_315 : i32 to vector<16xi32>
      %gather3A_317 = tpu.vector_load_idx %arg6[%broadcast_in_dim3A_316, %get3A_31] : memref<64x768xf32, #tpu.memory_space<vmem>>[vector<16xi32>, vector<16xi32>], vector<16xf32>,
      %broadcast_in_dim3A_318 = arith.constant 27 : i32
      %broadcast_in_dim3A_319 = vector.broadcast %broadcast_in_dim3A_318 : i32 to vector<16xi32>
      %gather3A_320 = tpu.vector_load_idx %arg6[%broadcast_in_dim3A_319, %get3A_31] : memref<64x768xf32, #tpu.memory_space<vmem>>[vector<16xi32>, vector<16xi32>], vector<16xf32>,
      %add3A_321 = arith.addf %gather3A_317, %gather3A_320 : vector<16xf32>
      %broadcast_in_dim3A_322 = arith.constant 58 : i32
      %broadcast_in_dim3A_323 = vector.broadcast %broadcast_in_dim3A_322 : i32 to vector<16xi32>
      %gather3A_324 = tpu.vector_load_idx %arg6[%broadcast_in_dim3A_323, %get3A_31] : memref<64x768xf32, #tpu.memory_space<vmem>>[vector<16xi32>, vector<16xi32>], vector<16xf32>,
      %add3A_325 = arith.addf %add3A_321, %gather3A_324 : vector<16xf32>
      %broadcast_in_dim3A_326 = arith.constant 59 : i32
      %broadcast_in_dim3A_327 = vector.broadcast %broadcast_in_dim3A_326 : i32 to vector<16xi32>
      %gather3A_328 = tpu.vector_load_idx %arg6[%broadcast_in_dim3A_327, %get3A_31] : memref<64x768xf32, #tpu.memory_space<vmem>>[vector<16xi32>, vector<16xi32>], vector<16xf32>,
      %add3A_329 = arith.addf %add3A_325, %gather3A_328 : vector<16xf32>
      %mul3A_330 = arith.constant 2.500000e-01 : f32
      %mul3A_331 = vector.broadcast %mul3A_330 : f32 to vector<16xf32>
      %mul3A_332 = arith.mulf %add3A_329, %mul3A_331 : vector<16xf32>
      %swap3A_333 = arith.constant 13 : i32
      %swap3A_334 = arith.index_cast %swap3A_333 : i32 to index
      %swap3A_335 = arith.constant 0 : index
      %swap3A_336 = tpu.vector_load %arg8[%swap3A_334, %swap3A_335] {strides = array<i32>} : memref<16x32xf32, #tpu.memory_space<vmem>>, vector<16xf32>,
      tpu.vector_store %arg8[%swap3A_334, %swap3A_335], %mul3A_332 {strides = array<i32>} : memref<16x32xf32, #tpu.memory_space<vmem>>, vector<16xf32>,
      %broadcast_in_dim3A_337 = arith.constant 28 : i32
      %broadcast_in_dim3A_338 = vector.broadcast %broadcast_in_dim3A_337 : i32 to vector<16xi32>
      %gather3A_339 = tpu.vector_load_idx %arg6[%broadcast_in_dim3A_338, %get3A_31] : memref<64x768xf32, #tpu.memory_space<vmem>>[vector<16xi32>, vector<16xi32>], vector<16xf32>,
      %broadcast_in_dim3A_340 = arith.constant 29 : i32
      %broadcast_in_dim3A_341 = vector.broadcast %broadcast_in_dim3A_340 : i32 to vector<16xi32>
      %gather3A_342 = tpu.vector_load_idx %arg6[%broadcast_in_dim3A_341, %get3A_31] : memref<64x768xf32, #tpu.memory_space<vmem>>[vector<16xi32>, vector<16xi32>], vector<16xf32>,
      %add3A_343 = arith.addf %gather3A_339, %gather3A_342 : vector<16xf32>
      %broadcast_in_dim3A_344 = arith.constant 60 : i32
      %broadcast_in_dim3A_345 = vector.broadcast %broadcast_in_dim3A_344 : i32 to vector<16xi32>
      %gather3A_346 = tpu.vector_load_idx %arg6[%broadcast_in_dim3A_345, %get3A_31] : memref<64x768xf32, #tpu.memory_space<vmem>>[vector<16xi32>, vector<16xi32>], vector<16xf32>,
      %add3A_347 = arith.addf %add3A_343, %gather3A_346 : vector<16xf32>
      %broadcast_in_dim3A_348 = arith.constant 61 : i32
      %broadcast_in_dim3A_349 = vector.broadcast %broadcast_in_dim3A_348 : i32 to vector<16xi32>
      %gather3A_350 = tpu.vector_load_idx %arg6[%broadcast_in_dim3A_349, %get3A_31] : memref<64x768xf32, #tpu.memory_space<vmem>>[vector<16xi32>, vector<16xi32>], vector<16xf32>,
      %add3A_351 = arith.addf %add3A_347, %gather3A_350 : vector<16xf32>
      %mul3A_352 = arith.constant 2.500000e-01 : f32
      %mul3A_353 = vector.broadcast %mul3A_352 : f32 to vector<16xf32>
      %mul3A_354 = arith.mulf %add3A_351, %mul3A_353 : vector<16xf32>
      %swap3A_355 = arith.constant 14 : i32
      %swap3A_356 = arith.index_cast %swap3A_355 : i32 to index
      %swap3A_357 = arith.constant 0 : index
      %swap3A_358 = tpu.vector_load %arg8[%swap3A_356, %swap3A_357] {strides = array<i32>} : memref<16x32xf32, #tpu.memory_space<vmem>>, vector<16xf32>,
      tpu.vector_store %arg8[%swap3A_356, %swap3A_357], %mul3A_354 {strides = array<i32>} : memref<16x32xf32, #tpu.memory_space<vmem>>, vector<16xf32>,
      %broadcast_in_dim3A_359 = arith.constant 30 : i32
      %broadcast_in_dim3A_360 = vector.broadcast %broadcast_in_dim3A_359 : i32 to vector<16xi32>
      %gather3A_361 = tpu.vector_load_idx %arg6[%broadcast_in_dim3A_360, %get3A_31] : memref<64x768xf32, #tpu.memory_space<vmem>>[vector<16xi32>, vector<16xi32>], vector<16xf32>,
      %broadcast_in_dim3A_362 = arith.constant 31 : i32
      %broadcast_in_dim3A_363 = vector.broadcast %broadcast_in_dim3A_362 : i32 to vector<16xi32>
      %gather3A_364 = tpu.vector_load_idx %arg6[%broadcast_in_dim3A_363, %get3A_31] : memref<64x768xf32, #tpu.memory_space<vmem>>[vector<16xi32>, vector<16xi32>], vector<16xf32>,
      %add3A_365 = arith.addf %gather3A_361, %gather3A_364 : vector<16xf32>
      %broadcast_in_dim3A_366 = arith.constant 62 : i32
      %broadcast_in_dim3A_367 = vector.broadcast %broadcast_in_dim3A_366 : i32 to vector<16xi32>
      %gather3A_368 = tpu.vector_load_idx %arg6[%broadcast_in_dim3A_367, %get3A_31] : memref<64x768xf32, #tpu.memory_space<vmem>>[vector<16xi32>, vector<16xi32>], vector<16xf32>,
      %add3A_369 = arith.addf %add3A_365, %gather3A_368 : vector<16xf32>
      %broadcast_in_dim3A_370 = arith.constant 63 : i32
      %broadcast_in_dim3A_371 = vector.broadcast %broadcast_in_dim3A_370 : i32 to vector<16xi32>
      %gather3A_372 = tpu.vector_load_idx %arg6[%broadcast_in_dim3A_371, %get3A_31] : memref<64x768xf32, #tpu.memory_space<vmem>>[vector<16xi32>, vector<16xi32>], vector<16xf32>,
      %add3A_373 = arith.addf %add3A_369, %gather3A_372 : vector<16xf32>
      %mul3A_374 = arith.constant 2.500000e-01 : f32
      %mul3A_375 = vector.broadcast %mul3A_374 : f32 to vector<16xf32>
      %mul3A_376 = arith.mulf %add3A_373, %mul3A_375 : vector<16xf32>
      %swap3A_377 = arith.constant 15 : i32
      %swap3A_378 = arith.index_cast %swap3A_377 : i32 to index
      %swap3A_379 = arith.constant 0 : index
      %swap3A_380 = tpu.vector_load %arg8[%swap3A_378, %swap3A_379] {strides = array<i32>} : memref<16x32xf32, #tpu.memory_space<vmem>>, vector<16xf32>,
      tpu.vector_store %arg8[%swap3A_378, %swap3A_379], %mul3A_376 {strides = array<i32>} : memref<16x32xf32, #tpu.memory_space<vmem>>, vector<16xf32>,
      %get3A_381 = arith.constant 1 : i32
      %get3A_382 = arith.index_cast %get3A_381 : i32 to index
      %get3A_383 = arith.constant 0 : index
      %get3A_384 = tpu.vector_load %arg5[%get3A_382, %get3A_383] {strides = array<i32>} : memref<2x16xi32, #tpu.memory_space<vmem>>, vector<16xi32>,
      %broadcast_in_dim3A_385 = arith.constant 0 : i32
      %broadcast_in_dim3A_386 = vector.broadcast %broadcast_in_dim3A_385 : i32 to vector<16xi32>
      %gather3A_387 = tpu.vector_load_idx %arg6[%broadcast_in_dim3A_386, %get3A_384] : memref<64x768xf32, #tpu.memory_space<vmem>>[vector<16xi32>, vector<16xi32>], vector<16xf32>,
      %broadcast_in_dim3A_388 = arith.constant 1 : i32
      %broadcast_in_dim3A_389 = vector.broadcast %broadcast_in_dim3A_388 : i32 to vector<16xi32>
      %gather3A_390 = tpu.vector_load_idx %arg6[%broadcast_in_dim3A_389, %get3A_384] : memref<64x768xf32, #tpu.memory_space<vmem>>[vector<16xi32>, vector<16xi32>], vector<16xf32>,
      %add3A_391 = arith.addf %gather3A_387, %gather3A_390 : vector<16xf32>
      %broadcast_in_dim3A_392 = arith.constant 32 : i32
      %broadcast_in_dim3A_393 = vector.broadcast %broadcast_in_dim3A_392 : i32 to vector<16xi32>
      %gather3A_394 = tpu.vector_load_idx %arg6[%broadcast_in_dim3A_393, %get3A_384] : memref<64x768xf32, #tpu.memory_space<vmem>>[vector<16xi32>, vector<16xi32>], vector<16xf32>,
      %add3A_395 = arith.addf %add3A_391, %gather3A_394 : vector<16xf32>
      %broadcast_in_dim3A_396 = arith.constant 33 : i32
      %broadcast_in_dim3A_397 = vector.broadcast %broadcast_in_dim3A_396 : i32 to vector<16xi32>
      %gather3A_398 = tpu.vector_load_idx %arg6[%broadcast_in_dim3A_397, %get3A_384] : memref<64x768xf32, #tpu.memory_space<vmem>>[vector<16xi32>, vector<16xi32>], vector<16xf32>,
      %add3A_399 = arith.addf %add3A_395, %gather3A_398 : vector<16xf32>
      %mul3A_400 = arith.constant 2.500000e-01 : f32
      %mul3A_401 = vector.broadcast %mul3A_400 : f32 to vector<16xf32>
      %mul3A_402 = arith.mulf %add3A_399, %mul3A_401 : vector<16xf32>
      %swap3A_403 = arith.constant 0 : i32
      %swap3A_404 = arith.index_cast %swap3A_403 : i32 to index
      %swap3A_405 = arith.constant 16 : index
      %swap3A_406 = tpu.vector_load %arg8[%swap3A_404, %swap3A_405] {strides = array<i32>} : memref<16x32xf32, #tpu.memory_space<vmem>>, vector<16xf32>,
      tpu.vector_store %arg8[%swap3A_404, %swap3A_405], %mul3A_402 {strides = array<i32>} : memref<16x32xf32, #tpu.memory_space<vmem>>, vector<16xf32>,
      %broadcast_in_dim3A_407 = arith.constant 2 : i32
      %broadcast_in_dim3A_408 = vector.broadcast %broadcast_in_dim3A_407 : i32 to vector<16xi32>
      %gather3A_409 = tpu.vector_load_idx %arg6[%broadcast_in_dim3A_408, %get3A_384] : memref<64x768xf32, #tpu.memory_space<vmem>>[vector<16xi32>, vector<16xi32>], vector<16xf32>,
      %broadcast_in_dim3A_410 = arith.constant 3 : i32
      %broadcast_in_dim3A_411 = vector.broadcast %broadcast_in_dim3A_410 : i32 to vector<16xi32>
      %gather3A_412 = tpu.vector_load_idx %arg6[%broadcast_in_dim3A_411, %get3A_384] : memref<64x768xf32, #tpu.memory_space<vmem>>[vector<16xi32>, vector<16xi32>], vector<16xf32>,
      %add3A_413 = arith.addf %gather3A_409, %gather3A_412 : vector<16xf32>
      %broadcast_in_dim3A_414 = arith.constant 34 : i32
      %broadcast_in_dim3A_415 = vector.broadcast %broadcast_in_dim3A_414 : i32 to vector<16xi32>
      %gather3A_416 = tpu.vector_load_idx %arg6[%broadcast_in_dim3A_415, %get3A_384] : memref<64x768xf32, #tpu.memory_space<vmem>>[vector<16xi32>, vector<16xi32>], vector<16xf32>,
      %add3A_417 = arith.addf %add3A_413, %gather3A_416 : vector<16xf32>
      %broadcast_in_dim3A_418 = arith.constant 35 : i32
      %broadcast_in_dim3A_419 = vector.broadcast %broadcast_in_dim3A_418 : i32 to vector<16xi32>
      %gather3A_420 = tpu.vector_load_idx %arg6[%broadcast_in_dim3A_419, %get3A_384] : memref<64x768xf32, #tpu.memory_space<vmem>>[vector<16xi32>, vector<16xi32>], vector<16xf32>,
      %add3A_421 = arith.addf %add3A_417, %gather3A_420 : vector<16xf32>
      %mul3A_422 = arith.constant 2.500000e-01 : f32
      %mul3A_423 = vector.broadcast %mul3A_422 : f32 to vector<16xf32>
      %mul3A_424 = arith.mulf %add3A_421, %mul3A_423 : vector<16xf32>
      %swap3A_425 = arith.constant 1 : i32
      %swap3A_426 = arith.index_cast %swap3A_425 : i32 to index
      %swap3A_427 = arith.constant 16 : index
      %swap3A_428 = tpu.vector_load %arg8[%swap3A_426, %swap3A_427] {strides = array<i32>} : memref<16x32xf32, #tpu.memory_space<vmem>>, vector<16xf32>,
      tpu.vector_store %arg8[%swap3A_426, %swap3A_427], %mul3A_424 {strides = array<i32>} : memref<16x32xf32, #tpu.memory_space<vmem>>, vector<16xf32>,
      %broadcast_in_dim3A_429 = arith.constant 4 : i32
      %broadcast_in_dim3A_430 = vector.broadcast %broadcast_in_dim3A_429 : i32 to vector<16xi32>
      %gather3A_431 = tpu.vector_load_idx %arg6[%broadcast_in_dim3A_430, %get3A_384] : memref<64x768xf32, #tpu.memory_space<vmem>>[vector<16xi32>, vector<16xi32>], vector<16xf32>,
      %broadcast_in_dim3A_432 = arith.constant 5 : i32
      %broadcast_in_dim3A_433 = vector.broadcast %broadcast_in_dim3A_432 : i32 to vector<16xi32>
      %gather3A_434 = tpu.vector_load_idx %arg6[%broadcast_in_dim3A_433, %get3A_384] : memref<64x768xf32, #tpu.memory_space<vmem>>[vector<16xi32>, vector<16xi32>], vector<16xf32>,
      %add3A_435 = arith.addf %gather3A_431, %gather3A_434 : vector<16xf32>
      %broadcast_in_dim3A_436 = arith.constant 36 : i32
      %broadcast_in_dim3A_437 = vector.broadcast %broadcast_in_dim3A_436 : i32 to vector<16xi32>
      %gather3A_438 = tpu.vector_load_idx %arg6[%broadcast_in_dim3A_437, %get3A_384] : memref<64x768xf32, #tpu.memory_space<vmem>>[vector<16xi32>, vector<16xi32>], vector<16xf32>,
      %add3A_439 = arith.addf %add3A_435, %gather3A_438 : vector<16xf32>
      %broadcast_in_dim3A_440 = arith.constant 37 : i32
      %broadcast_in_dim3A_441 = vector.broadcast %broadcast_in_dim3A_440 : i32 to vector<16xi32>
      %gather3A_442 = tpu.vector_load_idx %arg6[%broadcast_in_dim3A_441, %get3A_384] : memref<64x768xf32, #tpu.memory_space<vmem>>[vector<16xi32>, vector<16xi32>], vector<16xf32>,
      %add3A_443 = arith.addf %add3A_439, %gather3A_442 : vector<16xf32>
      %mul3A_444 = arith.constant 2.500000e-01 : f32
      %mul3A_445 = vector.broadcast %mul3A_444 : f32 to vector<16xf32>
      %mul3A_446 = arith.mulf %add3A_443, %mul3A_445 : vector<16xf32>
      %swap3A_447 = arith.constant 2 : i32
      %swap3A_448 = arith.index_cast %swap3A_447 : i32 to index
      %swap3A_449 = arith.constant 16 : index
      %swap3A_450 = tpu.vector_load %arg8[%swap3A_448, %swap3A_449] {strides = array<i32>} : memref<16x32xf32, #tpu.memory_space<vmem>>, vector<16xf32>,
      tpu.vector_store %arg8[%swap3A_448, %swap3A_449], %mul3A_446 {strides = array<i32>} : memref<16x32xf32, #tpu.memory_space<vmem>>, vector<16xf32>,
      %broadcast_in_dim3A_451 = arith.constant 6 : i32
      %broadcast_in_dim3A_452 = vector.broadcast %broadcast_in_dim3A_451 : i32 to vector<16xi32>
      %gather3A_453 = tpu.vector_load_idx %arg6[%broadcast_in_dim3A_452, %get3A_384] : memref<64x768xf32, #tpu.memory_space<vmem>>[vector<16xi32>, vector<16xi32>], vector<16xf32>,
      %broadcast_in_dim3A_454 = arith.constant 7 : i32
      %broadcast_in_dim3A_455 = vector.broadcast %broadcast_in_dim3A_454 : i32 to vector<16xi32>
      %gather3A_456 = tpu.vector_load_idx %arg6[%broadcast_in_dim3A_455, %get3A_384] : memref<64x768xf32, #tpu.memory_space<vmem>>[vector<16xi32>, vector<16xi32>], vector<16xf32>,
      %add3A_457 = arith.addf %gather3A_453, %gather3A_456 : vector<16xf32>
      %broadcast_in_dim3A_458 = arith.constant 38 : i32
      %broadcast_in_dim3A_459 = vector.broadcast %broadcast_in_dim3A_458 : i32 to vector<16xi32>
      %gather3A_460 = tpu.vector_load_idx %arg6[%broadcast_in_dim3A_459, %get3A_384] : memref<64x768xf32, #tpu.memory_space<vmem>>[vector<16xi32>, vector<16xi32>], vector<16xf32>,
      %add3A_461 = arith.addf %add3A_457, %gather3A_460 : vector<16xf32>
      %broadcast_in_dim3A_462 = arith.constant 39 : i32
      %broadcast_in_dim3A_463 = vector.broadcast %broadcast_in_dim3A_462 : i32 to vector<16xi32>
      %gather3A_464 = tpu.vector_load_idx %arg6[%broadcast_in_dim3A_463, %get3A_384] : memref<64x768xf32, #tpu.memory_space<vmem>>[vector<16xi32>, vector<16xi32>], vector<16xf32>,
      %add3A_465 = arith.addf %add3A_461, %gather3A_464 : vector<16xf32>
      %mul3A_466 = arith.constant 2.500000e-01 : f32
      %mul3A_467 = vector.broadcast %mul3A_466 : f32 to vector<16xf32>
      %mul3A_468 = arith.mulf %add3A_465, %mul3A_467 : vector<16xf32>
      %swap3A_469 = arith.constant 3 : i32
      %swap3A_470 = arith.index_cast %swap3A_469 : i32 to index
      %swap3A_471 = arith.constant 16 : index
      %swap3A_472 = tpu.vector_load %arg8[%swap3A_470, %swap3A_471] {strides = array<i32>} : memref<16x32xf32, #tpu.memory_space<vmem>>, vector<16xf32>,
      tpu.vector_store %arg8[%swap3A_470, %swap3A_471], %mul3A_468 {strides = array<i32>} : memref<16x32xf32, #tpu.memory_space<vmem>>, vector<16xf32>,
      %broadcast_in_dim3A_473 = arith.constant 8 : i32
      %broadcast_in_dim3A_474 = vector.broadcast %broadcast_in_dim3A_473 : i32 to vector<16xi32>
      %gather3A_475 = tpu.vector_load_idx %arg6[%broadcast_in_dim3A_474, %get3A_384] : memref<64x768xf32, #tpu.memory_space<vmem>>[vector<16xi32>, vector<16xi32>], vector<16xf32>,
      %broadcast_in_dim3A_476 = arith.constant 9 : i32
      %broadcast_in_dim3A_477 = vector.broadcast %broadcast_in_dim3A_476 : i32 to vector<16xi32>
      %gather3A_478 = tpu.vector_load_idx %arg6[%broadcast_in_dim3A_477, %get3A_384] : memref<64x768xf32, #tpu.memory_space<vmem>>[vector<16xi32>, vector<16xi32>], vector<16xf32>,
      %add3A_479 = arith.addf %gather3A_475, %gather3A_478 : vector<16xf32>
      %broadcast_in_dim3A_480 = arith.constant 40 : i32
      %broadcast_in_dim3A_481 = vector.broadcast %broadcast_in_dim3A_480 : i32 to vector<16xi32>
      %gather3A_482 = tpu.vector_load_idx %arg6[%broadcast_in_dim3A_481, %get3A_384] : memref<64x768xf32, #tpu.memory_space<vmem>>[vector<16xi32>, vector<16xi32>], vector<16xf32>,
      %add3A_483 = arith.addf %add3A_479, %gather3A_482 : vector<16xf32>
      %broadcast_in_dim3A_484 = arith.constant 41 : i32
      %broadcast_in_dim3A_485 = vector.broadcast %broadcast_in_dim3A_484 : i32 to vector<16xi32>
      %gather3A_486 = tpu.vector_load_idx %arg6[%broadcast_in_dim3A_485, %get3A_384] : memref<64x768xf32, #tpu.memory_space<vmem>>[vector<16xi32>, vector<16xi32>], vector<16xf32>,
      %add3A_487 = arith.addf %add3A_483, %gather3A_486 : vector<16xf32>
      %mul3A_488 = arith.constant 2.500000e-01 : f32
      %mul3A_489 = vector.broadcast %mul3A_488 : f32 to vector<16xf32>
      %mul3A_490 = arith.mulf %add3A_487, %mul3A_489 : vector<16xf32>
      %swap3A_491 = arith.constant 4 : i32
      %swap3A_492 = arith.index_cast %swap3A_491 : i32 to index
      %swap3A_493 = arith.constant 16 : index
      %swap3A_494 = tpu.vector_load %arg8[%swap3A_492, %swap3A_493] {strides = array<i32>} : memref<16x32xf32, #tpu.memory_space<vmem>>, vector<16xf32>,
      tpu.vector_store %arg8[%swap3A_492, %swap3A_493], %mul3A_490 {strides = array<i32>} : memref<16x32xf32, #tpu.memory_space<vmem>>, vector<16xf32>,
      %broadcast_in_dim3A_495 = arith.constant 10 : i32
      %broadcast_in_dim3A_496 = vector.broadcast %broadcast_in_dim3A_495 : i32 to vector<16xi32>
      %gather3A_497 = tpu.vector_load_idx %arg6[%broadcast_in_dim3A_496, %get3A_384] : memref<64x768xf32, #tpu.memory_space<vmem>>[vector<16xi32>, vector<16xi32>], vector<16xf32>,
      %broadcast_in_dim3A_498 = arith.constant 11 : i32
      %broadcast_in_dim3A_499 = vector.broadcast %broadcast_in_dim3A_498 : i32 to vector<16xi32>
      %gather3A_500 = tpu.vector_load_idx %arg6[%broadcast_in_dim3A_499, %get3A_384] : memref<64x768xf32, #tpu.memory_space<vmem>>[vector<16xi32>, vector<16xi32>], vector<16xf32>,
      %add3A_501 = arith.addf %gather3A_497, %gather3A_500 : vector<16xf32>
      %broadcast_in_dim3A_502 = arith.constant 42 : i32
      %broadcast_in_dim3A_503 = vector.broadcast %broadcast_in_dim3A_502 : i32 to vector<16xi32>
      %gather3A_504 = tpu.vector_load_idx %arg6[%broadcast_in_dim3A_503, %get3A_384] : memref<64x768xf32, #tpu.memory_space<vmem>>[vector<16xi32>, vector<16xi32>], vector<16xf32>,
      %add3A_505 = arith.addf %add3A_501, %gather3A_504 : vector<16xf32>
      %broadcast_in_dim3A_506 = arith.constant 43 : i32
      %broadcast_in_dim3A_507 = vector.broadcast %broadcast_in_dim3A_506 : i32 to vector<16xi32>
      %gather3A_508 = tpu.vector_load_idx %arg6[%broadcast_in_dim3A_507, %get3A_384] : memref<64x768xf32, #tpu.memory_space<vmem>>[vector<16xi32>, vector<16xi32>], vector<16xf32>,
      %add3A_509 = arith.addf %add3A_505, %gather3A_508 : vector<16xf32>
      %mul3A_510 = arith.constant 2.500000e-01 : f32
      %mul3A_511 = vector.broadcast %mul3A_510 : f32 to vector<16xf32>
      %mul3A_512 = arith.mulf %add3A_509, %mul3A_511 : vector<16xf32>
      %swap3A_513 = arith.constant 5 : i32
      %swap3A_514 = arith.index_cast %swap3A_513 : i32 to index
      %swap3A_515 = arith.constant 16 : index
      %swap3A_516 = tpu.vector_load %arg8[%swap3A_514, %swap3A_515] {strides = array<i32>} : memref<16x32xf32, #tpu.memory_space<vmem>>, vector<16xf32>,
      tpu.vector_store %arg8[%swap3A_514, %swap3A_515], %mul3A_512 {strides = array<i32>} : memref<16x32xf32, #tpu.memory_space<vmem>>, vector<16xf32>,
      %broadcast_in_dim3A_517 = arith.constant 12 : i32
      %broadcast_in_dim3A_518 = vector.broadcast %broadcast_in_dim3A_517 : i32 to vector<16xi32>
      %gather3A_519 = tpu.vector_load_idx %arg6[%broadcast_in_dim3A_518, %get3A_384] : memref<64x768xf32, #tpu.memory_space<vmem>>[vector<16xi32>, vector<16xi32>], vector<16xf32>,
      %broadcast_in_dim3A_520 = arith.constant 13 : i32
      %broadcast_in_dim3A_521 = vector.broadcast %broadcast_in_dim3A_520 : i32 to vector<16xi32>
      %gather3A_522 = tpu.vector_load_idx %arg6[%broadcast_in_dim3A_521, %get3A_384] : memref<64x768xf32, #tpu.memory_space<vmem>>[vector<16xi32>, vector<16xi32>], vector<16xf32>,
      %add3A_523 = arith.addf %gather3A_519, %gather3A_522 : vector<16xf32>
      %broadcast_in_dim3A_524 = arith.constant 44 : i32
      %broadcast_in_dim3A_525 = vector.broadcast %broadcast_in_dim3A_524 : i32 to vector<16xi32>
      %gather3A_526 = tpu.vector_load_idx %arg6[%broadcast_in_dim3A_525, %get3A_384] : memref<64x768xf32, #tpu.memory_space<vmem>>[vector<16xi32>, vector<16xi32>], vector<16xf32>,
      %add3A_527 = arith.addf %add3A_523, %gather3A_526 : vector<16xf32>
      %broadcast_in_dim3A_528 = arith.constant 45 : i32
      %broadcast_in_dim3A_529 = vector.broadcast %broadcast_in_dim3A_528 : i32 to vector<16xi32>
      %gather3A_530 = tpu.vector_load_idx %arg6[%broadcast_in_dim3A_529, %get3A_384] : memref<64x768xf32, #tpu.memory_space<vmem>>[vector<16xi32>, vector<16xi32>], vector<16xf32>,
      %add3A_531 = arith.addf %add3A_527, %gather3A_530 : vector<16xf32>
      %mul3A_532 = arith.constant 2.500000e-01 : f32
      %mul3A_533 = vector.broadcast %mul3A_532 : f32 to vector<16xf32>
      %mul3A_534 = arith.mulf %add3A_531, %mul3A_533 : vector<16xf32>
      %swap3A_535 = arith.constant 6 : i32
      %swap3A_536 = arith.index_cast %swap3A_535 : i32 to index
      %swap3A_537 = arith.constant 16 : index
      %swap3A_538 = tpu.vector_load %arg8[%swap3A_536, %swap3A_537] {strides = array<i32>} : memref<16x32xf32, #tpu.memory_space<vmem>>, vector<16xf32>,
      tpu.vector_store %arg8[%swap3A_536, %swap3A_537], %mul3A_534 {strides = array<i32>} : memref<16x32xf32, #tpu.memory_space<vmem>>, vector<16xf32>,
      %broadcast_in_dim3A_539 = arith.constant 14 : i32
      %broadcast_in_dim3A_540 = vector.broadcast %broadcast_in_dim3A_539 : i32 to vector<16xi32>
      %gather3A_541 = tpu.vector_load_idx %arg6[%broadcast_in_dim3A_540, %get3A_384] : memref<64x768xf32, #tpu.memory_space<vmem>>[vector<16xi32>, vector<16xi32>], vector<16xf32>,
      %broadcast_in_dim3A_542 = arith.constant 15 : i32
      %broadcast_in_dim3A_543 = vector.broadcast %broadcast_in_dim3A_542 : i32 to vector<16xi32>
      %gather3A_544 = tpu.vector_load_idx %arg6[%broadcast_in_dim3A_543, %get3A_384] : memref<64x768xf32, #tpu.memory_space<vmem>>[vector<16xi32>, vector<16xi32>], vector<16xf32>,
      %add3A_545 = arith.addf %gather3A_541, %gather3A_544 : vector<16xf32>
      %broadcast_in_dim3A_546 = arith.constant 46 : i32
      %broadcast_in_dim3A_547 = vector.broadcast %broadcast_in_dim3A_546 : i32 to vector<16xi32>
      %gather3A_548 = tpu.vector_load_idx %arg6[%broadcast_in_dim3A_547, %get3A_384] : memref<64x768xf32, #tpu.memory_space<vmem>>[vector<16xi32>, vector<16xi32>], vector<16xf32>,
      %add3A_549 = arith.addf %add3A_545, %gather3A_548 : vector<16xf32>
      %broadcast_in_dim3A_550 = arith.constant 47 : i32
      %broadcast_in_dim3A_551 = vector.broadcast %broadcast_in_dim3A_550 : i32 to vector<16xi32>
      %gather3A_552 = tpu.vector_load_idx %arg6[%broadcast_in_dim3A_551, %get3A_384] : memref<64x768xf32, #tpu.memory_space<vmem>>[vector<16xi32>, vector<16xi32>], vector<16xf32>,
      %add3A_553 = arith.addf %add3A_549, %gather3A_552 : vector<16xf32>
      %mul3A_554 = arith.constant 2.500000e-01 : f32
      %mul3A_555 = vector.broadcast %mul3A_554 : f32 to vector<16xf32>
      %mul3A_556 = arith.mulf %add3A_553, %mul3A_555 : vector<16xf32>
      %swap3A_557 = arith.constant 7 : i32
      %swap3A_558 = arith.index_cast %swap3A_557 : i32 to index
      %swap3A_559 = arith.constant 16 : index
      %swap3A_560 = tpu.vector_load %arg8[%swap3A_558, %swap3A_559] {strides = array<i32>} : memref<16x32xf32, #tpu.memory_space<vmem>>, vector<16xf32>,
      tpu.vector_store %arg8[%swap3A_558, %swap3A_559], %mul3A_556 {strides = array<i32>} : memref<16x32xf32, #tpu.memory_space<vmem>>, vector<16xf32>,
      %broadcast_in_dim3A_561 = arith.constant 16 : i32
      %broadcast_in_dim3A_562 = vector.broadcast %broadcast_in_dim3A_561 : i32 to vector<16xi32>
      %gather3A_563 = tpu.vector_load_idx %arg6[%broadcast_in_dim3A_562, %get3A_384] : memref<64x768xf32, #tpu.memory_space<vmem>>[vector<16xi32>, vector<16xi32>], vector<16xf32>,
      %broadcast_in_dim3A_564 = arith.constant 17 : i32
      %broadcast_in_dim3A_565 = vector.broadcast %broadcast_in_dim3A_564 : i32 to vector<16xi32>
      %gather3A_566 = tpu.vector_load_idx %arg6[%broadcast_in_dim3A_565, %get3A_384] : memref<64x768xf32, #tpu.memory_space<vmem>>[vector<16xi32>, vector<16xi32>], vector<16xf32>,
      %add3A_567 = arith.addf %gather3A_563, %gather3A_566 : vector<16xf32>
      %broadcast_in_dim3A_568 = arith.constant 48 : i32
      %broadcast_in_dim3A_569 = vector.broadcast %broadcast_in_dim3A_568 : i32 to vector<16xi32>
      %gather3A_570 = tpu.vector_load_idx %arg6[%broadcast_in_dim3A_569, %get3A_384] : memref<64x768xf32, #tpu.memory_space<vmem>>[vector<16xi32>, vector<16xi32>], vector<16xf32>,
      %add3A_571 = arith.addf %add3A_567, %gather3A_570 : vector<16xf32>
      %broadcast_in_dim3A_572 = arith.constant 49 : i32
      %broadcast_in_dim3A_573 = vector.broadcast %broadcast_in_dim3A_572 : i32 to vector<16xi32>
      %gather3A_574 = tpu.vector_load_idx %arg6[%broadcast_in_dim3A_573, %get3A_384] : memref<64x768xf32, #tpu.memory_space<vmem>>[vector<16xi32>, vector<16xi32>], vector<16xf32>,
      %add3A_575 = arith.addf %add3A_571, %gather3A_574 : vector<16xf32>
      %mul3A_576 = arith.constant 2.500000e-01 : f32
      %mul3A_577 = vector.broadcast %mul3A_576 : f32 to vector<16xf32>
      %mul3A_578 = arith.mulf %add3A_575, %mul3A_577 : vector<16xf32>
      %swap3A_579 = arith.constant 8 : i32
      %swap3A_580 = arith.index_cast %swap3A_579 : i32 to index
      %swap3A_581 = arith.constant 16 : index
      %swap3A_582 = tpu.vector_load %arg8[%swap3A_580, %swap3A_581] {strides = array<i32>} : memref<16x32xf32, #tpu.memory_space<vmem>>, vector<16xf32>,
      tpu.vector_store %arg8[%swap3A_580, %swap3A_581], %mul3A_578 {strides = array<i32>} : memref<16x32xf32, #tpu.memory_space<vmem>>, vector<16xf32>,
      %broadcast_in_dim3A_583 = arith.constant 18 : i32
      %broadcast_in_dim3A_584 = vector.broadcast %broadcast_in_dim3A_583 : i32 to vector<16xi32>
      %gather3A_585 = tpu.vector_load_idx %arg6[%broadcast_in_dim3A_584, %get3A_384] : memref<64x768xf32, #tpu.memory_space<vmem>>[vector<16xi32>, vector<16xi32>], vector<16xf32>,
      %broadcast_in_dim3A_586 = arith.constant 19 : i32
      %broadcast_in_dim3A_587 = vector.broadcast %broadcast_in_dim3A_586 : i32 to vector<16xi32>
      %gather3A_588 = tpu.vector_load_idx %arg6[%broadcast_in_dim3A_587, %get3A_384] : memref<64x768xf32, #tpu.memory_space<vmem>>[vector<16xi32>, vector<16xi32>], vector<16xf32>,
      %add3A_589 = arith.addf %gather3A_585, %gather3A_588 : vector<16xf32>
      %broadcast_in_dim3A_590 = arith.constant 50 : i32
      %broadcast_in_dim3A_591 = vector.broadcast %broadcast_in_dim3A_590 : i32 to vector<16xi32>
      %gather3A_592 = tpu.vector_load_idx %arg6[%broadcast_in_dim3A_591, %get3A_384] : memref<64x768xf32, #tpu.memory_space<vmem>>[vector<16xi32>, vector<16xi32>], vector<16xf32>,
      %add3A_593 = arith.addf %add3A_589, %gather3A_592 : vector<16xf32>
      %broadcast_in_dim3A_594 = arith.constant 51 : i32
      %broadcast_in_dim3A_595 = vector.broadcast %broadcast_in_dim3A_594 : i32 to vector<16xi32>
      %gather3A_596 = tpu.vector_load_idx %arg6[%broadcast_in_dim3A_595, %get3A_384] : memref<64x768xf32, #tpu.memory_space<vmem>>[vector<16xi32>, vector<16xi32>], vector<16xf32>,
      %add3A_597 = arith.addf %add3A_593, %gather3A_596 : vector<16xf32>
      %mul3A_598 = arith.constant 2.500000e-01 : f32
      %mul3A_599 = vector.broadcast %mul3A_598 : f32 to vector<16xf32>
      %mul3A_600 = arith.mulf %add3A_597, %mul3A_599 : vector<16xf32>
      %swap3A_601 = arith.constant 9 : i32
      %swap3A_602 = arith.index_cast %swap3A_601 : i32 to index
      %swap3A_603 = arith.constant 16 : index
      %swap3A_604 = tpu.vector_load %arg8[%swap3A_602, %swap3A_603] {strides = array<i32>} : memref<16x32xf32, #tpu.memory_space<vmem>>, vector<16xf32>,
      tpu.vector_store %arg8[%swap3A_602, %swap3A_603], %mul3A_600 {strides = array<i32>} : memref<16x32xf32, #tpu.memory_space<vmem>>, vector<16xf32>,
      %broadcast_in_dim3A_605 = arith.constant 20 : i32
      %broadcast_in_dim3A_606 = vector.broadcast %broadcast_in_dim3A_605 : i32 to vector<16xi32>
      %gather3A_607 = tpu.vector_load_idx %arg6[%broadcast_in_dim3A_606, %get3A_384] : memref<64x768xf32, #tpu.memory_space<vmem>>[vector<16xi32>, vector<16xi32>], vector<16xf32>,
      %broadcast_in_dim3A_608 = arith.constant 21 : i32
      %broadcast_in_dim3A_609 = vector.broadcast %broadcast_in_dim3A_608 : i32 to vector<16xi32>
      %gather3A_610 = tpu.vector_load_idx %arg6[%broadcast_in_dim3A_609, %get3A_384] : memref<64x768xf32, #tpu.memory_space<vmem>>[vector<16xi32>, vector<16xi32>], vector<16xf32>,
      %add3A_611 = arith.addf %gather3A_607, %gather3A_610 : vector<16xf32>
      %broadcast_in_dim3A_612 = arith.constant 52 : i32
      %broadcast_in_dim3A_613 = vector.broadcast %broadcast_in_dim3A_612 : i32 to vector<16xi32>
      %gather3A_614 = tpu.vector_load_idx %arg6[%broadcast_in_dim3A_613, %get3A_384] : memref<64x768xf32, #tpu.memory_space<vmem>>[vector<16xi32>, vector<16xi32>], vector<16xf32>,
      %add3A_615 = arith.addf %add3A_611, %gather3A_614 : vector<16xf32>
      %broadcast_in_dim3A_616 = arith.constant 53 : i32
      %broadcast_in_dim3A_617 = vector.broadcast %broadcast_in_dim3A_616 : i32 to vector<16xi32>
      %gather3A_618 = tpu.vector_load_idx %arg6[%broadcast_in_dim3A_617, %get3A_384] : memref<64x768xf32, #tpu.memory_space<vmem>>[vector<16xi32>, vector<16xi32>], vector<16xf32>,
      %add3A_619 = arith.addf %add3A_615, %gather3A_618 : vector<16xf32>
      %mul3A_620 = arith.constant 2.500000e-01 : f32
      %mul3A_621 = vector.broadcast %mul3A_620 : f32 to vector<16xf32>
      %mul3A_622 = arith.mulf %add3A_619, %mul3A_621 : vector<16xf32>
      %swap3A_623 = arith.constant 10 : i32
      %swap3A_624 = arith.index_cast %swap3A_623 : i32 to index
      %swap3A_625 = arith.constant 16 : index
      %swap3A_626 = tpu.vector_load %arg8[%swap3A_624, %swap3A_625] {strides = array<i32>} : memref<16x32xf32, #tpu.memory_space<vmem>>, vector<16xf32>,
      tpu.vector_store %arg8[%swap3A_624, %swap3A_625], %mul3A_622 {strides = array<i32>} : memref<16x32xf32, #tpu.memory_space<vmem>>, vector<16xf32>,
      %broadcast_in_dim3A_627 = arith.constant 22 : i32
      %broadcast_in_dim3A_628 = vector.broadcast %broadcast_in_dim3A_627 : i32 to vector<16xi32>
      %gather3A_629 = tpu.vector_load_idx %arg6[%broadcast_in_dim3A_628, %get3A_384] : memref<64x768xf32, #tpu.memory_space<vmem>>[vector<16xi32>, vector<16xi32>], vector<16xf32>,
      %broadcast_in_dim3A_630 = arith.constant 23 : i32
      %broadcast_in_dim3A_631 = vector.broadcast %broadcast_in_dim3A_630 : i32 to vector<16xi32>
      %gather3A_632 = tpu.vector_load_idx %arg6[%broadcast_in_dim3A_631, %get3A_384] : memref<64x768xf32, #tpu.memory_space<vmem>>[vector<16xi32>, vector<16xi32>], vector<16xf32>,
      %add3A_633 = arith.addf %gather3A_629, %gather3A_632 : vector<16xf32>
      %broadcast_in_dim3A_634 = arith.constant 54 : i32
      %broadcast_in_dim3A_635 = vector.broadcast %broadcast_in_dim3A_634 : i32 to vector<16xi32>
      %gather3A_636 = tpu.vector_load_idx %arg6[%broadcast_in_dim3A_635, %get3A_384] : memref<64x768xf32, #tpu.memory_space<vmem>>[vector<16xi32>, vector<16xi32>], vector<16xf32>,
      %add3A_637 = arith.addf %add3A_633, %gather3A_636 : vector<16xf32>
      %broadcast_in_dim3A_638 = arith.constant 55 : i32
      %broadcast_in_dim3A_639 = vector.broadcast %broadcast_in_dim3A_638 : i32 to vector<16xi32>
      %gather3A_640 = tpu.vector_load_idx %arg6[%broadcast_in_dim3A_639, %get3A_384] : memref<64x768xf32, #tpu.memory_space<vmem>>[vector<16xi32>, vector<16xi32>], vector<16xf32>,
      %add3A_641 = arith.addf %add3A_637, %gather3A_640 : vector<16xf32>
      %mul3A_642 = arith.constant 2.500000e-01 : f32
      %mul3A_643 = vector.broadcast %mul3A_642 : f32 to vector<16xf32>
      %mul3A_644 = arith.mulf %add3A_641, %mul3A_643 : vector<16xf32>
      %swap3A_645 = arith.constant 11 : i32
      %swap3A_646 = arith.index_cast %swap3A_645 : i32 to index
      %swap3A_647 = arith.constant 16 : index
      %swap3A_648 = tpu.vector_load %arg8[%swap3A_646, %swap3A_647] {strides = array<i32>} : memref<16x32xf32, #tpu.memory_space<vmem>>, vector<16xf32>,
      tpu.vector_store %arg8[%swap3A_646, %swap3A_647], %mul3A_644 {strides = array<i32>} : memref<16x32xf32, #tpu.memory_space<vmem>>, vector<16xf32>,
      %broadcast_in_dim3A_649 = arith.constant 24 : i32
      %broadcast_in_dim3A_650 = vector.broadcast %broadcast_in_dim3A_649 : i32 to vector<16xi32>
      %gather3A_651 = tpu.vector_load_idx %arg6[%broadcast_in_dim3A_650, %get3A_384] : memref<64x768xf32, #tpu.memory_space<vmem>>[vector<16xi32>, vector<16xi32>], vector<16xf32>,
      %broadcast_in_dim3A_652 = arith.constant 25 : i32
      %broadcast_in_dim3A_653 = vector.broadcast %broadcast_in_dim3A_652 : i32 to vector<16xi32>
      %gather3A_654 = tpu.vector_load_idx %arg6[%broadcast_in_dim3A_653, %get3A_384] : memref<64x768xf32, #tpu.memory_space<vmem>>[vector<16xi32>, vector<16xi32>], vector<16xf32>,
      %add3A_655 = arith.addf %gather3A_651, %gather3A_654 : vector<16xf32>
      %broadcast_in_dim3A_656 = arith.constant 56 : i32
      %broadcast_in_dim3A_657 = vector.broadcast %broadcast_in_dim3A_656 : i32 to vector<16xi32>
      %gather3A_658 = tpu.vector_load_idx %arg6[%broadcast_in_dim3A_657, %get3A_384] : memref<64x768xf32, #tpu.memory_space<vmem>>[vector<16xi32>, vector<16xi32>], vector<16xf32>,
      %add3A_659 = arith.addf %add3A_655, %gather3A_658 : vector<16xf32>
      %broadcast_in_dim3A_660 = arith.constant 57 : i32
      %broadcast_in_dim3A_661 = vector.broadcast %broadcast_in_dim3A_660 : i32 to vector<16xi32>
      %gather3A_662 = tpu.vector_load_idx %arg6[%broadcast_in_dim3A_661, %get3A_384] : memref<64x768xf32, #tpu.memory_space<vmem>>[vector<16xi32>, vector<16xi32>], vector<16xf32>,
      %add3A_663 = arith.addf %add3A_659, %gather3A_662 : vector<16xf32>
      %mul3A_664 = arith.constant 2.500000e-01 : f32
      %mul3A_665 = vector.broadcast %mul3A_664 : f32 to vector<16xf32>
      %mul3A_666 = arith.mulf %add3A_663, %mul3A_665 : vector<16xf32>
      %swap3A_667 = arith.constant 12 : i32
      %swap3A_668 = arith.index_cast %swap3A_667 : i32 to index
      %swap3A_669 = arith.constant 16 : index
      %swap3A_670 = tpu.vector_load %arg8[%swap3A_668, %swap3A_669] {strides = array<i32>} : memref<16x32xf32, #tpu.memory_space<vmem>>, vector<16xf32>,
      tpu.vector_store %arg8[%swap3A_668, %swap3A_669], %mul3A_666 {strides = array<i32>} : memref<16x32xf32, #tpu.memory_space<vmem>>, vector<16xf32>,
      %broadcast_in_dim3A_671 = arith.constant 26 : i32
      %broadcast_in_dim3A_672 = vector.broadcast %broadcast_in_dim3A_671 : i32 to vector<16xi32>
      %gather3A_673 = tpu.vector_load_idx %arg6[%broadcast_in_dim3A_672, %get3A_384] : memref<64x768xf32, #tpu.memory_space<vmem>>[vector<16xi32>, vector<16xi32>], vector<16xf32>,
      %broadcast_in_dim3A_674 = arith.constant 27 : i32
      %broadcast_in_dim3A_675 = vector.broadcast %broadcast_in_dim3A_674 : i32 to vector<16xi32>
      %gather3A_676 = tpu.vector_load_idx %arg6[%broadcast_in_dim3A_675, %get3A_384] : memref<64x768xf32, #tpu.memory_space<vmem>>[vector<16xi32>, vector<16xi32>], vector<16xf32>,
      %add3A_677 = arith.addf %gather3A_673, %gather3A_676 : vector<16xf32>
      %broadcast_in_dim3A_678 = arith.constant 58 : i32
      %broadcast_in_dim3A_679 = vector.broadcast %broadcast_in_dim3A_678 : i32 to vector<16xi32>
      %gather3A_680 = tpu.vector_load_idx %arg6[%broadcast_in_dim3A_679, %get3A_384] : memref<64x768xf32, #tpu.memory_space<vmem>>[vector<16xi32>, vector<16xi32>], vector<16xf32>,
      %add3A_681 = arith.addf %add3A_677, %gather3A_680 : vector<16xf32>
      %broadcast_in_dim3A_682 = arith.constant 59 : i32
      %broadcast_in_dim3A_683 = vector.broadcast %broadcast_in_dim3A_682 : i32 to vector<16xi32>
      %gather3A_684 = tpu.vector_load_idx %arg6[%broadcast_in_dim3A_683, %get3A_384] : memref<64x768xf32, #tpu.memory_space<vmem>>[vector<16xi32>, vector<16xi32>], vector<16xf32>,
      %add3A_685 = arith.addf %add3A_681, %gather3A_684 : vector<16xf32>
      %mul3A_686 = arith.constant 2.500000e-01 : f32
      %mul3A_687 = vector.broadcast %mul3A_686 : f32 to vector<16xf32>
      %mul3A_688 = arith.mulf %add3A_685, %mul3A_687 : vector<16xf32>
      %swap3A_689 = arith.constant 13 : i32
      %swap3A_690 = arith.index_cast %swap3A_689 : i32 to index
      %swap3A_691 = arith.constant 16 : index
      %swap3A_692 = tpu.vector_load %arg8[%swap3A_690, %swap3A_691] {strides = array<i32>} : memref<16x32xf32, #tpu.memory_space<vmem>>, vector<16xf32>,
      tpu.vector_store %arg8[%swap3A_690, %swap3A_691], %mul3A_688 {strides = array<i32>} : memref<16x32xf32, #tpu.memory_space<vmem>>, vector<16xf32>,
      %broadcast_in_dim3A_693 = arith.constant 28 : i32
      %broadcast_in_dim3A_694 = vector.broadcast %broadcast_in_dim3A_693 : i32 to vector<16xi32>
      %gather3A_695 = tpu.vector_load_idx %arg6[%broadcast_in_dim3A_694, %get3A_384] : memref<64x768xf32, #tpu.memory_space<vmem>>[vector<16xi32>, vector<16xi32>], vector<16xf32>,
      %broadcast_in_dim3A_696 = arith.constant 29 : i32
      %broadcast_in_dim3A_697 = vector.broadcast %broadcast_in_dim3A_696 : i32 to vector<16xi32>
      %gather3A_698 = tpu.vector_load_idx %arg6[%broadcast_in_dim3A_697, %get3A_384] : memref<64x768xf32, #tpu.memory_space<vmem>>[vector<16xi32>, vector<16xi32>], vector<16xf32>,
      %add3A_699 = arith.addf %gather3A_695, %gather3A_698 : vector<16xf32>
      %broadcast_in_dim3A_700 = arith.constant 60 : i32
      %broadcast_in_dim3A_701 = vector.broadcast %broadcast_in_dim3A_700 : i32 to vector<16xi32>
      %gather3A_702 = tpu.vector_load_idx %arg6[%broadcast_in_dim3A_701, %get3A_384] : memref<64x768xf32, #tpu.memory_space<vmem>>[vector<16xi32>, vector<16xi32>], vector<16xf32>,
      %add3A_703 = arith.addf %add3A_699, %gather3A_702 : vector<16xf32>
      %broadcast_in_dim3A_704 = arith.constant 61 : i32
      %broadcast_in_dim3A_705 = vector.broadcast %broadcast_in_dim3A_704 : i32 to vector<16xi32>
      %gather3A_706 = tpu.vector_load_idx %arg6[%broadcast_in_dim3A_705, %get3A_384] : memref<64x768xf32, #tpu.memory_space<vmem>>[vector<16xi32>, vector<16xi32>], vector<16xf32>,
      %add3A_707 = arith.addf %add3A_703, %gather3A_706 : vector<16xf32>
      %mul3A_708 = arith.constant 2.500000e-01 : f32
      %mul3A_709 = vector.broadcast %mul3A_708 : f32 to vector<16xf32>
      %mul3A_710 = arith.mulf %add3A_707, %mul3A_709 : vector<16xf32>
      %swap3A_711 = arith.constant 14 : i32
      %swap3A_712 = arith.index_cast %swap3A_711 : i32 to index
      %swap3A_713 = arith.constant 16 : index
      %swap3A_714 = tpu.vector_load %arg8[%swap3A_712, %swap3A_713] {strides = array<i32>} : memref<16x32xf32, #tpu.memory_space<vmem>>, vector<16xf32>,
      tpu.vector_store %arg8[%swap3A_712, %swap3A_713], %mul3A_710 {strides = array<i32>} : memref<16x32xf32, #tpu.memory_space<vmem>>, vector<16xf32>,
      %broadcast_in_dim3A_715 = arith.constant 30 : i32
      %broadcast_in_dim3A_716 = vector.broadcast %broadcast_in_dim3A_715 : i32 to vector<16xi32>
      %gather3A_717 = tpu.vector_load_idx %arg6[%broadcast_in_dim3A_716, %get3A_384] : memref<64x768xf32, #tpu.memory_space<vmem>>[vector<16xi32>, vector<16xi32>], vector<16xf32>,
      %broadcast_in_dim3A_718 = arith.constant 31 : i32
      %broadcast_in_dim3A_719 = vector.broadcast %broadcast_in_dim3A_718 : i32 to vector<16xi32>
      %gather3A_720 = tpu.vector_load_idx %arg6[%broadcast_in_dim3A_719, %get3A_384] : memref<64x768xf32, #tpu.memory_space<vmem>>[vector<16xi32>, vector<16xi32>], vector<16xf32>,
      %add3A_721 = arith.addf %gather3A_717, %gather3A_720 : vector<16xf32>
      %broadcast_in_dim3A_722 = arith.constant 62 : i32
      %broadcast_in_dim3A_723 = vector.broadcast %broadcast_in_dim3A_722 : i32 to vector<16xi32>
      %gather3A_724 = tpu.vector_load_idx %arg6[%broadcast_in_dim3A_723, %get3A_384] : memref<64x768xf32, #tpu.memory_space<vmem>>[vector<16xi32>, vector<16xi32>], vector<16xf32>,
      %add3A_725 = arith.addf %add3A_721, %gather3A_724 : vector<16xf32>
      %broadcast_in_dim3A_726 = arith.constant 63 : i32
      %broadcast_in_dim3A_727 = vector.broadcast %broadcast_in_dim3A_726 : i32 to vector<16xi32>
      %gather3A_728 = tpu.vector_load_idx %arg6[%broadcast_in_dim3A_727, %get3A_384] : memref<64x768xf32, #tpu.memory_space<vmem>>[vector<16xi32>, vector<16xi32>], vector<16xf32>,
      %add3A_729 = arith.addf %add3A_725, %gather3A_728 : vector<16xf32>
      %mul3A_730 = arith.constant 2.500000e-01 : f32
      %mul3A_731 = vector.broadcast %mul3A_730 : f32 to vector<16xf32>
      %mul3A_732 = arith.mulf %add3A_729, %mul3A_731 : vector<16xf32>
      %swap3A_733 = arith.constant 15 : i32
      %swap3A_734 = arith.index_cast %swap3A_733 : i32 to index
      %swap3A_735 = arith.constant 16 : index
      %swap3A_736 = tpu.vector_load %arg8[%swap3A_734, %swap3A_735] {strides = array<i32>} : memref<16x32xf32, #tpu.memory_space<vmem>>, vector<16xf32>,
      tpu.vector_store %arg8[%swap3A_734, %swap3A_735], %mul3A_732 {strides = array<i32>} : memref<16x32xf32, #tpu.memory_space<vmem>>, vector<16xf32>,
      %jit3A = arith.constant 16 : i32
      %div3A = arith.divsi %add3A_15, %jit3A : i32
      %sign3A = arith.constant 0 : i32
      %sign3A_737 = arith.cmpi sgt, %add3A_15, %sign3A : i32
      %sign3A_738 = arith.extui %sign3A_737 : i1 to i32
      %sign3A_739 = arith.constant 0 : i32
      %sign3A_740 = arith.cmpi slt, %add3A_15, %sign3A_739 : i32
      %sign3A_741 = arith.extui %sign3A_740 : i1 to i32
      %sign3A_742 = arith.subi %sign3A_738, %sign3A_741 : i32
      %sign3A_743 = arith.constant 0 : i32
      %sign3A_744 = arith.cmpi sgt, %jit3A, %sign3A_743 : i32
      %sign3A_745 = arith.extui %sign3A_744 : i1 to i32
      %sign3A_746 = arith.constant 0 : i32
      %sign3A_747 = arith.cmpi slt, %jit3A, %sign3A_746 : i32
      %sign3A_748 = arith.extui %sign3A_747 : i1 to i32
      %sign3A_749 = arith.subi %sign3A_745, %sign3A_748 : i32
      %ne3A = arith.cmpi ne, %sign3A_742, %sign3A_749 : i32
      %rem3A = arith.remsi %add3A_15, %jit3A : i32
      %ne3A_750 = arith.constant 0 : i32
      %ne3A_751 = arith.cmpi ne, %rem3A, %ne3A_750 : i32
      %and3A = arith.andi %ne3A, %ne3A_751 : i1
      %sub3A = arith.constant 1 : i32
      %sub3A_752 = arith.subi %div3A, %sub3A : i32
      %select_n3A = arith.select %and3A, %sub3A_752, %div3A : i32
      %jit3A_753 = arith.constant 16 : i32
      %eq3A = arith.constant 0 : i32
      %eq3A_754 = arith.cmpi eq, %jit3A_753, %eq3A : i32
      %jit3A_755 = arith.constant 1 : i32
      %select_n3A_756 = arith.select %eq3A_754, %jit3A_755, %jit3A_753 : i32
      %rem3A_757 = arith.remsi %add3A_15, %select_n3A_756 : i32
      %ne3A_758 = arith.constant 0 : i32
      %ne3A_759 = arith.cmpi ne, %rem3A_757, %ne3A_758 : i32
      %lt3A = arith.constant 0 : i32
      %lt3A_760 = arith.cmpi slt, %rem3A_757, %lt3A : i32
      %lt3A_761 = arith.constant 0 : i32
      %lt3A_762 = arith.cmpi slt, %select_n3A_756, %lt3A_761 : i32
      %ne3A_763 = arith.xori %lt3A_760, %lt3A_762 : i1
      %and3A_764 = arith.andi %ne3A_763, %ne3A_759 : i1
      %add3A_765 = arith.addi %rem3A_757, %select_n3A_756 : i32
      %select_n3A_766 = arith.select %and3A_764, %add3A_765, %rem3A_757 : i32
      %mul3A_767 = arith.constant 16 : i32
      %mul3A_768 = arith.muli %select_n3A_766, %mul3A_767 : i32
      "tpu.region"() ({
        %run_scoped3A = tpu.sem_alloc : memref<!tpu.dma_semaphore, #tpu.memory_space<semaphore_mem>>
        %dma_start3A_1534 = arith.constant 0 : i32
        %dma_start3A_1535 = tpu.memref_slice %arg4[%select_n3A, %mul3A_768, %dma_start3A_1534] : memref<32x256x32xf32, #tpu.memory_space<hbm>> -> memref<1x16x32xf32, #tpu.memory_space<hbm>>
        %dma_start3A_1536 = tpu.memref_squeeze %dma_start3A_1535 : memref<1x16x32xf32, #tpu.memory_space<hbm>> -> memref<16x32xf32, #tpu.memory_space<hbm>>
        %dma_start3A_1537 = arith.constant 0 : i32
        %dma_start3A_1538 = tpu.memref_slice %arg4[%select_n3A, %mul3A_768, %dma_start3A_1537] : memref<32x256x32xf32, #tpu.memory_space<hbm>> -> memref<1x16x32xf32, #tpu.memory_space<hbm>>
        %dma_start3A_1539 = tpu.memref_squeeze %dma_start3A_1538 : memref<1x16x32xf32, #tpu.memory_space<hbm>> -> memref<16x32xf32, #tpu.memory_space<hbm>>
        tpu.enqueue_dma source(%arg8 : memref<16x32xf32, #tpu.memory_space<vmem>>) target(%dma_start3A_1539 : memref<16x32xf32, #tpu.memory_space<hbm>>) target_semaphore(%run_scoped3A : memref<!tpu.dma_semaphore, #tpu.memory_space<semaphore_mem>>)
        %dma_wait3A_1540 = arith.constant 0 : i32
        %dma_wait3A_1541 = tpu.memref_slice %arg4[%select_n3A, %mul3A_768, %dma_wait3A_1540] : memref<32x256x32xf32, #tpu.memory_space<hbm>> -> memref<1x16x32xf32, #tpu.memory_space<hbm>>
        %dma_wait3A_1542 = tpu.memref_squeeze %dma_wait3A_1541 : memref<1x16x32xf32, #tpu.memory_space<hbm>> -> memref<16x32xf32, #tpu.memory_space<hbm>>
        %dma_wait3A_1543 = arith.constant 0 : i32
        %dma_wait3A_1544 = tpu.memref_slice %arg4[%select_n3A, %mul3A_768, %dma_wait3A_1543] : memref<32x256x32xf32, #tpu.memory_space<hbm>> -> memref<1x16x32xf32, #tpu.memory_space<hbm>>
        %dma_wait3A_1545 = tpu.memref_squeeze %dma_wait3A_1544 : memref<1x16x32xf32, #tpu.memory_space<hbm>> -> memref<16x32xf32, #tpu.memory_space<hbm>>
        tpu.wait_dma2 semaphore(%run_scoped3A : memref<!tpu.dma_semaphore, #tpu.memory_space<semaphore_mem>>) src(%arg8 : memref<16x32xf32, #tpu.memory_space<vmem>>) dst(%dma_wait3A_1545 : memref<16x32xf32, #tpu.memory_space<hbm>>)
        tpu.yield
      }) : () -> ()
      %lt3A_769 = arith.constant 7 : i32
      %lt3A_770 = arith.cmpi slt, %scan3A_12, %lt3A_769 : i32
      %convert_element_type3A = arith.extui %lt3A_770 : i1 to i32
      %cond3A = arith.constant 0 : i32
      %cond3A_771 = arith.cmpi ne, %convert_element_type3A, %cond3A : i32
      scf.if %cond3A_771 {
        %add3A_1534 = arith.constant 2 : i32
        %add3A_1535 = arith.addi %add3A_15, %add3A_1534 : i32
        %mul3A_1536 = arith.constant 64 : i32
        %mul3A_1537 = arith.muli %add3A_1535, %mul3A_1536 : i32
        %dma_start3A_1538 = arith.constant 0 : i32
        %dma_start3A_1539 = tpu.memref_slice %arg2[%mul3A_1537, %dma_start3A_1538] : memref<65536x768xf32, #tpu.memory_space<hbm>> -> memref<64x768xf32, #tpu.memory_space<hbm>>
        %dma_start3A_1540 = arith.constant 0 : i32
        %dma_start3A_1541 = tpu.memref_slice %arg2[%mul3A_1537, %dma_start3A_1540] : memref<65536x768xf32, #tpu.memory_space<hbm>> -> memref<64x768xf32, #tpu.memory_space<hbm>>
        tpu.enqueue_dma source(%dma_start3A_1541 : memref<64x768xf32, #tpu.memory_space<hbm>>) target(%arg6 : memref<64x768xf32, #tpu.memory_space<vmem>>) target_semaphore(%arg9 : memref<!tpu.dma_semaphore, #tpu.memory_space<semaphore_mem>>)
      } else {
      }
      %dma_wait3A_772 = arith.constant 0 : i32
      %dma_wait3A_773 = arith.constant 0 : i32
      %dma_wait3A_774 = tpu.memref_slice %arg2[%dma_wait3A_772, %dma_wait3A_773] : memref<65536x768xf32, #tpu.memory_space<hbm>> -> memref<64x768xf32, #tpu.memory_space<hbm>>
      %dma_wait3A_775 = arith.constant 0 : i32
      %dma_wait3A_776 = arith.constant 0 : i32
      %dma_wait3A_777 = tpu.memref_slice %arg2[%dma_wait3A_775, %dma_wait3A_776] : memref<65536x768xf32, #tpu.memory_space<hbm>> -> memref<64x768xf32, #tpu.memory_space<hbm>>
      tpu.wait_dma2 semaphore(%arg10 : memref<!tpu.dma_semaphore, #tpu.memory_space<semaphore_mem>>) src(%dma_wait3A_777 : memref<64x768xf32, #tpu.memory_space<hbm>>) dst(%arg7 : memref<64x768xf32, #tpu.memory_space<vmem>>)
      %get3A_778 = arith.constant 0 : i32
      %get3A_779 = arith.index_cast %get3A_778 : i32 to index
      %get3A_780 = arith.constant 0 : index
      %get3A_781 = tpu.vector_load %arg5[%get3A_779, %get3A_780] {strides = array<i32>} : memref<2x16xi32, #tpu.memory_space<vmem>>, vector<16xi32>,
      %broadcast_in_dim3A_782 = arith.constant 0 : i32
      %broadcast_in_dim3A_783 = vector.broadcast %broadcast_in_dim3A_782 : i32 to vector<16xi32>
      %gather3A_784 = tpu.vector_load_idx %arg7[%broadcast_in_dim3A_783, %get3A_781] : memref<64x768xf32, #tpu.memory_space<vmem>>[vector<16xi32>, vector<16xi32>], vector<16xf32>,
      %broadcast_in_dim3A_785 = arith.constant 1 : i32
      %broadcast_in_dim3A_786 = vector.broadcast %broadcast_in_dim3A_785 : i32 to vector<16xi32>
      %gather3A_787 = tpu.vector_load_idx %arg7[%broadcast_in_dim3A_786, %get3A_781] : memref<64x768xf32, #tpu.memory_space<vmem>>[vector<16xi32>, vector<16xi32>], vector<16xf32>,
      %add3A_788 = arith.addf %gather3A_784, %gather3A_787 : vector<16xf32>
      %broadcast_in_dim3A_789 = arith.constant 32 : i32
      %broadcast_in_dim3A_790 = vector.broadcast %broadcast_in_dim3A_789 : i32 to vector<16xi32>
      %gather3A_791 = tpu.vector_load_idx %arg7[%broadcast_in_dim3A_790, %get3A_781] : memref<64x768xf32, #tpu.memory_space<vmem>>[vector<16xi32>, vector<16xi32>], vector<16xf32>,
      %add3A_792 = arith.addf %add3A_788, %gather3A_791 : vector<16xf32>
      %broadcast_in_dim3A_793 = arith.constant 33 : i32
      %broadcast_in_dim3A_794 = vector.broadcast %broadcast_in_dim3A_793 : i32 to vector<16xi32>
      %gather3A_795 = tpu.vector_load_idx %arg7[%broadcast_in_dim3A_794, %get3A_781] : memref<64x768xf32, #tpu.memory_space<vmem>>[vector<16xi32>, vector<16xi32>], vector<16xf32>,
      %add3A_796 = arith.addf %add3A_792, %gather3A_795 : vector<16xf32>
      %mul3A_797 = arith.constant 2.500000e-01 : f32
      %mul3A_798 = vector.broadcast %mul3A_797 : f32 to vector<16xf32>
      %mul3A_799 = arith.mulf %add3A_796, %mul3A_798 : vector<16xf32>
      %swap3A_800 = arith.constant 0 : i32
      %swap3A_801 = arith.index_cast %swap3A_800 : i32 to index
      %swap3A_802 = arith.constant 0 : index
      %swap3A_803 = tpu.vector_load %arg8[%swap3A_801, %swap3A_802] {strides = array<i32>} : memref<16x32xf32, #tpu.memory_space<vmem>>, vector<16xf32>,
      tpu.vector_store %arg8[%swap3A_801, %swap3A_802], %mul3A_799 {strides = array<i32>} : memref<16x32xf32, #tpu.memory_space<vmem>>, vector<16xf32>,
      %broadcast_in_dim3A_804 = arith.constant 2 : i32
      %broadcast_in_dim3A_805 = vector.broadcast %broadcast_in_dim3A_804 : i32 to vector<16xi32>
      %gather3A_806 = tpu.vector_load_idx %arg7[%broadcast_in_dim3A_805, %get3A_781] : memref<64x768xf32, #tpu.memory_space<vmem>>[vector<16xi32>, vector<16xi32>], vector<16xf32>,
      %broadcast_in_dim3A_807 = arith.constant 3 : i32
      %broadcast_in_dim3A_808 = vector.broadcast %broadcast_in_dim3A_807 : i32 to vector<16xi32>
      %gather3A_809 = tpu.vector_load_idx %arg7[%broadcast_in_dim3A_808, %get3A_781] : memref<64x768xf32, #tpu.memory_space<vmem>>[vector<16xi32>, vector<16xi32>], vector<16xf32>,
      %add3A_810 = arith.addf %gather3A_806, %gather3A_809 : vector<16xf32>
      %broadcast_in_dim3A_811 = arith.constant 34 : i32
      %broadcast_in_dim3A_812 = vector.broadcast %broadcast_in_dim3A_811 : i32 to vector<16xi32>
      %gather3A_813 = tpu.vector_load_idx %arg7[%broadcast_in_dim3A_812, %get3A_781] : memref<64x768xf32, #tpu.memory_space<vmem>>[vector<16xi32>, vector<16xi32>], vector<16xf32>,
      %add3A_814 = arith.addf %add3A_810, %gather3A_813 : vector<16xf32>
      %broadcast_in_dim3A_815 = arith.constant 35 : i32
      %broadcast_in_dim3A_816 = vector.broadcast %broadcast_in_dim3A_815 : i32 to vector<16xi32>
      %gather3A_817 = tpu.vector_load_idx %arg7[%broadcast_in_dim3A_816, %get3A_781] : memref<64x768xf32, #tpu.memory_space<vmem>>[vector<16xi32>, vector<16xi32>], vector<16xf32>,
      %add3A_818 = arith.addf %add3A_814, %gather3A_817 : vector<16xf32>
      %mul3A_819 = arith.constant 2.500000e-01 : f32
      %mul3A_820 = vector.broadcast %mul3A_819 : f32 to vector<16xf32>
      %mul3A_821 = arith.mulf %add3A_818, %mul3A_820 : vector<16xf32>
      %swap3A_822 = arith.constant 1 : i32
      %swap3A_823 = arith.index_cast %swap3A_822 : i32 to index
      %swap3A_824 = arith.constant 0 : index
      %swap3A_825 = tpu.vector_load %arg8[%swap3A_823, %swap3A_824] {strides = array<i32>} : memref<16x32xf32, #tpu.memory_space<vmem>>, vector<16xf32>,
      tpu.vector_store %arg8[%swap3A_823, %swap3A_824], %mul3A_821 {strides = array<i32>} : memref<16x32xf32, #tpu.memory_space<vmem>>, vector<16xf32>,
      %broadcast_in_dim3A_826 = arith.constant 4 : i32
      %broadcast_in_dim3A_827 = vector.broadcast %broadcast_in_dim3A_826 : i32 to vector<16xi32>
      %gather3A_828 = tpu.vector_load_idx %arg7[%broadcast_in_dim3A_827, %get3A_781] : memref<64x768xf32, #tpu.memory_space<vmem>>[vector<16xi32>, vector<16xi32>], vector<16xf32>,
      %broadcast_in_dim3A_829 = arith.constant 5 : i32
      %broadcast_in_dim3A_830 = vector.broadcast %broadcast_in_dim3A_829 : i32 to vector<16xi32>
      %gather3A_831 = tpu.vector_load_idx %arg7[%broadcast_in_dim3A_830, %get3A_781] : memref<64x768xf32, #tpu.memory_space<vmem>>[vector<16xi32>, vector<16xi32>], vector<16xf32>,
      %add3A_832 = arith.addf %gather3A_828, %gather3A_831 : vector<16xf32>
      %broadcast_in_dim3A_833 = arith.constant 36 : i32
      %broadcast_in_dim3A_834 = vector.broadcast %broadcast_in_dim3A_833 : i32 to vector<16xi32>
      %gather3A_835 = tpu.vector_load_idx %arg7[%broadcast_in_dim3A_834, %get3A_781] : memref<64x768xf32, #tpu.memory_space<vmem>>[vector<16xi32>, vector<16xi32>], vector<16xf32>,
      %add3A_836 = arith.addf %add3A_832, %gather3A_835 : vector<16xf32>
      %broadcast_in_dim3A_837 = arith.constant 37 : i32
      %broadcast_in_dim3A_838 = vector.broadcast %broadcast_in_dim3A_837 : i32 to vector<16xi32>
      %gather3A_839 = tpu.vector_load_idx %arg7[%broadcast_in_dim3A_838, %get3A_781] : memref<64x768xf32, #tpu.memory_space<vmem>>[vector<16xi32>, vector<16xi32>], vector<16xf32>,
      %add3A_840 = arith.addf %add3A_836, %gather3A_839 : vector<16xf32>
      %mul3A_841 = arith.constant 2.500000e-01 : f32
      %mul3A_842 = vector.broadcast %mul3A_841 : f32 to vector<16xf32>
      %mul3A_843 = arith.mulf %add3A_840, %mul3A_842 : vector<16xf32>
      %swap3A_844 = arith.constant 2 : i32
      %swap3A_845 = arith.index_cast %swap3A_844 : i32 to index
      %swap3A_846 = arith.constant 0 : index
      %swap3A_847 = tpu.vector_load %arg8[%swap3A_845, %swap3A_846] {strides = array<i32>} : memref<16x32xf32, #tpu.memory_space<vmem>>, vector<16xf32>,
      tpu.vector_store %arg8[%swap3A_845, %swap3A_846], %mul3A_843 {strides = array<i32>} : memref<16x32xf32, #tpu.memory_space<vmem>>, vector<16xf32>,
      %broadcast_in_dim3A_848 = arith.constant 6 : i32
      %broadcast_in_dim3A_849 = vector.broadcast %broadcast_in_dim3A_848 : i32 to vector<16xi32>
      %gather3A_850 = tpu.vector_load_idx %arg7[%broadcast_in_dim3A_849, %get3A_781] : memref<64x768xf32, #tpu.memory_space<vmem>>[vector<16xi32>, vector<16xi32>], vector<16xf32>,
      %broadcast_in_dim3A_851 = arith.constant 7 : i32
      %broadcast_in_dim3A_852 = vector.broadcast %broadcast_in_dim3A_851 : i32 to vector<16xi32>
      %gather3A_853 = tpu.vector_load_idx %arg7[%broadcast_in_dim3A_852, %get3A_781] : memref<64x768xf32, #tpu.memory_space<vmem>>[vector<16xi32>, vector<16xi32>], vector<16xf32>,
      %add3A_854 = arith.addf %gather3A_850, %gather3A_853 : vector<16xf32>
      %broadcast_in_dim3A_855 = arith.constant 38 : i32
      %broadcast_in_dim3A_856 = vector.broadcast %broadcast_in_dim3A_855 : i32 to vector<16xi32>
      %gather3A_857 = tpu.vector_load_idx %arg7[%broadcast_in_dim3A_856, %get3A_781] : memref<64x768xf32, #tpu.memory_space<vmem>>[vector<16xi32>, vector<16xi32>], vector<16xf32>,
      %add3A_858 = arith.addf %add3A_854, %gather3A_857 : vector<16xf32>
      %broadcast_in_dim3A_859 = arith.constant 39 : i32
      %broadcast_in_dim3A_860 = vector.broadcast %broadcast_in_dim3A_859 : i32 to vector<16xi32>
      %gather3A_861 = tpu.vector_load_idx %arg7[%broadcast_in_dim3A_860, %get3A_781] : memref<64x768xf32, #tpu.memory_space<vmem>>[vector<16xi32>, vector<16xi32>], vector<16xf32>,
      %add3A_862 = arith.addf %add3A_858, %gather3A_861 : vector<16xf32>
      %mul3A_863 = arith.constant 2.500000e-01 : f32
      %mul3A_864 = vector.broadcast %mul3A_863 : f32 to vector<16xf32>
      %mul3A_865 = arith.mulf %add3A_862, %mul3A_864 : vector<16xf32>
      %swap3A_866 = arith.constant 3 : i32
      %swap3A_867 = arith.index_cast %swap3A_866 : i32 to index
      %swap3A_868 = arith.constant 0 : index
      %swap3A_869 = tpu.vector_load %arg8[%swap3A_867, %swap3A_868] {strides = array<i32>} : memref<16x32xf32, #tpu.memory_space<vmem>>, vector<16xf32>,
      tpu.vector_store %arg8[%swap3A_867, %swap3A_868], %mul3A_865 {strides = array<i32>} : memref<16x32xf32, #tpu.memory_space<vmem>>, vector<16xf32>,
      %broadcast_in_dim3A_870 = arith.constant 8 : i32
      %broadcast_in_dim3A_871 = vector.broadcast %broadcast_in_dim3A_870 : i32 to vector<16xi32>
      %gather3A_872 = tpu.vector_load_idx %arg7[%broadcast_in_dim3A_871, %get3A_781] : memref<64x768xf32, #tpu.memory_space<vmem>>[vector<16xi32>, vector<16xi32>], vector<16xf32>,
      %broadcast_in_dim3A_873 = arith.constant 9 : i32
      %broadcast_in_dim3A_874 = vector.broadcast %broadcast_in_dim3A_873 : i32 to vector<16xi32>
      %gather3A_875 = tpu.vector_load_idx %arg7[%broadcast_in_dim3A_874, %get3A_781] : memref<64x768xf32, #tpu.memory_space<vmem>>[vector<16xi32>, vector<16xi32>], vector<16xf32>,
      %add3A_876 = arith.addf %gather3A_872, %gather3A_875 : vector<16xf32>
      %broadcast_in_dim3A_877 = arith.constant 40 : i32
      %broadcast_in_dim3A_878 = vector.broadcast %broadcast_in_dim3A_877 : i32 to vector<16xi32>
      %gather3A_879 = tpu.vector_load_idx %arg7[%broadcast_in_dim3A_878, %get3A_781] : memref<64x768xf32, #tpu.memory_space<vmem>>[vector<16xi32>, vector<16xi32>], vector<16xf32>,
      %add3A_880 = arith.addf %add3A_876, %gather3A_879 : vector<16xf32>
      %broadcast_in_dim3A_881 = arith.constant 41 : i32
      %broadcast_in_dim3A_882 = vector.broadcast %broadcast_in_dim3A_881 : i32 to vector<16xi32>
      %gather3A_883 = tpu.vector_load_idx %arg7[%broadcast_in_dim3A_882, %get3A_781] : memref<64x768xf32, #tpu.memory_space<vmem>>[vector<16xi32>, vector<16xi32>], vector<16xf32>,
      %add3A_884 = arith.addf %add3A_880, %gather3A_883 : vector<16xf32>
      %mul3A_885 = arith.constant 2.500000e-01 : f32
      %mul3A_886 = vector.broadcast %mul3A_885 : f32 to vector<16xf32>
      %mul3A_887 = arith.mulf %add3A_884, %mul3A_886 : vector<16xf32>
      %swap3A_888 = arith.constant 4 : i32
      %swap3A_889 = arith.index_cast %swap3A_888 : i32 to index
      %swap3A_890 = arith.constant 0 : index
      %swap3A_891 = tpu.vector_load %arg8[%swap3A_889, %swap3A_890] {strides = array<i32>} : memref<16x32xf32, #tpu.memory_space<vmem>>, vector<16xf32>,
      tpu.vector_store %arg8[%swap3A_889, %swap3A_890], %mul3A_887 {strides = array<i32>} : memref<16x32xf32, #tpu.memory_space<vmem>>, vector<16xf32>,
      %broadcast_in_dim3A_892 = arith.constant 10 : i32
      %broadcast_in_dim3A_893 = vector.broadcast %broadcast_in_dim3A_892 : i32 to vector<16xi32>
      %gather3A_894 = tpu.vector_load_idx %arg7[%broadcast_in_dim3A_893, %get3A_781] : memref<64x768xf32, #tpu.memory_space<vmem>>[vector<16xi32>, vector<16xi32>], vector<16xf32>,
      %broadcast_in_dim3A_895 = arith.constant 11 : i32
      %broadcast_in_dim3A_896 = vector.broadcast %broadcast_in_dim3A_895 : i32 to vector<16xi32>
      %gather3A_897 = tpu.vector_load_idx %arg7[%broadcast_in_dim3A_896, %get3A_781] : memref<64x768xf32, #tpu.memory_space<vmem>>[vector<16xi32>, vector<16xi32>], vector<16xf32>,
      %add3A_898 = arith.addf %gather3A_894, %gather3A_897 : vector<16xf32>
      %broadcast_in_dim3A_899 = arith.constant 42 : i32
      %broadcast_in_dim3A_900 = vector.broadcast %broadcast_in_dim3A_899 : i32 to vector<16xi32>
      %gather3A_901 = tpu.vector_load_idx %arg7[%broadcast_in_dim3A_900, %get3A_781] : memref<64x768xf32, #tpu.memory_space<vmem>>[vector<16xi32>, vector<16xi32>], vector<16xf32>,
      %add3A_902 = arith.addf %add3A_898, %gather3A_901 : vector<16xf32>
      %broadcast_in_dim3A_903 = arith.constant 43 : i32
      %broadcast_in_dim3A_904 = vector.broadcast %broadcast_in_dim3A_903 : i32 to vector<16xi32>
      %gather3A_905 = tpu.vector_load_idx %arg7[%broadcast_in_dim3A_904, %get3A_781] : memref<64x768xf32, #tpu.memory_space<vmem>>[vector<16xi32>, vector<16xi32>], vector<16xf32>,
      %add3A_906 = arith.addf %add3A_902, %gather3A_905 : vector<16xf32>
      %mul3A_907 = arith.constant 2.500000e-01 : f32
      %mul3A_908 = vector.broadcast %mul3A_907 : f32 to vector<16xf32>
      %mul3A_909 = arith.mulf %add3A_906, %mul3A_908 : vector<16xf32>
      %swap3A_910 = arith.constant 5 : i32
      %swap3A_911 = arith.index_cast %swap3A_910 : i32 to index
      %swap3A_912 = arith.constant 0 : index
      %swap3A_913 = tpu.vector_load %arg8[%swap3A_911, %swap3A_912] {strides = array<i32>} : memref<16x32xf32, #tpu.memory_space<vmem>>, vector<16xf32>,
      tpu.vector_store %arg8[%swap3A_911, %swap3A_912], %mul3A_909 {strides = array<i32>} : memref<16x32xf32, #tpu.memory_space<vmem>>, vector<16xf32>,
      %broadcast_in_dim3A_914 = arith.constant 12 : i32
      %broadcast_in_dim3A_915 = vector.broadcast %broadcast_in_dim3A_914 : i32 to vector<16xi32>
      %gather3A_916 = tpu.vector_load_idx %arg7[%broadcast_in_dim3A_915, %get3A_781] : memref<64x768xf32, #tpu.memory_space<vmem>>[vector<16xi32>, vector<16xi32>], vector<16xf32>,
      %broadcast_in_dim3A_917 = arith.constant 13 : i32
      %broadcast_in_dim3A_918 = vector.broadcast %broadcast_in_dim3A_917 : i32 to vector<16xi32>
      %gather3A_919 = tpu.vector_load_idx %arg7[%broadcast_in_dim3A_918, %get3A_781] : memref<64x768xf32, #tpu.memory_space<vmem>>[vector<16xi32>, vector<16xi32>], vector<16xf32>,
      %add3A_920 = arith.addf %gather3A_916, %gather3A_919 : vector<16xf32>
      %broadcast_in_dim3A_921 = arith.constant 44 : i32
      %broadcast_in_dim3A_922 = vector.broadcast %broadcast_in_dim3A_921 : i32 to vector<16xi32>
      %gather3A_923 = tpu.vector_load_idx %arg7[%broadcast_in_dim3A_922, %get3A_781] : memref<64x768xf32, #tpu.memory_space<vmem>>[vector<16xi32>, vector<16xi32>], vector<16xf32>,
      %add3A_924 = arith.addf %add3A_920, %gather3A_923 : vector<16xf32>
      %broadcast_in_dim3A_925 = arith.constant 45 : i32
      %broadcast_in_dim3A_926 = vector.broadcast %broadcast_in_dim3A_925 : i32 to vector<16xi32>
      %gather3A_927 = tpu.vector_load_idx %arg7[%broadcast_in_dim3A_926, %get3A_781] : memref<64x768xf32, #tpu.memory_space<vmem>>[vector<16xi32>, vector<16xi32>], vector<16xf32>,
      %add3A_928 = arith.addf %add3A_924, %gather3A_927 : vector<16xf32>
      %mul3A_929 = arith.constant 2.500000e-01 : f32
      %mul3A_930 = vector.broadcast %mul3A_929 : f32 to vector<16xf32>
      %mul3A_931 = arith.mulf %add3A_928, %mul3A_930 : vector<16xf32>
      %swap3A_932 = arith.constant 6 : i32
      %swap3A_933 = arith.index_cast %swap3A_932 : i32 to index
      %swap3A_934 = arith.constant 0 : index
      %swap3A_935 = tpu.vector_load %arg8[%swap3A_933, %swap3A_934] {strides = array<i32>} : memref<16x32xf32, #tpu.memory_space<vmem>>, vector<16xf32>,
      tpu.vector_store %arg8[%swap3A_933, %swap3A_934], %mul3A_931 {strides = array<i32>} : memref<16x32xf32, #tpu.memory_space<vmem>>, vector<16xf32>,
      %broadcast_in_dim3A_936 = arith.constant 14 : i32
      %broadcast_in_dim3A_937 = vector.broadcast %broadcast_in_dim3A_936 : i32 to vector<16xi32>
      %gather3A_938 = tpu.vector_load_idx %arg7[%broadcast_in_dim3A_937, %get3A_781] : memref<64x768xf32, #tpu.memory_space<vmem>>[vector<16xi32>, vector<16xi32>], vector<16xf32>,
      %broadcast_in_dim3A_939 = arith.constant 15 : i32
      %broadcast_in_dim3A_940 = vector.broadcast %broadcast_in_dim3A_939 : i32 to vector<16xi32>
      %gather3A_941 = tpu.vector_load_idx %arg7[%broadcast_in_dim3A_940, %get3A_781] : memref<64x768xf32, #tpu.memory_space<vmem>>[vector<16xi32>, vector<16xi32>], vector<16xf32>,
      %add3A_942 = arith.addf %gather3A_938, %gather3A_941 : vector<16xf32>
      %broadcast_in_dim3A_943 = arith.constant 46 : i32
      %broadcast_in_dim3A_944 = vector.broadcast %broadcast_in_dim3A_943 : i32 to vector<16xi32>
      %gather3A_945 = tpu.vector_load_idx %arg7[%broadcast_in_dim3A_944, %get3A_781] : memref<64x768xf32, #tpu.memory_space<vmem>>[vector<16xi32>, vector<16xi32>], vector<16xf32>,
      %add3A_946 = arith.addf %add3A_942, %gather3A_945 : vector<16xf32>
      %broadcast_in_dim3A_947 = arith.constant 47 : i32
      %broadcast_in_dim3A_948 = vector.broadcast %broadcast_in_dim3A_947 : i32 to vector<16xi32>
      %gather3A_949 = tpu.vector_load_idx %arg7[%broadcast_in_dim3A_948, %get3A_781] : memref<64x768xf32, #tpu.memory_space<vmem>>[vector<16xi32>, vector<16xi32>], vector<16xf32>,
      %add3A_950 = arith.addf %add3A_946, %gather3A_949 : vector<16xf32>
      %mul3A_951 = arith.constant 2.500000e-01 : f32
      %mul3A_952 = vector.broadcast %mul3A_951 : f32 to vector<16xf32>
      %mul3A_953 = arith.mulf %add3A_950, %mul3A_952 : vector<16xf32>
      %swap3A_954 = arith.constant 7 : i32
      %swap3A_955 = arith.index_cast %swap3A_954 : i32 to index
      %swap3A_956 = arith.constant 0 : index
      %swap3A_957 = tpu.vector_load %arg8[%swap3A_955, %swap3A_956] {strides = array<i32>} : memref<16x32xf32, #tpu.memory_space<vmem>>, vector<16xf32>,
      tpu.vector_store %arg8[%swap3A_955, %swap3A_956], %mul3A_953 {strides = array<i32>} : memref<16x32xf32, #tpu.memory_space<vmem>>, vector<16xf32>,
      %broadcast_in_dim3A_958 = arith.constant 16 : i32
      %broadcast_in_dim3A_959 = vector.broadcast %broadcast_in_dim3A_958 : i32 to vector<16xi32>
      %gather3A_960 = tpu.vector_load_idx %arg7[%broadcast_in_dim3A_959, %get3A_781] : memref<64x768xf32, #tpu.memory_space<vmem>>[vector<16xi32>, vector<16xi32>], vector<16xf32>,
      %broadcast_in_dim3A_961 = arith.constant 17 : i32
      %broadcast_in_dim3A_962 = vector.broadcast %broadcast_in_dim3A_961 : i32 to vector<16xi32>
      %gather3A_963 = tpu.vector_load_idx %arg7[%broadcast_in_dim3A_962, %get3A_781] : memref<64x768xf32, #tpu.memory_space<vmem>>[vector<16xi32>, vector<16xi32>], vector<16xf32>,
      %add3A_964 = arith.addf %gather3A_960, %gather3A_963 : vector<16xf32>
      %broadcast_in_dim3A_965 = arith.constant 48 : i32
      %broadcast_in_dim3A_966 = vector.broadcast %broadcast_in_dim3A_965 : i32 to vector<16xi32>
      %gather3A_967 = tpu.vector_load_idx %arg7[%broadcast_in_dim3A_966, %get3A_781] : memref<64x768xf32, #tpu.memory_space<vmem>>[vector<16xi32>, vector<16xi32>], vector<16xf32>,
      %add3A_968 = arith.addf %add3A_964, %gather3A_967 : vector<16xf32>
      %broadcast_in_dim3A_969 = arith.constant 49 : i32
      %broadcast_in_dim3A_970 = vector.broadcast %broadcast_in_dim3A_969 : i32 to vector<16xi32>
      %gather3A_971 = tpu.vector_load_idx %arg7[%broadcast_in_dim3A_970, %get3A_781] : memref<64x768xf32, #tpu.memory_space<vmem>>[vector<16xi32>, vector<16xi32>], vector<16xf32>,
      %add3A_972 = arith.addf %add3A_968, %gather3A_971 : vector<16xf32>
      %mul3A_973 = arith.constant 2.500000e-01 : f32
      %mul3A_974 = vector.broadcast %mul3A_973 : f32 to vector<16xf32>
      %mul3A_975 = arith.mulf %add3A_972, %mul3A_974 : vector<16xf32>
      %swap3A_976 = arith.constant 8 : i32
      %swap3A_977 = arith.index_cast %swap3A_976 : i32 to index
      %swap3A_978 = arith.constant 0 : index
      %swap3A_979 = tpu.vector_load %arg8[%swap3A_977, %swap3A_978] {strides = array<i32>} : memref<16x32xf32, #tpu.memory_space<vmem>>, vector<16xf32>,
      tpu.vector_store %arg8[%swap3A_977, %swap3A_978], %mul3A_975 {strides = array<i32>} : memref<16x32xf32, #tpu.memory_space<vmem>>, vector<16xf32>,
      %broadcast_in_dim3A_980 = arith.constant 18 : i32
      %broadcast_in_dim3A_981 = vector.broadcast %broadcast_in_dim3A_980 : i32 to vector<16xi32>
      %gather3A_982 = tpu.vector_load_idx %arg7[%broadcast_in_dim3A_981, %get3A_781] : memref<64x768xf32, #tpu.memory_space<vmem>>[vector<16xi32>, vector<16xi32>], vector<16xf32>,
      %broadcast_in_dim3A_983 = arith.constant 19 : i32
      %broadcast_in_dim3A_984 = vector.broadcast %broadcast_in_dim3A_983 : i32 to vector<16xi32>
      %gather3A_985 = tpu.vector_load_idx %arg7[%broadcast_in_dim3A_984, %get3A_781] : memref<64x768xf32, #tpu.memory_space<vmem>>[vector<16xi32>, vector<16xi32>], vector<16xf32>,
      %add3A_986 = arith.addf %gather3A_982, %gather3A_985 : vector<16xf32>
      %broadcast_in_dim3A_987 = arith.constant 50 : i32
      %broadcast_in_dim3A_988 = vector.broadcast %broadcast_in_dim3A_987 : i32 to vector<16xi32>
      %gather3A_989 = tpu.vector_load_idx %arg7[%broadcast_in_dim3A_988, %get3A_781] : memref<64x768xf32, #tpu.memory_space<vmem>>[vector<16xi32>, vector<16xi32>], vector<16xf32>,
      %add3A_990 = arith.addf %add3A_986, %gather3A_989 : vector<16xf32>
      %broadcast_in_dim3A_991 = arith.constant 51 : i32
      %broadcast_in_dim3A_992 = vector.broadcast %broadcast_in_dim3A_991 : i32 to vector<16xi32>
      %gather3A_993 = tpu.vector_load_idx %arg7[%broadcast_in_dim3A_992, %get3A_781] : memref<64x768xf32, #tpu.memory_space<vmem>>[vector<16xi32>, vector<16xi32>], vector<16xf32>,
      %add3A_994 = arith.addf %add3A_990, %gather3A_993 : vector<16xf32>
      %mul3A_995 = arith.constant 2.500000e-01 : f32
      %mul3A_996 = vector.broadcast %mul3A_995 : f32 to vector<16xf32>
      %mul3A_997 = arith.mulf %add3A_994, %mul3A_996 : vector<16xf32>
      %swap3A_998 = arith.constant 9 : i32
      %swap3A_999 = arith.index_cast %swap3A_998 : i32 to index
      %swap3A_1000 = arith.constant 0 : index
      %swap3A_1001 = tpu.vector_load %arg8[%swap3A_999, %swap3A_1000] {strides = array<i32>} : memref<16x32xf32, #tpu.memory_space<vmem>>, vector<16xf32>,
      tpu.vector_store %arg8[%swap3A_999, %swap3A_1000], %mul3A_997 {strides = array<i32>} : memref<16x32xf32, #tpu.memory_space<vmem>>, vector<16xf32>,
      %broadcast_in_dim3A_1002 = arith.constant 20 : i32
      %broadcast_in_dim3A_1003 = vector.broadcast %broadcast_in_dim3A_1002 : i32 to vector<16xi32>
      %gather3A_1004 = tpu.vector_load_idx %arg7[%broadcast_in_dim3A_1003, %get3A_781] : memref<64x768xf32, #tpu.memory_space<vmem>>[vector<16xi32>, vector<16xi32>], vector<16xf32>,
      %broadcast_in_dim3A_1005 = arith.constant 21 : i32
      %broadcast_in_dim3A_1006 = vector.broadcast %broadcast_in_dim3A_1005 : i32 to vector<16xi32>
      %gather3A_1007 = tpu.vector_load_idx %arg7[%broadcast_in_dim3A_1006, %get3A_781] : memref<64x768xf32, #tpu.memory_space<vmem>>[vector<16xi32>, vector<16xi32>], vector<16xf32>,
      %add3A_1008 = arith.addf %gather3A_1004, %gather3A_1007 : vector<16xf32>
      %broadcast_in_dim3A_1009 = arith.constant 52 : i32
      %broadcast_in_dim3A_1010 = vector.broadcast %broadcast_in_dim3A_1009 : i32 to vector<16xi32>
      %gather3A_1011 = tpu.vector_load_idx %arg7[%broadcast_in_dim3A_1010, %get3A_781] : memref<64x768xf32, #tpu.memory_space<vmem>>[vector<16xi32>, vector<16xi32>], vector<16xf32>,
      %add3A_1012 = arith.addf %add3A_1008, %gather3A_1011 : vector<16xf32>
      %broadcast_in_dim3A_1013 = arith.constant 53 : i32
      %broadcast_in_dim3A_1014 = vector.broadcast %broadcast_in_dim3A_1013 : i32 to vector<16xi32>
      %gather3A_1015 = tpu.vector_load_idx %arg7[%broadcast_in_dim3A_1014, %get3A_781] : memref<64x768xf32, #tpu.memory_space<vmem>>[vector<16xi32>, vector<16xi32>], vector<16xf32>,
      %add3A_1016 = arith.addf %add3A_1012, %gather3A_1015 : vector<16xf32>
      %mul3A_1017 = arith.constant 2.500000e-01 : f32
      %mul3A_1018 = vector.broadcast %mul3A_1017 : f32 to vector<16xf32>
      %mul3A_1019 = arith.mulf %add3A_1016, %mul3A_1018 : vector<16xf32>
      %swap3A_1020 = arith.constant 10 : i32
      %swap3A_1021 = arith.index_cast %swap3A_1020 : i32 to index
      %swap3A_1022 = arith.constant 0 : index
      %swap3A_1023 = tpu.vector_load %arg8[%swap3A_1021, %swap3A_1022] {strides = array<i32>} : memref<16x32xf32, #tpu.memory_space<vmem>>, vector<16xf32>,
      tpu.vector_store %arg8[%swap3A_1021, %swap3A_1022], %mul3A_1019 {strides = array<i32>} : memref<16x32xf32, #tpu.memory_space<vmem>>, vector<16xf32>,
      %broadcast_in_dim3A_1024 = arith.constant 22 : i32
      %broadcast_in_dim3A_1025 = vector.broadcast %broadcast_in_dim3A_1024 : i32 to vector<16xi32>
      %gather3A_1026 = tpu.vector_load_idx %arg7[%broadcast_in_dim3A_1025, %get3A_781] : memref<64x768xf32, #tpu.memory_space<vmem>>[vector<16xi32>, vector<16xi32>], vector<16xf32>,
      %broadcast_in_dim3A_1027 = arith.constant 23 : i32
      %broadcast_in_dim3A_1028 = vector.broadcast %broadcast_in_dim3A_1027 : i32 to vector<16xi32>
      %gather3A_1029 = tpu.vector_load_idx %arg7[%broadcast_in_dim3A_1028, %get3A_781] : memref<64x768xf32, #tpu.memory_space<vmem>>[vector<16xi32>, vector<16xi32>], vector<16xf32>,
      %add3A_1030 = arith.addf %gather3A_1026, %gather3A_1029 : vector<16xf32>
      %broadcast_in_dim3A_1031 = arith.constant 54 : i32
      %broadcast_in_dim3A_1032 = vector.broadcast %broadcast_in_dim3A_1031 : i32 to vector<16xi32>
      %gather3A_1033 = tpu.vector_load_idx %arg7[%broadcast_in_dim3A_1032, %get3A_781] : memref<64x768xf32, #tpu.memory_space<vmem>>[vector<16xi32>, vector<16xi32>], vector<16xf32>,
      %add3A_1034 = arith.addf %add3A_1030, %gather3A_1033 : vector<16xf32>
      %broadcast_in_dim3A_1035 = arith.constant 55 : i32
      %broadcast_in_dim3A_1036 = vector.broadcast %broadcast_in_dim3A_1035 : i32 to vector<16xi32>
      %gather3A_1037 = tpu.vector_load_idx %arg7[%broadcast_in_dim3A_1036, %get3A_781] : memref<64x768xf32, #tpu.memory_space<vmem>>[vector<16xi32>, vector<16xi32>], vector<16xf32>,
      %add3A_1038 = arith.addf %add3A_1034, %gather3A_1037 : vector<16xf32>
      %mul3A_1039 = arith.constant 2.500000e-01 : f32
      %mul3A_1040 = vector.broadcast %mul3A_1039 : f32 to vector<16xf32>
      %mul3A_1041 = arith.mulf %add3A_1038, %mul3A_1040 : vector<16xf32>
      %swap3A_1042 = arith.constant 11 : i32
      %swap3A_1043 = arith.index_cast %swap3A_1042 : i32 to index
      %swap3A_1044 = arith.constant 0 : index
      %swap3A_1045 = tpu.vector_load %arg8[%swap3A_1043, %swap3A_1044] {strides = array<i32>} : memref<16x32xf32, #tpu.memory_space<vmem>>, vector<16xf32>,
      tpu.vector_store %arg8[%swap3A_1043, %swap3A_1044], %mul3A_1041 {strides = array<i32>} : memref<16x32xf32, #tpu.memory_space<vmem>>, vector<16xf32>,
      %broadcast_in_dim3A_1046 = arith.constant 24 : i32
      %broadcast_in_dim3A_1047 = vector.broadcast %broadcast_in_dim3A_1046 : i32 to vector<16xi32>
      %gather3A_1048 = tpu.vector_load_idx %arg7[%broadcast_in_dim3A_1047, %get3A_781] : memref<64x768xf32, #tpu.memory_space<vmem>>[vector<16xi32>, vector<16xi32>], vector<16xf32>,
      %broadcast_in_dim3A_1049 = arith.constant 25 : i32
      %broadcast_in_dim3A_1050 = vector.broadcast %broadcast_in_dim3A_1049 : i32 to vector<16xi32>
      %gather3A_1051 = tpu.vector_load_idx %arg7[%broadcast_in_dim3A_1050, %get3A_781] : memref<64x768xf32, #tpu.memory_space<vmem>>[vector<16xi32>, vector<16xi32>], vector<16xf32>,
      %add3A_1052 = arith.addf %gather3A_1048, %gather3A_1051 : vector<16xf32>
      %broadcast_in_dim3A_1053 = arith.constant 56 : i32
      %broadcast_in_dim3A_1054 = vector.broadcast %broadcast_in_dim3A_1053 : i32 to vector<16xi32>
      %gather3A_1055 = tpu.vector_load_idx %arg7[%broadcast_in_dim3A_1054, %get3A_781] : memref<64x768xf32, #tpu.memory_space<vmem>>[vector<16xi32>, vector<16xi32>], vector<16xf32>,
      %add3A_1056 = arith.addf %add3A_1052, %gather3A_1055 : vector<16xf32>
      %broadcast_in_dim3A_1057 = arith.constant 57 : i32
      %broadcast_in_dim3A_1058 = vector.broadcast %broadcast_in_dim3A_1057 : i32 to vector<16xi32>
      %gather3A_1059 = tpu.vector_load_idx %arg7[%broadcast_in_dim3A_1058, %get3A_781] : memref<64x768xf32, #tpu.memory_space<vmem>>[vector<16xi32>, vector<16xi32>], vector<16xf32>,
      %add3A_1060 = arith.addf %add3A_1056, %gather3A_1059 : vector<16xf32>
      %mul3A_1061 = arith.constant 2.500000e-01 : f32
      %mul3A_1062 = vector.broadcast %mul3A_1061 : f32 to vector<16xf32>
      %mul3A_1063 = arith.mulf %add3A_1060, %mul3A_1062 : vector<16xf32>
      %swap3A_1064 = arith.constant 12 : i32
      %swap3A_1065 = arith.index_cast %swap3A_1064 : i32 to index
      %swap3A_1066 = arith.constant 0 : index
      %swap3A_1067 = tpu.vector_load %arg8[%swap3A_1065, %swap3A_1066] {strides = array<i32>} : memref<16x32xf32, #tpu.memory_space<vmem>>, vector<16xf32>,
      tpu.vector_store %arg8[%swap3A_1065, %swap3A_1066], %mul3A_1063 {strides = array<i32>} : memref<16x32xf32, #tpu.memory_space<vmem>>, vector<16xf32>,
      %broadcast_in_dim3A_1068 = arith.constant 26 : i32
      %broadcast_in_dim3A_1069 = vector.broadcast %broadcast_in_dim3A_1068 : i32 to vector<16xi32>
      %gather3A_1070 = tpu.vector_load_idx %arg7[%broadcast_in_dim3A_1069, %get3A_781] : memref<64x768xf32, #tpu.memory_space<vmem>>[vector<16xi32>, vector<16xi32>], vector<16xf32>,
      %broadcast_in_dim3A_1071 = arith.constant 27 : i32
      %broadcast_in_dim3A_1072 = vector.broadcast %broadcast_in_dim3A_1071 : i32 to vector<16xi32>
      %gather3A_1073 = tpu.vector_load_idx %arg7[%broadcast_in_dim3A_1072, %get3A_781] : memref<64x768xf32, #tpu.memory_space<vmem>>[vector<16xi32>, vector<16xi32>], vector<16xf32>,
      %add3A_1074 = arith.addf %gather3A_1070, %gather3A_1073 : vector<16xf32>
      %broadcast_in_dim3A_1075 = arith.constant 58 : i32
      %broadcast_in_dim3A_1076 = vector.broadcast %broadcast_in_dim3A_1075 : i32 to vector<16xi32>
      %gather3A_1077 = tpu.vector_load_idx %arg7[%broadcast_in_dim3A_1076, %get3A_781] : memref<64x768xf32, #tpu.memory_space<vmem>>[vector<16xi32>, vector<16xi32>], vector<16xf32>,
      %add3A_1078 = arith.addf %add3A_1074, %gather3A_1077 : vector<16xf32>
      %broadcast_in_dim3A_1079 = arith.constant 59 : i32
      %broadcast_in_dim3A_1080 = vector.broadcast %broadcast_in_dim3A_1079 : i32 to vector<16xi32>
      %gather3A_1081 = tpu.vector_load_idx %arg7[%broadcast_in_dim3A_1080, %get3A_781] : memref<64x768xf32, #tpu.memory_space<vmem>>[vector<16xi32>, vector<16xi32>], vector<16xf32>,
      %add3A_1082 = arith.addf %add3A_1078, %gather3A_1081 : vector<16xf32>
      %mul3A_1083 = arith.constant 2.500000e-01 : f32
      %mul3A_1084 = vector.broadcast %mul3A_1083 : f32 to vector<16xf32>
      %mul3A_1085 = arith.mulf %add3A_1082, %mul3A_1084 : vector<16xf32>
      %swap3A_1086 = arith.constant 13 : i32
      %swap3A_1087 = arith.index_cast %swap3A_1086 : i32 to index
      %swap3A_1088 = arith.constant 0 : index
      %swap3A_1089 = tpu.vector_load %arg8[%swap3A_1087, %swap3A_1088] {strides = array<i32>} : memref<16x32xf32, #tpu.memory_space<vmem>>, vector<16xf32>,
      tpu.vector_store %arg8[%swap3A_1087, %swap3A_1088], %mul3A_1085 {strides = array<i32>} : memref<16x32xf32, #tpu.memory_space<vmem>>, vector<16xf32>,
      %broadcast_in_dim3A_1090 = arith.constant 28 : i32
      %broadcast_in_dim3A_1091 = vector.broadcast %broadcast_in_dim3A_1090 : i32 to vector<16xi32>
      %gather3A_1092 = tpu.vector_load_idx %arg7[%broadcast_in_dim3A_1091, %get3A_781] : memref<64x768xf32, #tpu.memory_space<vmem>>[vector<16xi32>, vector<16xi32>], vector<16xf32>,
      %broadcast_in_dim3A_1093 = arith.constant 29 : i32
      %broadcast_in_dim3A_1094 = vector.broadcast %broadcast_in_dim3A_1093 : i32 to vector<16xi32>
      %gather3A_1095 = tpu.vector_load_idx %arg7[%broadcast_in_dim3A_1094, %get3A_781] : memref<64x768xf32, #tpu.memory_space<vmem>>[vector<16xi32>, vector<16xi32>], vector<16xf32>,
      %add3A_1096 = arith.addf %gather3A_1092, %gather3A_1095 : vector<16xf32>
      %broadcast_in_dim3A_1097 = arith.constant 60 : i32
      %broadcast_in_dim3A_1098 = vector.broadcast %broadcast_in_dim3A_1097 : i32 to vector<16xi32>
      %gather3A_1099 = tpu.vector_load_idx %arg7[%broadcast_in_dim3A_1098, %get3A_781] : memref<64x768xf32, #tpu.memory_space<vmem>>[vector<16xi32>, vector<16xi32>], vector<16xf32>,
      %add3A_1100 = arith.addf %add3A_1096, %gather3A_1099 : vector<16xf32>
      %broadcast_in_dim3A_1101 = arith.constant 61 : i32
      %broadcast_in_dim3A_1102 = vector.broadcast %broadcast_in_dim3A_1101 : i32 to vector<16xi32>
      %gather3A_1103 = tpu.vector_load_idx %arg7[%broadcast_in_dim3A_1102, %get3A_781] : memref<64x768xf32, #tpu.memory_space<vmem>>[vector<16xi32>, vector<16xi32>], vector<16xf32>,
      %add3A_1104 = arith.addf %add3A_1100, %gather3A_1103 : vector<16xf32>
      %mul3A_1105 = arith.constant 2.500000e-01 : f32
      %mul3A_1106 = vector.broadcast %mul3A_1105 : f32 to vector<16xf32>
      %mul3A_1107 = arith.mulf %add3A_1104, %mul3A_1106 : vector<16xf32>
      %swap3A_1108 = arith.constant 14 : i32
      %swap3A_1109 = arith.index_cast %swap3A_1108 : i32 to index
      %swap3A_1110 = arith.constant 0 : index
      %swap3A_1111 = tpu.vector_load %arg8[%swap3A_1109, %swap3A_1110] {strides = array<i32>} : memref<16x32xf32, #tpu.memory_space<vmem>>, vector<16xf32>,
      tpu.vector_store %arg8[%swap3A_1109, %swap3A_1110], %mul3A_1107 {strides = array<i32>} : memref<16x32xf32, #tpu.memory_space<vmem>>, vector<16xf32>,
      %broadcast_in_dim3A_1112 = arith.constant 30 : i32
      %broadcast_in_dim3A_1113 = vector.broadcast %broadcast_in_dim3A_1112 : i32 to vector<16xi32>
      %gather3A_1114 = tpu.vector_load_idx %arg7[%broadcast_in_dim3A_1113, %get3A_781] : memref<64x768xf32, #tpu.memory_space<vmem>>[vector<16xi32>, vector<16xi32>], vector<16xf32>,
      %broadcast_in_dim3A_1115 = arith.constant 31 : i32
      %broadcast_in_dim3A_1116 = vector.broadcast %broadcast_in_dim3A_1115 : i32 to vector<16xi32>
      %gather3A_1117 = tpu.vector_load_idx %arg7[%broadcast_in_dim3A_1116, %get3A_781] : memref<64x768xf32, #tpu.memory_space<vmem>>[vector<16xi32>, vector<16xi32>], vector<16xf32>,
      %add3A_1118 = arith.addf %gather3A_1114, %gather3A_1117 : vector<16xf32>
      %broadcast_in_dim3A_1119 = arith.constant 62 : i32
      %broadcast_in_dim3A_1120 = vector.broadcast %broadcast_in_dim3A_1119 : i32 to vector<16xi32>
      %gather3A_1121 = tpu.vector_load_idx %arg7[%broadcast_in_dim3A_1120, %get3A_781] : memref<64x768xf32, #tpu.memory_space<vmem>>[vector<16xi32>, vector<16xi32>], vector<16xf32>,
      %add3A_1122 = arith.addf %add3A_1118, %gather3A_1121 : vector<16xf32>
      %broadcast_in_dim3A_1123 = arith.constant 63 : i32
      %broadcast_in_dim3A_1124 = vector.broadcast %broadcast_in_dim3A_1123 : i32 to vector<16xi32>
      %gather3A_1125 = tpu.vector_load_idx %arg7[%broadcast_in_dim3A_1124, %get3A_781] : memref<64x768xf32, #tpu.memory_space<vmem>>[vector<16xi32>, vector<16xi32>], vector<16xf32>,
      %add3A_1126 = arith.addf %add3A_1122, %gather3A_1125 : vector<16xf32>
      %mul3A_1127 = arith.constant 2.500000e-01 : f32
      %mul3A_1128 = vector.broadcast %mul3A_1127 : f32 to vector<16xf32>
      %mul3A_1129 = arith.mulf %add3A_1126, %mul3A_1128 : vector<16xf32>
      %swap3A_1130 = arith.constant 15 : i32
      %swap3A_1131 = arith.index_cast %swap3A_1130 : i32 to index
      %swap3A_1132 = arith.constant 0 : index
      %swap3A_1133 = tpu.vector_load %arg8[%swap3A_1131, %swap3A_1132] {strides = array<i32>} : memref<16x32xf32, #tpu.memory_space<vmem>>, vector<16xf32>,
      tpu.vector_store %arg8[%swap3A_1131, %swap3A_1132], %mul3A_1129 {strides = array<i32>} : memref<16x32xf32, #tpu.memory_space<vmem>>, vector<16xf32>,
      %get3A_1134 = arith.constant 1 : i32
      %get3A_1135 = arith.index_cast %get3A_1134 : i32 to index
      %get3A_1136 = arith.constant 0 : index
      %get3A_1137 = tpu.vector_load %arg5[%get3A_1135, %get3A_1136] {strides = array<i32>} : memref<2x16xi32, #tpu.memory_space<vmem>>, vector<16xi32>,
      %broadcast_in_dim3A_1138 = arith.constant 0 : i32
      %broadcast_in_dim3A_1139 = vector.broadcast %broadcast_in_dim3A_1138 : i32 to vector<16xi32>
      %gather3A_1140 = tpu.vector_load_idx %arg7[%broadcast_in_dim3A_1139, %get3A_1137] : memref<64x768xf32, #tpu.memory_space<vmem>>[vector<16xi32>, vector<16xi32>], vector<16xf32>,
      %broadcast_in_dim3A_1141 = arith.constant 1 : i32
      %broadcast_in_dim3A_1142 = vector.broadcast %broadcast_in_dim3A_1141 : i32 to vector<16xi32>
      %gather3A_1143 = tpu.vector_load_idx %arg7[%broadcast_in_dim3A_1142, %get3A_1137] : memref<64x768xf32, #tpu.memory_space<vmem>>[vector<16xi32>, vector<16xi32>], vector<16xf32>,
      %add3A_1144 = arith.addf %gather3A_1140, %gather3A_1143 : vector<16xf32>
      %broadcast_in_dim3A_1145 = arith.constant 32 : i32
      %broadcast_in_dim3A_1146 = vector.broadcast %broadcast_in_dim3A_1145 : i32 to vector<16xi32>
      %gather3A_1147 = tpu.vector_load_idx %arg7[%broadcast_in_dim3A_1146, %get3A_1137] : memref<64x768xf32, #tpu.memory_space<vmem>>[vector<16xi32>, vector<16xi32>], vector<16xf32>,
      %add3A_1148 = arith.addf %add3A_1144, %gather3A_1147 : vector<16xf32>
      %broadcast_in_dim3A_1149 = arith.constant 33 : i32
      %broadcast_in_dim3A_1150 = vector.broadcast %broadcast_in_dim3A_1149 : i32 to vector<16xi32>
      %gather3A_1151 = tpu.vector_load_idx %arg7[%broadcast_in_dim3A_1150, %get3A_1137] : memref<64x768xf32, #tpu.memory_space<vmem>>[vector<16xi32>, vector<16xi32>], vector<16xf32>,
      %add3A_1152 = arith.addf %add3A_1148, %gather3A_1151 : vector<16xf32>
      %mul3A_1153 = arith.constant 2.500000e-01 : f32
      %mul3A_1154 = vector.broadcast %mul3A_1153 : f32 to vector<16xf32>
      %mul3A_1155 = arith.mulf %add3A_1152, %mul3A_1154 : vector<16xf32>
      %swap3A_1156 = arith.constant 0 : i32
      %swap3A_1157 = arith.index_cast %swap3A_1156 : i32 to index
      %swap3A_1158 = arith.constant 16 : index
      %swap3A_1159 = tpu.vector_load %arg8[%swap3A_1157, %swap3A_1158] {strides = array<i32>} : memref<16x32xf32, #tpu.memory_space<vmem>>, vector<16xf32>,
      tpu.vector_store %arg8[%swap3A_1157, %swap3A_1158], %mul3A_1155 {strides = array<i32>} : memref<16x32xf32, #tpu.memory_space<vmem>>, vector<16xf32>,
      %broadcast_in_dim3A_1160 = arith.constant 2 : i32
      %broadcast_in_dim3A_1161 = vector.broadcast %broadcast_in_dim3A_1160 : i32 to vector<16xi32>
      %gather3A_1162 = tpu.vector_load_idx %arg7[%broadcast_in_dim3A_1161, %get3A_1137] : memref<64x768xf32, #tpu.memory_space<vmem>>[vector<16xi32>, vector<16xi32>], vector<16xf32>,
      %broadcast_in_dim3A_1163 = arith.constant 3 : i32
      %broadcast_in_dim3A_1164 = vector.broadcast %broadcast_in_dim3A_1163 : i32 to vector<16xi32>
      %gather3A_1165 = tpu.vector_load_idx %arg7[%broadcast_in_dim3A_1164, %get3A_1137] : memref<64x768xf32, #tpu.memory_space<vmem>>[vector<16xi32>, vector<16xi32>], vector<16xf32>,
      %add3A_1166 = arith.addf %gather3A_1162, %gather3A_1165 : vector<16xf32>
      %broadcast_in_dim3A_1167 = arith.constant 34 : i32
      %broadcast_in_dim3A_1168 = vector.broadcast %broadcast_in_dim3A_1167 : i32 to vector<16xi32>
      %gather3A_1169 = tpu.vector_load_idx %arg7[%broadcast_in_dim3A_1168, %get3A_1137] : memref<64x768xf32, #tpu.memory_space<vmem>>[vector<16xi32>, vector<16xi32>], vector<16xf32>,
      %add3A_1170 = arith.addf %add3A_1166, %gather3A_1169 : vector<16xf32>
      %broadcast_in_dim3A_1171 = arith.constant 35 : i32
      %broadcast_in_dim3A_1172 = vector.broadcast %broadcast_in_dim3A_1171 : i32 to vector<16xi32>
      %gather3A_1173 = tpu.vector_load_idx %arg7[%broadcast_in_dim3A_1172, %get3A_1137] : memref<64x768xf32, #tpu.memory_space<vmem>>[vector<16xi32>, vector<16xi32>], vector<16xf32>,
      %add3A_1174 = arith.addf %add3A_1170, %gather3A_1173 : vector<16xf32>
      %mul3A_1175 = arith.constant 2.500000e-01 : f32
      %mul3A_1176 = vector.broadcast %mul3A_1175 : f32 to vector<16xf32>
      %mul3A_1177 = arith.mulf %add3A_1174, %mul3A_1176 : vector<16xf32>
      %swap3A_1178 = arith.constant 1 : i32
      %swap3A_1179 = arith.index_cast %swap3A_1178 : i32 to index
      %swap3A_1180 = arith.constant 16 : index
      %swap3A_1181 = tpu.vector_load %arg8[%swap3A_1179, %swap3A_1180] {strides = array<i32>} : memref<16x32xf32, #tpu.memory_space<vmem>>, vector<16xf32>,
      tpu.vector_store %arg8[%swap3A_1179, %swap3A_1180], %mul3A_1177 {strides = array<i32>} : memref<16x32xf32, #tpu.memory_space<vmem>>, vector<16xf32>,
      %broadcast_in_dim3A_1182 = arith.constant 4 : i32
      %broadcast_in_dim3A_1183 = vector.broadcast %broadcast_in_dim3A_1182 : i32 to vector<16xi32>
      %gather3A_1184 = tpu.vector_load_idx %arg7[%broadcast_in_dim3A_1183, %get3A_1137] : memref<64x768xf32, #tpu.memory_space<vmem>>[vector<16xi32>, vector<16xi32>], vector<16xf32>,
      %broadcast_in_dim3A_1185 = arith.constant 5 : i32
      %broadcast_in_dim3A_1186 = vector.broadcast %broadcast_in_dim3A_1185 : i32 to vector<16xi32>
      %gather3A_1187 = tpu.vector_load_idx %arg7[%broadcast_in_dim3A_1186, %get3A_1137] : memref<64x768xf32, #tpu.memory_space<vmem>>[vector<16xi32>, vector<16xi32>], vector<16xf32>,
      %add3A_1188 = arith.addf %gather3A_1184, %gather3A_1187 : vector<16xf32>
      %broadcast_in_dim3A_1189 = arith.constant 36 : i32
      %broadcast_in_dim3A_1190 = vector.broadcast %broadcast_in_dim3A_1189 : i32 to vector<16xi32>
      %gather3A_1191 = tpu.vector_load_idx %arg7[%broadcast_in_dim3A_1190, %get3A_1137] : memref<64x768xf32, #tpu.memory_space<vmem>>[vector<16xi32>, vector<16xi32>], vector<16xf32>,
      %add3A_1192 = arith.addf %add3A_1188, %gather3A_1191 : vector<16xf32>
      %broadcast_in_dim3A_1193 = arith.constant 37 : i32
      %broadcast_in_dim3A_1194 = vector.broadcast %broadcast_in_dim3A_1193 : i32 to vector<16xi32>
      %gather3A_1195 = tpu.vector_load_idx %arg7[%broadcast_in_dim3A_1194, %get3A_1137] : memref<64x768xf32, #tpu.memory_space<vmem>>[vector<16xi32>, vector<16xi32>], vector<16xf32>,
      %add3A_1196 = arith.addf %add3A_1192, %gather3A_1195 : vector<16xf32>
      %mul3A_1197 = arith.constant 2.500000e-01 : f32
      %mul3A_1198 = vector.broadcast %mul3A_1197 : f32 to vector<16xf32>
      %mul3A_1199 = arith.mulf %add3A_1196, %mul3A_1198 : vector<16xf32>
      %swap3A_1200 = arith.constant 2 : i32
      %swap3A_1201 = arith.index_cast %swap3A_1200 : i32 to index
      %swap3A_1202 = arith.constant 16 : index
      %swap3A_1203 = tpu.vector_load %arg8[%swap3A_1201, %swap3A_1202] {strides = array<i32>} : memref<16x32xf32, #tpu.memory_space<vmem>>, vector<16xf32>,
      tpu.vector_store %arg8[%swap3A_1201, %swap3A_1202], %mul3A_1199 {strides = array<i32>} : memref<16x32xf32, #tpu.memory_space<vmem>>, vector<16xf32>,
      %broadcast_in_dim3A_1204 = arith.constant 6 : i32
      %broadcast_in_dim3A_1205 = vector.broadcast %broadcast_in_dim3A_1204 : i32 to vector<16xi32>
      %gather3A_1206 = tpu.vector_load_idx %arg7[%broadcast_in_dim3A_1205, %get3A_1137] : memref<64x768xf32, #tpu.memory_space<vmem>>[vector<16xi32>, vector<16xi32>], vector<16xf32>,
      %broadcast_in_dim3A_1207 = arith.constant 7 : i32
      %broadcast_in_dim3A_1208 = vector.broadcast %broadcast_in_dim3A_1207 : i32 to vector<16xi32>
      %gather3A_1209 = tpu.vector_load_idx %arg7[%broadcast_in_dim3A_1208, %get3A_1137] : memref<64x768xf32, #tpu.memory_space<vmem>>[vector<16xi32>, vector<16xi32>], vector<16xf32>,
      %add3A_1210 = arith.addf %gather3A_1206, %gather3A_1209 : vector<16xf32>
      %broadcast_in_dim3A_1211 = arith.constant 38 : i32
      %broadcast_in_dim3A_1212 = vector.broadcast %broadcast_in_dim3A_1211 : i32 to vector<16xi32>
      %gather3A_1213 = tpu.vector_load_idx %arg7[%broadcast_in_dim3A_1212, %get3A_1137] : memref<64x768xf32, #tpu.memory_space<vmem>>[vector<16xi32>, vector<16xi32>], vector<16xf32>,
      %add3A_1214 = arith.addf %add3A_1210, %gather3A_1213 : vector<16xf32>
      %broadcast_in_dim3A_1215 = arith.constant 39 : i32
      %broadcast_in_dim3A_1216 = vector.broadcast %broadcast_in_dim3A_1215 : i32 to vector<16xi32>
      %gather3A_1217 = tpu.vector_load_idx %arg7[%broadcast_in_dim3A_1216, %get3A_1137] : memref<64x768xf32, #tpu.memory_space<vmem>>[vector<16xi32>, vector<16xi32>], vector<16xf32>,
      %add3A_1218 = arith.addf %add3A_1214, %gather3A_1217 : vector<16xf32>
      %mul3A_1219 = arith.constant 2.500000e-01 : f32
      %mul3A_1220 = vector.broadcast %mul3A_1219 : f32 to vector<16xf32>
      %mul3A_1221 = arith.mulf %add3A_1218, %mul3A_1220 : vector<16xf32>
      %swap3A_1222 = arith.constant 3 : i32
      %swap3A_1223 = arith.index_cast %swap3A_1222 : i32 to index
      %swap3A_1224 = arith.constant 16 : index
      %swap3A_1225 = tpu.vector_load %arg8[%swap3A_1223, %swap3A_1224] {strides = array<i32>} : memref<16x32xf32, #tpu.memory_space<vmem>>, vector<16xf32>,
      tpu.vector_store %arg8[%swap3A_1223, %swap3A_1224], %mul3A_1221 {strides = array<i32>} : memref<16x32xf32, #tpu.memory_space<vmem>>, vector<16xf32>,
      %broadcast_in_dim3A_1226 = arith.constant 8 : i32
      %broadcast_in_dim3A_1227 = vector.broadcast %broadcast_in_dim3A_1226 : i32 to vector<16xi32>
      %gather3A_1228 = tpu.vector_load_idx %arg7[%broadcast_in_dim3A_1227, %get3A_1137] : memref<64x768xf32, #tpu.memory_space<vmem>>[vector<16xi32>, vector<16xi32>], vector<16xf32>,
      %broadcast_in_dim3A_1229 = arith.constant 9 : i32
      %broadcast_in_dim3A_1230 = vector.broadcast %broadcast_in_dim3A_1229 : i32 to vector<16xi32>
      %gather3A_1231 = tpu.vector_load_idx %arg7[%broadcast_in_dim3A_1230, %get3A_1137] : memref<64x768xf32, #tpu.memory_space<vmem>>[vector<16xi32>, vector<16xi32>], vector<16xf32>,
      %add3A_1232 = arith.addf %gather3A_1228, %gather3A_1231 : vector<16xf32>
      %broadcast_in_dim3A_1233 = arith.constant 40 : i32
      %broadcast_in_dim3A_1234 = vector.broadcast %broadcast_in_dim3A_1233 : i32 to vector<16xi32>
      %gather3A_1235 = tpu.vector_load_idx %arg7[%broadcast_in_dim3A_1234, %get3A_1137] : memref<64x768xf32, #tpu.memory_space<vmem>>[vector<16xi32>, vector<16xi32>], vector<16xf32>,
      %add3A_1236 = arith.addf %add3A_1232, %gather3A_1235 : vector<16xf32>
      %broadcast_in_dim3A_1237 = arith.constant 41 : i32
      %broadcast_in_dim3A_1238 = vector.broadcast %broadcast_in_dim3A_1237 : i32 to vector<16xi32>
      %gather3A_1239 = tpu.vector_load_idx %arg7[%broadcast_in_dim3A_1238, %get3A_1137] : memref<64x768xf32, #tpu.memory_space<vmem>>[vector<16xi32>, vector<16xi32>], vector<16xf32>,
      %add3A_1240 = arith.addf %add3A_1236, %gather3A_1239 : vector<16xf32>
      %mul3A_1241 = arith.constant 2.500000e-01 : f32
      %mul3A_1242 = vector.broadcast %mul3A_1241 : f32 to vector<16xf32>
      %mul3A_1243 = arith.mulf %add3A_1240, %mul3A_1242 : vector<16xf32>
      %swap3A_1244 = arith.constant 4 : i32
      %swap3A_1245 = arith.index_cast %swap3A_1244 : i32 to index
      %swap3A_1246 = arith.constant 16 : index
      %swap3A_1247 = tpu.vector_load %arg8[%swap3A_1245, %swap3A_1246] {strides = array<i32>} : memref<16x32xf32, #tpu.memory_space<vmem>>, vector<16xf32>,
      tpu.vector_store %arg8[%swap3A_1245, %swap3A_1246], %mul3A_1243 {strides = array<i32>} : memref<16x32xf32, #tpu.memory_space<vmem>>, vector<16xf32>,
      %broadcast_in_dim3A_1248 = arith.constant 10 : i32
      %broadcast_in_dim3A_1249 = vector.broadcast %broadcast_in_dim3A_1248 : i32 to vector<16xi32>
      %gather3A_1250 = tpu.vector_load_idx %arg7[%broadcast_in_dim3A_1249, %get3A_1137] : memref<64x768xf32, #tpu.memory_space<vmem>>[vector<16xi32>, vector<16xi32>], vector<16xf32>,
      %broadcast_in_dim3A_1251 = arith.constant 11 : i32
      %broadcast_in_dim3A_1252 = vector.broadcast %broadcast_in_dim3A_1251 : i32 to vector<16xi32>
      %gather3A_1253 = tpu.vector_load_idx %arg7[%broadcast_in_dim3A_1252, %get3A_1137] : memref<64x768xf32, #tpu.memory_space<vmem>>[vector<16xi32>, vector<16xi32>], vector<16xf32>,
      %add3A_1254 = arith.addf %gather3A_1250, %gather3A_1253 : vector<16xf32>
      %broadcast_in_dim3A_1255 = arith.constant 42 : i32
      %broadcast_in_dim3A_1256 = vector.broadcast %broadcast_in_dim3A_1255 : i32 to vector<16xi32>
      %gather3A_1257 = tpu.vector_load_idx %arg7[%broadcast_in_dim3A_1256, %get3A_1137] : memref<64x768xf32, #tpu.memory_space<vmem>>[vector<16xi32>, vector<16xi32>], vector<16xf32>,
      %add3A_1258 = arith.addf %add3A_1254, %gather3A_1257 : vector<16xf32>
      %broadcast_in_dim3A_1259 = arith.constant 43 : i32
      %broadcast_in_dim3A_1260 = vector.broadcast %broadcast_in_dim3A_1259 : i32 to vector<16xi32>
      %gather3A_1261 = tpu.vector_load_idx %arg7[%broadcast_in_dim3A_1260, %get3A_1137] : memref<64x768xf32, #tpu.memory_space<vmem>>[vector<16xi32>, vector<16xi32>], vector<16xf32>,
      %add3A_1262 = arith.addf %add3A_1258, %gather3A_1261 : vector<16xf32>
      %mul3A_1263 = arith.constant 2.500000e-01 : f32
      %mul3A_1264 = vector.broadcast %mul3A_1263 : f32 to vector<16xf32>
      %mul3A_1265 = arith.mulf %add3A_1262, %mul3A_1264 : vector<16xf32>
      %swap3A_1266 = arith.constant 5 : i32
      %swap3A_1267 = arith.index_cast %swap3A_1266 : i32 to index
      %swap3A_1268 = arith.constant 16 : index
      %swap3A_1269 = tpu.vector_load %arg8[%swap3A_1267, %swap3A_1268] {strides = array<i32>} : memref<16x32xf32, #tpu.memory_space<vmem>>, vector<16xf32>,
      tpu.vector_store %arg8[%swap3A_1267, %swap3A_1268], %mul3A_1265 {strides = array<i32>} : memref<16x32xf32, #tpu.memory_space<vmem>>, vector<16xf32>,
      %broadcast_in_dim3A_1270 = arith.constant 12 : i32
      %broadcast_in_dim3A_1271 = vector.broadcast %broadcast_in_dim3A_1270 : i32 to vector<16xi32>
      %gather3A_1272 = tpu.vector_load_idx %arg7[%broadcast_in_dim3A_1271, %get3A_1137] : memref<64x768xf32, #tpu.memory_space<vmem>>[vector<16xi32>, vector<16xi32>], vector<16xf32>,
      %broadcast_in_dim3A_1273 = arith.constant 13 : i32
      %broadcast_in_dim3A_1274 = vector.broadcast %broadcast_in_dim3A_1273 : i32 to vector<16xi32>
      %gather3A_1275 = tpu.vector_load_idx %arg7[%broadcast_in_dim3A_1274, %get3A_1137] : memref<64x768xf32, #tpu.memory_space<vmem>>[vector<16xi32>, vector<16xi32>], vector<16xf32>,
      %add3A_1276 = arith.addf %gather3A_1272, %gather3A_1275 : vector<16xf32>
      %broadcast_in_dim3A_1277 = arith.constant 44 : i32
      %broadcast_in_dim3A_1278 = vector.broadcast %broadcast_in_dim3A_1277 : i32 to vector<16xi32>
      %gather3A_1279 = tpu.vector_load_idx %arg7[%broadcast_in_dim3A_1278, %get3A_1137] : memref<64x768xf32, #tpu.memory_space<vmem>>[vector<16xi32>, vector<16xi32>], vector<16xf32>,
      %add3A_1280 = arith.addf %add3A_1276, %gather3A_1279 : vector<16xf32>
      %broadcast_in_dim3A_1281 = arith.constant 45 : i32
      %broadcast_in_dim3A_1282 = vector.broadcast %broadcast_in_dim3A_1281 : i32 to vector<16xi32>
      %gather3A_1283 = tpu.vector_load_idx %arg7[%broadcast_in_dim3A_1282, %get3A_1137] : memref<64x768xf32, #tpu.memory_space<vmem>>[vector<16xi32>, vector<16xi32>], vector<16xf32>,
      %add3A_1284 = arith.addf %add3A_1280, %gather3A_1283 : vector<16xf32>
      %mul3A_1285 = arith.constant 2.500000e-01 : f32
      %mul3A_1286 = vector.broadcast %mul3A_1285 : f32 to vector<16xf32>
      %mul3A_1287 = arith.mulf %add3A_1284, %mul3A_1286 : vector<16xf32>
      %swap3A_1288 = arith.constant 6 : i32
      %swap3A_1289 = arith.index_cast %swap3A_1288 : i32 to index
      %swap3A_1290 = arith.constant 16 : index
      %swap3A_1291 = tpu.vector_load %arg8[%swap3A_1289, %swap3A_1290] {strides = array<i32>} : memref<16x32xf32, #tpu.memory_space<vmem>>, vector<16xf32>,
      tpu.vector_store %arg8[%swap3A_1289, %swap3A_1290], %mul3A_1287 {strides = array<i32>} : memref<16x32xf32, #tpu.memory_space<vmem>>, vector<16xf32>,
      %broadcast_in_dim3A_1292 = arith.constant 14 : i32
      %broadcast_in_dim3A_1293 = vector.broadcast %broadcast_in_dim3A_1292 : i32 to vector<16xi32>
      %gather3A_1294 = tpu.vector_load_idx %arg7[%broadcast_in_dim3A_1293, %get3A_1137] : memref<64x768xf32, #tpu.memory_space<vmem>>[vector<16xi32>, vector<16xi32>], vector<16xf32>,
      %broadcast_in_dim3A_1295 = arith.constant 15 : i32
      %broadcast_in_dim3A_1296 = vector.broadcast %broadcast_in_dim3A_1295 : i32 to vector<16xi32>
      %gather3A_1297 = tpu.vector_load_idx %arg7[%broadcast_in_dim3A_1296, %get3A_1137] : memref<64x768xf32, #tpu.memory_space<vmem>>[vector<16xi32>, vector<16xi32>], vector<16xf32>,
      %add3A_1298 = arith.addf %gather3A_1294, %gather3A_1297 : vector<16xf32>
      %broadcast_in_dim3A_1299 = arith.constant 46 : i32
      %broadcast_in_dim3A_1300 = vector.broadcast %broadcast_in_dim3A_1299 : i32 to vector<16xi32>
      %gather3A_1301 = tpu.vector_load_idx %arg7[%broadcast_in_dim3A_1300, %get3A_1137] : memref<64x768xf32, #tpu.memory_space<vmem>>[vector<16xi32>, vector<16xi32>], vector<16xf32>,
      %add3A_1302 = arith.addf %add3A_1298, %gather3A_1301 : vector<16xf32>
      %broadcast_in_dim3A_1303 = arith.constant 47 : i32
      %broadcast_in_dim3A_1304 = vector.broadcast %broadcast_in_dim3A_1303 : i32 to vector<16xi32>
      %gather3A_1305 = tpu.vector_load_idx %arg7[%broadcast_in_dim3A_1304, %get3A_1137] : memref<64x768xf32, #tpu.memory_space<vmem>>[vector<16xi32>, vector<16xi32>], vector<16xf32>,
      %add3A_1306 = arith.addf %add3A_1302, %gather3A_1305 : vector<16xf32>
      %mul3A_1307 = arith.constant 2.500000e-01 : f32
      %mul3A_1308 = vector.broadcast %mul3A_1307 : f32 to vector<16xf32>
      %mul3A_1309 = arith.mulf %add3A_1306, %mul3A_1308 : vector<16xf32>
      %swap3A_1310 = arith.constant 7 : i32
      %swap3A_1311 = arith.index_cast %swap3A_1310 : i32 to index
      %swap3A_1312 = arith.constant 16 : index
      %swap3A_1313 = tpu.vector_load %arg8[%swap3A_1311, %swap3A_1312] {strides = array<i32>} : memref<16x32xf32, #tpu.memory_space<vmem>>, vector<16xf32>,
      tpu.vector_store %arg8[%swap3A_1311, %swap3A_1312], %mul3A_1309 {strides = array<i32>} : memref<16x32xf32, #tpu.memory_space<vmem>>, vector<16xf32>,
      %broadcast_in_dim3A_1314 = arith.constant 16 : i32
      %broadcast_in_dim3A_1315 = vector.broadcast %broadcast_in_dim3A_1314 : i32 to vector<16xi32>
      %gather3A_1316 = tpu.vector_load_idx %arg7[%broadcast_in_dim3A_1315, %get3A_1137] : memref<64x768xf32, #tpu.memory_space<vmem>>[vector<16xi32>, vector<16xi32>], vector<16xf32>,
      %broadcast_in_dim3A_1317 = arith.constant 17 : i32
      %broadcast_in_dim3A_1318 = vector.broadcast %broadcast_in_dim3A_1317 : i32 to vector<16xi32>
      %gather3A_1319 = tpu.vector_load_idx %arg7[%broadcast_in_dim3A_1318, %get3A_1137] : memref<64x768xf32, #tpu.memory_space<vmem>>[vector<16xi32>, vector<16xi32>], vector<16xf32>,
      %add3A_1320 = arith.addf %gather3A_1316, %gather3A_1319 : vector<16xf32>
      %broadcast_in_dim3A_1321 = arith.constant 48 : i32
      %broadcast_in_dim3A_1322 = vector.broadcast %broadcast_in_dim3A_1321 : i32 to vector<16xi32>
      %gather3A_1323 = tpu.vector_load_idx %arg7[%broadcast_in_dim3A_1322, %get3A_1137] : memref<64x768xf32, #tpu.memory_space<vmem>>[vector<16xi32>, vector<16xi32>], vector<16xf32>,
      %add3A_1324 = arith.addf %add3A_1320, %gather3A_1323 : vector<16xf32>
      %broadcast_in_dim3A_1325 = arith.constant 49 : i32
      %broadcast_in_dim3A_1326 = vector.broadcast %broadcast_in_dim3A_1325 : i32 to vector<16xi32>
      %gather3A_1327 = tpu.vector_load_idx %arg7[%broadcast_in_dim3A_1326, %get3A_1137] : memref<64x768xf32, #tpu.memory_space<vmem>>[vector<16xi32>, vector<16xi32>], vector<16xf32>,
      %add3A_1328 = arith.addf %add3A_1324, %gather3A_1327 : vector<16xf32>
      %mul3A_1329 = arith.constant 2.500000e-01 : f32
      %mul3A_1330 = vector.broadcast %mul3A_1329 : f32 to vector<16xf32>
      %mul3A_1331 = arith.mulf %add3A_1328, %mul3A_1330 : vector<16xf32>
      %swap3A_1332 = arith.constant 8 : i32
      %swap3A_1333 = arith.index_cast %swap3A_1332 : i32 to index
      %swap3A_1334 = arith.constant 16 : index
      %swap3A_1335 = tpu.vector_load %arg8[%swap3A_1333, %swap3A_1334] {strides = array<i32>} : memref<16x32xf32, #tpu.memory_space<vmem>>, vector<16xf32>,
      tpu.vector_store %arg8[%swap3A_1333, %swap3A_1334], %mul3A_1331 {strides = array<i32>} : memref<16x32xf32, #tpu.memory_space<vmem>>, vector<16xf32>,
      %broadcast_in_dim3A_1336 = arith.constant 18 : i32
      %broadcast_in_dim3A_1337 = vector.broadcast %broadcast_in_dim3A_1336 : i32 to vector<16xi32>
      %gather3A_1338 = tpu.vector_load_idx %arg7[%broadcast_in_dim3A_1337, %get3A_1137] : memref<64x768xf32, #tpu.memory_space<vmem>>[vector<16xi32>, vector<16xi32>], vector<16xf32>,
      %broadcast_in_dim3A_1339 = arith.constant 19 : i32
      %broadcast_in_dim3A_1340 = vector.broadcast %broadcast_in_dim3A_1339 : i32 to vector<16xi32>
      %gather3A_1341 = tpu.vector_load_idx %arg7[%broadcast_in_dim3A_1340, %get3A_1137] : memref<64x768xf32, #tpu.memory_space<vmem>>[vector<16xi32>, vector<16xi32>], vector<16xf32>,
      %add3A_1342 = arith.addf %gather3A_1338, %gather3A_1341 : vector<16xf32>
      %broadcast_in_dim3A_1343 = arith.constant 50 : i32
      %broadcast_in_dim3A_1344 = vector.broadcast %broadcast_in_dim3A_1343 : i32 to vector<16xi32>
      %gather3A_1345 = tpu.vector_load_idx %arg7[%broadcast_in_dim3A_1344, %get3A_1137] : memref<64x768xf32, #tpu.memory_space<vmem>>[vector<16xi32>, vector<16xi32>], vector<16xf32>,
      %add3A_1346 = arith.addf %add3A_1342, %gather3A_1345 : vector<16xf32>
      %broadcast_in_dim3A_1347 = arith.constant 51 : i32
      %broadcast_in_dim3A_1348 = vector.broadcast %broadcast_in_dim3A_1347 : i32 to vector<16xi32>
      %gather3A_1349 = tpu.vector_load_idx %arg7[%broadcast_in_dim3A_1348, %get3A_1137] : memref<64x768xf32, #tpu.memory_space<vmem>>[vector<16xi32>, vector<16xi32>], vector<16xf32>,
      %add3A_1350 = arith.addf %add3A_1346, %gather3A_1349 : vector<16xf32>
      %mul3A_1351 = arith.constant 2.500000e-01 : f32
      %mul3A_1352 = vector.broadcast %mul3A_1351 : f32 to vector<16xf32>
      %mul3A_1353 = arith.mulf %add3A_1350, %mul3A_1352 : vector<16xf32>
      %swap3A_1354 = arith.constant 9 : i32
      %swap3A_1355 = arith.index_cast %swap3A_1354 : i32 to index
      %swap3A_1356 = arith.constant 16 : index
      %swap3A_1357 = tpu.vector_load %arg8[%swap3A_1355, %swap3A_1356] {strides = array<i32>} : memref<16x32xf32, #tpu.memory_space<vmem>>, vector<16xf32>,
      tpu.vector_store %arg8[%swap3A_1355, %swap3A_1356], %mul3A_1353 {strides = array<i32>} : memref<16x32xf32, #tpu.memory_space<vmem>>, vector<16xf32>,
      %broadcast_in_dim3A_1358 = arith.constant 20 : i32
      %broadcast_in_dim3A_1359 = vector.broadcast %broadcast_in_dim3A_1358 : i32 to vector<16xi32>
      %gather3A_1360 = tpu.vector_load_idx %arg7[%broadcast_in_dim3A_1359, %get3A_1137] : memref<64x768xf32, #tpu.memory_space<vmem>>[vector<16xi32>, vector<16xi32>], vector<16xf32>,
      %broadcast_in_dim3A_1361 = arith.constant 21 : i32
      %broadcast_in_dim3A_1362 = vector.broadcast %broadcast_in_dim3A_1361 : i32 to vector<16xi32>
      %gather3A_1363 = tpu.vector_load_idx %arg7[%broadcast_in_dim3A_1362, %get3A_1137] : memref<64x768xf32, #tpu.memory_space<vmem>>[vector<16xi32>, vector<16xi32>], vector<16xf32>,
      %add3A_1364 = arith.addf %gather3A_1360, %gather3A_1363 : vector<16xf32>
      %broadcast_in_dim3A_1365 = arith.constant 52 : i32
      %broadcast_in_dim3A_1366 = vector.broadcast %broadcast_in_dim3A_1365 : i32 to vector<16xi32>
      %gather3A_1367 = tpu.vector_load_idx %arg7[%broadcast_in_dim3A_1366, %get3A_1137] : memref<64x768xf32, #tpu.memory_space<vmem>>[vector<16xi32>, vector<16xi32>], vector<16xf32>,
      %add3A_1368 = arith.addf %add3A_1364, %gather3A_1367 : vector<16xf32>
      %broadcast_in_dim3A_1369 = arith.constant 53 : i32
      %broadcast_in_dim3A_1370 = vector.broadcast %broadcast_in_dim3A_1369 : i32 to vector<16xi32>
      %gather3A_1371 = tpu.vector_load_idx %arg7[%broadcast_in_dim3A_1370, %get3A_1137] : memref<64x768xf32, #tpu.memory_space<vmem>>[vector<16xi32>, vector<16xi32>], vector<16xf32>,
      %add3A_1372 = arith.addf %add3A_1368, %gather3A_1371 : vector<16xf32>
      %mul3A_1373 = arith.constant 2.500000e-01 : f32
      %mul3A_1374 = vector.broadcast %mul3A_1373 : f32 to vector<16xf32>
      %mul3A_1375 = arith.mulf %add3A_1372, %mul3A_1374 : vector<16xf32>
      %swap3A_1376 = arith.constant 10 : i32
      %swap3A_1377 = arith.index_cast %swap3A_1376 : i32 to index
      %swap3A_1378 = arith.constant 16 : index
      %swap3A_1379 = tpu.vector_load %arg8[%swap3A_1377, %swap3A_1378] {strides = array<i32>} : memref<16x32xf32, #tpu.memory_space<vmem>>, vector<16xf32>,
      tpu.vector_store %arg8[%swap3A_1377, %swap3A_1378], %mul3A_1375 {strides = array<i32>} : memref<16x32xf32, #tpu.memory_space<vmem>>, vector<16xf32>,
      %broadcast_in_dim3A_1380 = arith.constant 22 : i32
      %broadcast_in_dim3A_1381 = vector.broadcast %broadcast_in_dim3A_1380 : i32 to vector<16xi32>
      %gather3A_1382 = tpu.vector_load_idx %arg7[%broadcast_in_dim3A_1381, %get3A_1137] : memref<64x768xf32, #tpu.memory_space<vmem>>[vector<16xi32>, vector<16xi32>], vector<16xf32>,
      %broadcast_in_dim3A_1383 = arith.constant 23 : i32
      %broadcast_in_dim3A_1384 = vector.broadcast %broadcast_in_dim3A_1383 : i32 to vector<16xi32>
      %gather3A_1385 = tpu.vector_load_idx %arg7[%broadcast_in_dim3A_1384, %get3A_1137] : memref<64x768xf32, #tpu.memory_space<vmem>>[vector<16xi32>, vector<16xi32>], vector<16xf32>,
      %add3A_1386 = arith.addf %gather3A_1382, %gather3A_1385 : vector<16xf32>
      %broadcast_in_dim3A_1387 = arith.constant 54 : i32
      %broadcast_in_dim3A_1388 = vector.broadcast %broadcast_in_dim3A_1387 : i32 to vector<16xi32>
      %gather3A_1389 = tpu.vector_load_idx %arg7[%broadcast_in_dim3A_1388, %get3A_1137] : memref<64x768xf32, #tpu.memory_space<vmem>>[vector<16xi32>, vector<16xi32>], vector<16xf32>,
      %add3A_1390 = arith.addf %add3A_1386, %gather3A_1389 : vector<16xf32>
      %broadcast_in_dim3A_1391 = arith.constant 55 : i32
      %broadcast_in_dim3A_1392 = vector.broadcast %broadcast_in_dim3A_1391 : i32 to vector<16xi32>
      %gather3A_1393 = tpu.vector_load_idx %arg7[%broadcast_in_dim3A_1392, %get3A_1137] : memref<64x768xf32, #tpu.memory_space<vmem>>[vector<16xi32>, vector<16xi32>], vector<16xf32>,
      %add3A_1394 = arith.addf %add3A_1390, %gather3A_1393 : vector<16xf32>
      %mul3A_1395 = arith.constant 2.500000e-01 : f32
      %mul3A_1396 = vector.broadcast %mul3A_1395 : f32 to vector<16xf32>
      %mul3A_1397 = arith.mulf %add3A_1394, %mul3A_1396 : vector<16xf32>
      %swap3A_1398 = arith.constant 11 : i32
      %swap3A_1399 = arith.index_cast %swap3A_1398 : i32 to index
      %swap3A_1400 = arith.constant 16 : index
      %swap3A_1401 = tpu.vector_load %arg8[%swap3A_1399, %swap3A_1400] {strides = array<i32>} : memref<16x32xf32, #tpu.memory_space<vmem>>, vector<16xf32>,
      tpu.vector_store %arg8[%swap3A_1399, %swap3A_1400], %mul3A_1397 {strides = array<i32>} : memref<16x32xf32, #tpu.memory_space<vmem>>, vector<16xf32>,
      %broadcast_in_dim3A_1402 = arith.constant 24 : i32
      %broadcast_in_dim3A_1403 = vector.broadcast %broadcast_in_dim3A_1402 : i32 to vector<16xi32>
      %gather3A_1404 = tpu.vector_load_idx %arg7[%broadcast_in_dim3A_1403, %get3A_1137] : memref<64x768xf32, #tpu.memory_space<vmem>>[vector<16xi32>, vector<16xi32>], vector<16xf32>,
      %broadcast_in_dim3A_1405 = arith.constant 25 : i32
      %broadcast_in_dim3A_1406 = vector.broadcast %broadcast_in_dim3A_1405 : i32 to vector<16xi32>
      %gather3A_1407 = tpu.vector_load_idx %arg7[%broadcast_in_dim3A_1406, %get3A_1137] : memref<64x768xf32, #tpu.memory_space<vmem>>[vector<16xi32>, vector<16xi32>], vector<16xf32>,
      %add3A_1408 = arith.addf %gather3A_1404, %gather3A_1407 : vector<16xf32>
      %broadcast_in_dim3A_1409 = arith.constant 56 : i32
      %broadcast_in_dim3A_1410 = vector.broadcast %broadcast_in_dim3A_1409 : i32 to vector<16xi32>
      %gather3A_1411 = tpu.vector_load_idx %arg7[%broadcast_in_dim3A_1410, %get3A_1137] : memref<64x768xf32, #tpu.memory_space<vmem>>[vector<16xi32>, vector<16xi32>], vector<16xf32>,
      %add3A_1412 = arith.addf %add3A_1408, %gather3A_1411 : vector<16xf32>
      %broadcast_in_dim3A_1413 = arith.constant 57 : i32
      %broadcast_in_dim3A_1414 = vector.broadcast %broadcast_in_dim3A_1413 : i32 to vector<16xi32>
      %gather3A_1415 = tpu.vector_load_idx %arg7[%broadcast_in_dim3A_1414, %get3A_1137] : memref<64x768xf32, #tpu.memory_space<vmem>>[vector<16xi32>, vector<16xi32>], vector<16xf32>,
      %add3A_1416 = arith.addf %add3A_1412, %gather3A_1415 : vector<16xf32>
      %mul3A_1417 = arith.constant 2.500000e-01 : f32
      %mul3A_1418 = vector.broadcast %mul3A_1417 : f32 to vector<16xf32>
      %mul3A_1419 = arith.mulf %add3A_1416, %mul3A_1418 : vector<16xf32>
      %swap3A_1420 = arith.constant 12 : i32
      %swap3A_1421 = arith.index_cast %swap3A_1420 : i32 to index
      %swap3A_1422 = arith.constant 16 : index
      %swap3A_1423 = tpu.vector_load %arg8[%swap3A_1421, %swap3A_1422] {strides = array<i32>} : memref<16x32xf32, #tpu.memory_space<vmem>>, vector<16xf32>,
      tpu.vector_store %arg8[%swap3A_1421, %swap3A_1422], %mul3A_1419 {strides = array<i32>} : memref<16x32xf32, #tpu.memory_space<vmem>>, vector<16xf32>,
      %broadcast_in_dim3A_1424 = arith.constant 26 : i32
      %broadcast_in_dim3A_1425 = vector.broadcast %broadcast_in_dim3A_1424 : i32 to vector<16xi32>
      %gather3A_1426 = tpu.vector_load_idx %arg7[%broadcast_in_dim3A_1425, %get3A_1137] : memref<64x768xf32, #tpu.memory_space<vmem>>[vector<16xi32>, vector<16xi32>], vector<16xf32>,
      %broadcast_in_dim3A_1427 = arith.constant 27 : i32
      %broadcast_in_dim3A_1428 = vector.broadcast %broadcast_in_dim3A_1427 : i32 to vector<16xi32>
      %gather3A_1429 = tpu.vector_load_idx %arg7[%broadcast_in_dim3A_1428, %get3A_1137] : memref<64x768xf32, #tpu.memory_space<vmem>>[vector<16xi32>, vector<16xi32>], vector<16xf32>,
      %add3A_1430 = arith.addf %gather3A_1426, %gather3A_1429 : vector<16xf32>
      %broadcast_in_dim3A_1431 = arith.constant 58 : i32
      %broadcast_in_dim3A_1432 = vector.broadcast %broadcast_in_dim3A_1431 : i32 to vector<16xi32>
      %gather3A_1433 = tpu.vector_load_idx %arg7[%broadcast_in_dim3A_1432, %get3A_1137] : memref<64x768xf32, #tpu.memory_space<vmem>>[vector<16xi32>, vector<16xi32>], vector<16xf32>,
      %add3A_1434 = arith.addf %add3A_1430, %gather3A_1433 : vector<16xf32>
      %broadcast_in_dim3A_1435 = arith.constant 59 : i32
      %broadcast_in_dim3A_1436 = vector.broadcast %broadcast_in_dim3A_1435 : i32 to vector<16xi32>
      %gather3A_1437 = tpu.vector_load_idx %arg7[%broadcast_in_dim3A_1436, %get3A_1137] : memref<64x768xf32, #tpu.memory_space<vmem>>[vector<16xi32>, vector<16xi32>], vector<16xf32>,
      %add3A_1438 = arith.addf %add3A_1434, %gather3A_1437 : vector<16xf32>
      %mul3A_1439 = arith.constant 2.500000e-01 : f32
      %mul3A_1440 = vector.broadcast %mul3A_1439 : f32 to vector<16xf32>
      %mul3A_1441 = arith.mulf %add3A_1438, %mul3A_1440 : vector<16xf32>
      %swap3A_1442 = arith.constant 13 : i32
      %swap3A_1443 = arith.index_cast %swap3A_1442 : i32 to index
      %swap3A_1444 = arith.constant 16 : index
      %swap3A_1445 = tpu.vector_load %arg8[%swap3A_1443, %swap3A_1444] {strides = array<i32>} : memref<16x32xf32, #tpu.memory_space<vmem>>, vector<16xf32>,
      tpu.vector_store %arg8[%swap3A_1443, %swap3A_1444], %mul3A_1441 {strides = array<i32>} : memref<16x32xf32, #tpu.memory_space<vmem>>, vector<16xf32>,
      %broadcast_in_dim3A_1446 = arith.constant 28 : i32
      %broadcast_in_dim3A_1447 = vector.broadcast %broadcast_in_dim3A_1446 : i32 to vector<16xi32>
      %gather3A_1448 = tpu.vector_load_idx %arg7[%broadcast_in_dim3A_1447, %get3A_1137] : memref<64x768xf32, #tpu.memory_space<vmem>>[vector<16xi32>, vector<16xi32>], vector<16xf32>,
      %broadcast_in_dim3A_1449 = arith.constant 29 : i32
      %broadcast_in_dim3A_1450 = vector.broadcast %broadcast_in_dim3A_1449 : i32 to vector<16xi32>
      %gather3A_1451 = tpu.vector_load_idx %arg7[%broadcast_in_dim3A_1450, %get3A_1137] : memref<64x768xf32, #tpu.memory_space<vmem>>[vector<16xi32>, vector<16xi32>], vector<16xf32>,
      %add3A_1452 = arith.addf %gather3A_1448, %gather3A_1451 : vector<16xf32>
      %broadcast_in_dim3A_1453 = arith.constant 60 : i32
      %broadcast_in_dim3A_1454 = vector.broadcast %broadcast_in_dim3A_1453 : i32 to vector<16xi32>
      %gather3A_1455 = tpu.vector_load_idx %arg7[%broadcast_in_dim3A_1454, %get3A_1137] : memref<64x768xf32, #tpu.memory_space<vmem>>[vector<16xi32>, vector<16xi32>], vector<16xf32>,
      %add3A_1456 = arith.addf %add3A_1452, %gather3A_1455 : vector<16xf32>
      %broadcast_in_dim3A_1457 = arith.constant 61 : i32
      %broadcast_in_dim3A_1458 = vector.broadcast %broadcast_in_dim3A_1457 : i32 to vector<16xi32>
      %gather3A_1459 = tpu.vector_load_idx %arg7[%broadcast_in_dim3A_1458, %get3A_1137] : memref<64x768xf32, #tpu.memory_space<vmem>>[vector<16xi32>, vector<16xi32>], vector<16xf32>,
      %add3A_1460 = arith.addf %add3A_1456, %gather3A_1459 : vector<16xf32>
      %mul3A_1461 = arith.constant 2.500000e-01 : f32
      %mul3A_1462 = vector.broadcast %mul3A_1461 : f32 to vector<16xf32>
      %mul3A_1463 = arith.mulf %add3A_1460, %mul3A_1462 : vector<16xf32>
      %swap3A_1464 = arith.constant 14 : i32
      %swap3A_1465 = arith.index_cast %swap3A_1464 : i32 to index
      %swap3A_1466 = arith.constant 16 : index
      %swap3A_1467 = tpu.vector_load %arg8[%swap3A_1465, %swap3A_1466] {strides = array<i32>} : memref<16x32xf32, #tpu.memory_space<vmem>>, vector<16xf32>,
      tpu.vector_store %arg8[%swap3A_1465, %swap3A_1466], %mul3A_1463 {strides = array<i32>} : memref<16x32xf32, #tpu.memory_space<vmem>>, vector<16xf32>,
      %broadcast_in_dim3A_1468 = arith.constant 30 : i32
      %broadcast_in_dim3A_1469 = vector.broadcast %broadcast_in_dim3A_1468 : i32 to vector<16xi32>
      %gather3A_1470 = tpu.vector_load_idx %arg7[%broadcast_in_dim3A_1469, %get3A_1137] : memref<64x768xf32, #tpu.memory_space<vmem>>[vector<16xi32>, vector<16xi32>], vector<16xf32>,
      %broadcast_in_dim3A_1471 = arith.constant 31 : i32
      %broadcast_in_dim3A_1472 = vector.broadcast %broadcast_in_dim3A_1471 : i32 to vector<16xi32>
      %gather3A_1473 = tpu.vector_load_idx %arg7[%broadcast_in_dim3A_1472, %get3A_1137] : memref<64x768xf32, #tpu.memory_space<vmem>>[vector<16xi32>, vector<16xi32>], vector<16xf32>,
      %add3A_1474 = arith.addf %gather3A_1470, %gather3A_1473 : vector<16xf32>
      %broadcast_in_dim3A_1475 = arith.constant 62 : i32
      %broadcast_in_dim3A_1476 = vector.broadcast %broadcast_in_dim3A_1475 : i32 to vector<16xi32>
      %gather3A_1477 = tpu.vector_load_idx %arg7[%broadcast_in_dim3A_1476, %get3A_1137] : memref<64x768xf32, #tpu.memory_space<vmem>>[vector<16xi32>, vector<16xi32>], vector<16xf32>,
      %add3A_1478 = arith.addf %add3A_1474, %gather3A_1477 : vector<16xf32>
      %broadcast_in_dim3A_1479 = arith.constant 63 : i32
      %broadcast_in_dim3A_1480 = vector.broadcast %broadcast_in_dim3A_1479 : i32 to vector<16xi32>
      %gather3A_1481 = tpu.vector_load_idx %arg7[%broadcast_in_dim3A_1480, %get3A_1137] : memref<64x768xf32, #tpu.memory_space<vmem>>[vector<16xi32>, vector<16xi32>], vector<16xf32>,
      %add3A_1482 = arith.addf %add3A_1478, %gather3A_1481 : vector<16xf32>
      %mul3A_1483 = arith.constant 2.500000e-01 : f32
      %mul3A_1484 = vector.broadcast %mul3A_1483 : f32 to vector<16xf32>
      %mul3A_1485 = arith.mulf %add3A_1482, %mul3A_1484 : vector<16xf32>
      %swap3A_1486 = arith.constant 15 : i32
      %swap3A_1487 = arith.index_cast %swap3A_1486 : i32 to index
      %swap3A_1488 = arith.constant 16 : index
      %swap3A_1489 = tpu.vector_load %arg8[%swap3A_1487, %swap3A_1488] {strides = array<i32>} : memref<16x32xf32, #tpu.memory_space<vmem>>, vector<16xf32>,
      tpu.vector_store %arg8[%swap3A_1487, %swap3A_1488], %mul3A_1485 {strides = array<i32>} : memref<16x32xf32, #tpu.memory_space<vmem>>, vector<16xf32>,
      %add3A_1490 = arith.constant 1 : i32
      %add3A_1491 = arith.addi %add3A_15, %add3A_1490 : i32
      %jit3A_1492 = arith.constant 16 : i32
      %div3A_1493 = arith.divsi %add3A_1491, %jit3A_1492 : i32
      %sign3A_1494 = arith.constant 0 : i32
      %sign3A_1495 = arith.cmpi sgt, %add3A_1491, %sign3A_1494 : i32
      %sign3A_1496 = arith.extui %sign3A_1495 : i1 to i32
      %sign3A_1497 = arith.constant 0 : i32
      %sign3A_1498 = arith.cmpi slt, %add3A_1491, %sign3A_1497 : i32
      %sign3A_1499 = arith.extui %sign3A_1498 : i1 to i32
      %sign3A_1500 = arith.subi %sign3A_1496, %sign3A_1499 : i32
      %sign3A_1501 = arith.constant 0 : i32
      %sign3A_1502 = arith.cmpi sgt, %jit3A_1492, %sign3A_1501 : i32
      %sign3A_1503 = arith.extui %sign3A_1502 : i1 to i32
      %sign3A_1504 = arith.constant 0 : i32
      %sign3A_1505 = arith.cmpi slt, %jit3A_1492, %sign3A_1504 : i32
      %sign3A_1506 = arith.extui %sign3A_1505 : i1 to i32
      %sign3A_1507 = arith.subi %sign3A_1503, %sign3A_1506 : i32
      %ne3A_1508 = arith.cmpi ne, %sign3A_1500, %sign3A_1507 : i32
      %rem3A_1509 = arith.remsi %add3A_1491, %jit3A_1492 : i32
      %ne3A_1510 = arith.constant 0 : i32
      %ne3A_1511 = arith.cmpi ne, %rem3A_1509, %ne3A_1510 : i32
      %and3A_1512 = arith.andi %ne3A_1508, %ne3A_1511 : i1
      %sub3A_1513 = arith.constant 1 : i32
      %sub3A_1514 = arith.subi %div3A_1493, %sub3A_1513 : i32
      %select_n3A_1515 = arith.select %and3A_1512, %sub3A_1514, %div3A_1493 : i32
      %jit3A_1516 = arith.constant 16 : i32
      %eq3A_1517 = arith.constant 0 : i32
      %eq3A_1518 = arith.cmpi eq, %jit3A_1516, %eq3A_1517 : i32
      %jit3A_1519 = arith.constant 1 : i32
      %select_n3A_1520 = arith.select %eq3A_1518, %jit3A_1519, %jit3A_1516 : i32
      %rem3A_1521 = arith.remsi %add3A_1491, %select_n3A_1520 : i32
      %ne3A_1522 = arith.constant 0 : i32
      %ne3A_1523 = arith.cmpi ne, %rem3A_1521, %ne3A_1522 : i32
      %lt3A_1524 = arith.constant 0 : i32
      %lt3A_1525 = arith.cmpi slt, %rem3A_1521, %lt3A_1524 : i32
      %lt3A_1526 = arith.constant 0 : i32
      %lt3A_1527 = arith.cmpi slt, %select_n3A_1520, %lt3A_1526 : i32
      %ne3A_1528 = arith.xori %lt3A_1525, %lt3A_1527 : i1
      %and3A_1529 = arith.andi %ne3A_1528, %ne3A_1523 : i1
      %add3A_1530 = arith.addi %rem3A_1521, %select_n3A_1520 : i32
      %select_n3A_1531 = arith.select %and3A_1529, %add3A_1530, %rem3A_1521 : i32
      %mul3A_1532 = arith.constant 16 : i32
      %mul3A_1533 = arith.muli %select_n3A_1531, %mul3A_1532 : i32
      "tpu.region"() ({
        %run_scoped3A = tpu.sem_alloc : memref<!tpu.dma_semaphore, #tpu.memory_space<semaphore_mem>>
        %dma_start3A_1534 = arith.constant 0 : i32
        %dma_start3A_1535 = tpu.memref_slice %arg4[%select_n3A_1515, %mul3A_1533, %dma_start3A_1534] : memref<32x256x32xf32, #tpu.memory_space<hbm>> -> memref<1x16x32xf32, #tpu.memory_space<hbm>>
        %dma_start3A_1536 = tpu.memref_squeeze %dma_start3A_1535 : memref<1x16x32xf32, #tpu.memory_space<hbm>> -> memref<16x32xf32, #tpu.memory_space<hbm>>
        %dma_start3A_1537 = arith.constant 0 : i32
        %dma_start3A_1538 = tpu.memref_slice %arg4[%select_n3A_1515, %mul3A_1533, %dma_start3A_1537] : memref<32x256x32xf32, #tpu.memory_space<hbm>> -> memref<1x16x32xf32, #tpu.memory_space<hbm>>
        %dma_start3A_1539 = tpu.memref_squeeze %dma_start3A_1538 : memref<1x16x32xf32, #tpu.memory_space<hbm>> -> memref<16x32xf32, #tpu.memory_space<hbm>>
        tpu.enqueue_dma source(%arg8 : memref<16x32xf32, #tpu.memory_space<vmem>>) target(%dma_start3A_1539 : memref<16x32xf32, #tpu.memory_space<hbm>>) target_semaphore(%run_scoped3A : memref<!tpu.dma_semaphore, #tpu.memory_space<semaphore_mem>>)
        %dma_wait3A_1540 = arith.constant 0 : i32
        %dma_wait3A_1541 = tpu.memref_slice %arg4[%select_n3A_1515, %mul3A_1533, %dma_wait3A_1540] : memref<32x256x32xf32, #tpu.memory_space<hbm>> -> memref<1x16x32xf32, #tpu.memory_space<hbm>>
        %dma_wait3A_1542 = tpu.memref_squeeze %dma_wait3A_1541 : memref<1x16x32xf32, #tpu.memory_space<hbm>> -> memref<16x32xf32, #tpu.memory_space<hbm>>
        %dma_wait3A_1543 = arith.constant 0 : i32
        %dma_wait3A_1544 = tpu.memref_slice %arg4[%select_n3A_1515, %mul3A_1533, %dma_wait3A_1543] : memref<32x256x32xf32, #tpu.memory_space<hbm>> -> memref<1x16x32xf32, #tpu.memory_space<hbm>>
        %dma_wait3A_1545 = tpu.memref_squeeze %dma_wait3A_1544 : memref<1x16x32xf32, #tpu.memory_space<hbm>> -> memref<16x32xf32, #tpu.memory_space<hbm>>
        tpu.wait_dma2 semaphore(%run_scoped3A : memref<!tpu.dma_semaphore, #tpu.memory_space<semaphore_mem>>) src(%arg8 : memref<16x32xf32, #tpu.memory_space<vmem>>) dst(%dma_wait3A_1545 : memref<16x32xf32, #tpu.memory_space<hbm>>)
        tpu.yield
      }) : () -> ()
    }
    %scan3A_11 = arith.constant 8 : i32
    return
  }
}

module attributes {stable_mosaic.version = 14 : i64} {
  func.func @_tc_body(%arg0: i32, %arg1: memref<1x1024x768xf32, #tpu.memory_space<vmem>>, %arg2: memref<256x1024xf32, #tpu.memory_space<vmem>>, %arg3: memref<768x32xf32, #tpu.memory_space<vmem>>, %arg4: memref<1x256x32xf32, #tpu.memory_space<vmem>>) attributes {dimension_semantics = [#tpu.dimension_semantics<arbitrary>], iteration_bounds = array<i64: 32>, scalar_prefetch = 0 : i64, scratch_operands = 0 : i64, tpu.core_type = #tpu.core_type<tc>, window_params = [{transform_indices = @transform_0, window_bounds = array<i64: 1, 1024, 768>}, {pipeline_mode = #tpu.pipeline_mode<synchronous>, transform_indices = @transform_1, window_bounds = array<i64: 256, 1024>}, {pipeline_mode = #tpu.pipeline_mode<synchronous>, transform_indices = @transform_2, window_bounds = array<i64: 768, 32>}, {transform_indices = @transform_3, window_bounds = array<i64: 1, 256, 32>}]} {
    %get3A = arith.constant 0 : index
    %get3A_0 = arith.constant 0 : index
    %get3A_1 = arith.constant 0 : index
    %get3A_2 = vector.load %arg1[%get3A, %get3A_0, %get3A_1] : memref<1x1024x768xf32, #tpu.memory_space<vmem>>, vector<1x1024x768xf32>
    %get3A_3 = vector.shape_cast %get3A_2 : vector<1x1024x768xf32> to vector<1024x768xf32>
    %get3A_4 = arith.constant 0 : index
    %get3A_5 = arith.constant 0 : index
    %get3A_6 = vector.load %arg3[%get3A_4, %get3A_5] : memref<768x32xf32, #tpu.memory_space<vmem>>, vector<768x32xf32>
    %dot_general3A = arith.constant dense<0.000000e+00> : vector<1024x32xf32>
    %dot_general3A_7 = tpu.matmul %get3A_3, %get3A_6, %dot_general3A {dimension_numbers = #tpu.dot_dimension_numbers<[1], [0], [0], [1], [0, 0, 1, 1], [], []>, transpose_lhs_hint = false} : vector<1024x768xf32>, vector<768x32xf32>, vector<1024x32xf32> -> vector<1024x32xf32>
    %get3A_8 = arith.constant 0 : index
    %get3A_9 = arith.constant 0 : index
    %get3A_10 = vector.load %arg2[%get3A_8, %get3A_9] : memref<256x1024xf32, #tpu.memory_space<vmem>>, vector<256x1024xf32>
    %dot_general3A_11 = arith.constant dense<0.000000e+00> : vector<256x32xf32>
    %dot_general3A_12 = tpu.matmul %get3A_10, %dot_general3A_7, %dot_general3A_11 {dimension_numbers = #tpu.dot_dimension_numbers<[1], [0], [0], [1], [0, 0, 1, 1], [], []>, transpose_lhs_hint = false} : vector<256x1024xf32>, vector<1024x32xf32>, vector<256x32xf32> -> vector<256x32xf32>
    %swap3A = arith.constant 0 : index
    %swap3A_13 = arith.constant 0 : index
    %swap3A_14 = arith.constant 0 : index
    %swap3A_15 = vector.load %arg4[%swap3A, %swap3A_13, %swap3A_14] : memref<1x256x32xf32, #tpu.memory_space<vmem>>, vector<1x256x32xf32>
    %swap3A_16 = vector.shape_cast %swap3A_15 : vector<1x256x32xf32> to vector<256x32xf32>
    %swap3A_17 = vector.shape_cast %dot_general3A_12 : vector<256x32xf32> to vector<1x256x32xf32>
    tpu.vector_store %arg4[%swap3A, %swap3A_13, %swap3A_14], %swap3A_17 {strides = array<i32>} : memref<1x256x32xf32, #tpu.memory_space<vmem>>, vector<1x256x32xf32>,
    return
  }
  func.func @transform_0(%arg0: i32) -> (i32, i32, i32) {
    %add3A = arith.constant 32 : i32
    %add3A_0 = arith.addi %arg0, %add3A : i32
    %c0_i32 = arith.constant 0 : i32
    %c0_i32_1 = arith.constant 0 : i32
    %c0_i32_2 = arith.constant 0 : i32
    return %add3A_0, %c0_i32, %c0_i32_1 : i32, i32, i32
  }
  func.func @transform_1(%arg0: i32) -> (i32, i32) {
    %c0_i32 = arith.constant 0 : i32
    %c0_i32_0 = arith.constant 0 : i32
    %c0_i32_1 = arith.constant 0 : i32
    return %c0_i32, %c0_i32_0 : i32, i32
  }
  func.func @transform_2(%arg0: i32) -> (i32, i32) {
    %c0_i32 = arith.constant 0 : i32
    %c0_i32_0 = arith.constant 0 : i32
    %c0_i32_1 = arith.constant 0 : i32
    return %c0_i32, %c0_i32_0 : i32, i32
  }
  func.func @transform_3(%arg0: i32) -> (i32, i32, i32) {
    %c0_i32 = arith.constant 0 : i32
    %c0_i32_0 = arith.constant 0 : i32
    %c0_i32_1 = arith.constant 0 : i32
    return %arg0, %c0_i32, %c0_i32_0 : i32, i32, i32
  }
}

</mosaic_0001>

<sc_bundles>
// kernel: kernel.4.cloned.1.call-start
scs
__scs_entry_jumppad:
0x0: {  	(pc) =	sbr.rel $0x88, $3  }
0x1: {  	(tag) =	ssettag $0x0;
	lr =	simm.s32 $0x1  }
0x2: {  	[smem:$0x3FA0] =	sst lr;
	_ =	strace $0xD0000000  }
0x3: {  	_ = 	snop  }
0x4: {  	_ = 	snop  }
0x5: {  	_ = 	snop  }
0x6: {  	_ = 	snop  }
0x7: {  	_ = 	snop  }
__scs_overlays_trampoline_lowered:
0x8: {  	[smem:$0x3FAF] =	sst s0  }
0x9: {  	[smem:$0x3FB0] =	sst s1  }
0xa: {  	[smem:$0x3FB1] =	sst s2  }
0xb: {  	[smem:$0x3FB2] =	sst s3  }
0xc: {  	[smem:$0x3FB3] =	sst s4  }
0xd: {  	[smem:$0x3FB4] =	sst s5  }
0xe: {  	[smem:$0x3FB5] =	sst s6  }
0xf: {  	[smem:$0x3FB6] =	sst s7  }
0x10: {  	[smem:$0x3FB7] =	sst s8  }
0x11: {  	[smem:$0x3FB8] =	sst s9;
	s0 =	simm.s32 @!p0 $0x0  }
0x12: {  	s1 =	sld [smem:$0x3F9E];
	s0 =	simm.s32 @p0 $0x1  }
0x13: {  	[smem:$0x3FB9] =	sst s0;
	s0 =	simm.s32 @!p1 $0x0  }
0x14: {  	s2 =	sld [smem:$0x3F9D];
	s0 =	simm.s32 @p1 $0x1  }
0x15: {  	[smem:$0x3FBA] =	sst s0;
	s0 =	simm.s32 @!p2 $0x0  }
0x16: {  	s3 =	sld [smem:$0x3FDB];
	s0 =	simm.s32 @p2 $0x1  }
0x17: {  	s4 =	simm.s32 $0x1BF5;
	[smem:$0x3FBC] =	sst s0  }
0x18: {  	s0 =	sld [smem:$0x3F9F];
	_ =	swait.ge [sflag:s4], $0x0  }
0x19: {  	s7 =	sld [smem:$0x3FA0]  }
0x1a: {  	s8 =	sadd.s32 $0xFFFFE003, lr  }
0x1b: {  	s9 =	sadd.s32 $0xFFFFFEF7, lr;
	s5 =	simm.s32 $0xFFFFFFFF;
	p2 =	slt.u32 s8, $0xFFFFF086  }
0x1c: {  	p1 =	slt.u32 s9, $0xF7A;
	s5 =	simm.s32 @!p2 $0x0  }
0x1d: {  	s5 =	simm.s32 @p1 $0x1;
	p0 =	seq.s32 s7, s2  }
0x1e: {  	s7 =	smul.u32 @!p0 $0xF7A, s2;
	p2 =	seq.s32 @!p0 s5, $0x0  }
0x1f: {  	s9 =	smul.u32 $0xF7A, s1;
	s8 =	simm.s32 @!p0 $0x1BF5;
	p2 =	por !p2, p0  }
0x20: {  	[sflag:s8] =	ssyncset.s32 @!p0 $0xFFFFF086;
	s6 =	sadd.s32 @!p0 s3, s7;
	s7 =	simm.s32 @!p0 $0x108  }
0x21: {  	s3 =	sadd.s32 s3, s9;
	s6 =	sadd.s32 @!p0 $0x88, s6;
	s7 =	simm.s32 @p2 $0x1082  }
0x22: {  	[simem:s7], [sflag:s8] =	dma.local @!p0 [hbm:s6], $0xF7A  }
0x23: {  	s9 =	sor.u32 $0xD0000000, s2;
	s6 =	simm.s32 $0x108;
	_ =	swait.ge @!p0 [sflag:s8], $0x0  }
0x24: {  	s3 =	sadd.s32 $0x88, s3;
	s6 =	simm.s32 @!p1 $0x1082;
	[sflag:s4] =	ssyncset.s32 $0xFFFFF086  }
0x25: {  	[simem:s6], [sflag:s4] =	dma.local [hbm:s3], $0xF7A  }
0x26: {  	[smem:$0x3FA0] =	sst s1;
	(tag) =	ssettag s2;
	_ =	strace s9  }
0x27: {  	s1 =	sld [smem:$0x3FB0]  }
0x28: {  	s2 =	sld [smem:$0x3FB1]  }
0x29: {  	s4 =	sld [smem:$0x3FB3]  }
0x2a: {  	p0 =	seq.s32 s5, $0x0;
	s5 =	sld [smem:$0x3FB4]  }
0x2b: {  	s6 =	sld [smem:$0x3FB5]  }
0x2c: {  	s7 =	sld [smem:$0x3FB6]  }
0x2d: {  	s3 =	simm.s32 $0x108;
	s8 =	sld [smem:$0x3FB7]  }
0x2e: {  	s3 =	simm.s32 @!p0 $0x1082;
	s9 =	sld [smem:$0x3FB8]  }
0x2f: {  	lr =	sadd.s32 s0, s3;
	s0 =	sld [smem:$0x3FAF]  }
0x30: {  	s3 =	sld [smem:$0x3FB2]  }
0x31: {  	[smem:$0x3FBB] =	sst s10  }
0x32: {  	s10 =	sld [smem:$0x3FB9];
	_ =	sdelay $0x3  }
0x33: {  	p0 =	seq.s32 s10, $0x1;
	s10 =	sld [smem:$0x3FBB];
	_ =	sdelay $0x3  }
0x34: {  	[smem:$0x3FBB] =	sst s10  }
0x35: {  	s10 =	sld [smem:$0x3FBA];
	_ =	sdelay $0x3  }
0x36: {  	p1 =	seq.s32 s10, $0x1;
	s10 =	sld [smem:$0x3FBB];
	_ =	sdelay $0x3  }
0x37: {  	[smem:$0x3FBB] =	sst s10  }
0x38: {  	s10 =	sld [smem:$0x3FBC]  }
0x39: {  	_ = 	snop;
	(pc) =	sbr.ind lr, $3  }
0x3a: {  	_ = 	snop  }
0x3b: {  	_ = 	snop  }
0x3c: {  	p2 =	seq.s32 s10, $0x1;
	s10 =	sld [smem:$0x3FBB]  }
0x3d: {  	_ =	shalt  }
0x3e: {  	_ =	shalt  }
0x3f: {  	_ =	shalt  }
0x40: {  	_ =	shalt  }
0x41: {  	_ =	shalt  }
0x42: {  	_ =	shalt  }
0x43: {  	_ =	shalt  }
0x44: {  	_ =	shalt  }
0x45: {  	_ =	shalt  }
0x46: {  	_ =	shalt  }
0x47: {  	_ =	shalt  }
0x48: {  	_ =	shalt  }
0x49: {  	_ =	shalt  }
0x4a: {  	_ =	shalt  }
0x4b: {  	_ =	shalt  }
0x4c: {  	_ =	shalt  }
0x4d: {  	_ =	shalt  }
0x4e: {  	_ =	shalt  }
0x4f: {  	_ =	shalt  }
0x50: {  	_ =	shalt  }
0x51: {  	_ =	shalt  }
0x52: {  	_ =	shalt  }
0x53: {  	_ =	shalt  }
0x54: {  	_ =	shalt  }
0x55: {  	_ =	shalt  }
0x56: {  	_ =	shalt  }
0x57: {  	_ =	shalt  }
0x58: {  	_ =	shalt  }
0x59: {  	_ =	shalt  }
0x5a: {  	_ =	shalt  }
0x5b: {  	_ =	shalt  }
0x5c: {  	_ =	shalt  }
0x5d: {  	_ =	shalt  }
0x5e: {  	_ =	shalt  }
0x5f: {  	_ =	shalt  }
0x60: {  	_ =	shalt  }
0x61: {  	_ =	shalt  }
0x62: {  	_ =	shalt  }
0x63: {  	_ =	shalt  }
0x64: {  	_ =	shalt  }
0x65: {  	_ =	shalt  }
0x66: {  	_ =	shalt  }
0x67: {  	_ =	shalt  }
0x68: {  	_ =	shalt  }
0x69: {  	_ =	shalt  }
0x6a: {  	_ =	shalt  }
0x6b: {  	_ =	shalt  }
0x6c: {  	_ =	shalt  }
0x6d: {  	_ =	shalt  }
0x6e: {  	_ =	shalt  }
0x6f: {  	_ =	shalt  }
0x70: {  	_ =	shalt  }
0x71: {  	_ =	shalt  }
0x72: {  	_ =	shalt  }
0x73: {  	_ =	shalt  }
0x74: {  	_ =	shalt  }
0x75: {  	_ =	shalt  }
0x76: {  	_ =	shalt  }
0x77: {  	_ =	shalt  }
0x78: {  	_ =	shalt  }
0x79: {  	_ =	shalt  }
0x7a: {  	_ =	shalt  }
0x7b: {  	_ =	shalt  }
0x7c: {  	_ =	shalt  }
0x7d: {  	_ =	shalt  }
0x7e: {  	_ =	shalt  }
0x7f: {  	_ =	shalt  }
0x80: {  	_ =	shalt  }
0x81: {  	_ =	shalt  }
0x82: {  	_ =	shalt  }
0x83: {  	_ =	shalt  }
0x84: {  	_ =	shalt  }
0x85: {  	_ =	shalt  }
0x86: {  	_ =	shalt  }
0x87: {  	_ =	shalt  }
.Lfunc_end0:
.L_simem_size_0:
called_computation_lowered:
.L_overlay_start_0:
0x88: {  	s2 =	sld [smem:$0x3FD9]  }
0x89: {  	s3 =	sld [smem:$0x3FFE];
	_ =	sdelay $0x1  }
0x8a: {  	s1 =	srdreg.scid  }
0x8b: {  	s0 =	sand.u32 $0x1, s1  }
0x8c: {  	s17 =	sshll.u32 s0, $0xA;
	s2 =	sadd.s32 s3, s2  }
0x8d: {  	s2 =	sadd.s32 s2, s17  }
0x8e: {  	[smem:$0x3FC7] =	sst s2  }
0x8f: {  	_ = 	snop  }
0x90: {  	s2 =	sld [smem:$0x3FC9]  }
0x91: {  	s18 =	sld [smem:$0x3FD0];
	(tm) =	ssettm $0x1  }
0x92: {  	s4 =	sld [smem:$0x3FFB];
	_ =	sdelay $0x3  }
0x93: {  	_ =	strace s4  }
0x94: {  	s4 =	sld [smem:$0x3FFC];
	_ =	sdelay $0x3  }
0x95: {  	_ =	strace s4  }
0x96: {  	s4 =	sld [smem:$0x3FFD];
	_ =	sdelay $0x3  }
0x97: {  	_ =	strace s4  }
0x98: {  	_ =	strace $0x8FFFFFFF  }
0x99: {  	s19 =	sld [smem:$0x3FDB];
	_ =	sdelay $0x1  }
0x9a: {  	s5 =	simm.s32 $_scs_section_size  }
0x9b: {  	s6 =	simm.s32 $_size__tile_overlayer_lowered;
	s7 =	simm.s32 $_tile_overlayer_lowered  }
0x9c: {  	s22 =	simm.s32 $0x1BFF;
	s21 =	sshll.u32 s7, $0x1;
	s4 =	sadd.s32 s5, s19  }
0x9d: {  	s8 =	simm.s32 $0x0;
	s20 =	sshll.u32 s6, $0x1;
	s6 =	sadd.s32 s21, s4  }
0x9e: {  	[timem:s8], [sflag:s22] =	dma.local [hbm:s6], s20  }
0x9f: {  	_ =	swait.ge [sflag:s22], s20  }
0xa0: {  	s5 =	ssub.s32 $0x0, s20;
	[sflag:s22] =	ssyncset.done $0x0  }
0xa1: {  	[sflag:s22] =	ssyncadd.s32 s5;
	_ =	sdelay $0x1  }
0xa2: {  	s23 =	simm.s32 $0x1B8B  }
0xa3: {  	_ =	swait.ge [sflag:s23], $0x1  }
0xa4: {  	[sflag:s23] =	ssyncset.done $0x0  }
0xa5: {  	s25 =	simm.s32 $0x1B8E;
	s24 =	sld [smem:$0x3FFE];
	[sflag:s23] =	ssyncadd.s32 $0xFFFFFFFF  }
0xa6: {  	s26 =	simm.s32 $execute0_lowered;
	[smem:$0x3FD2] =	sst s25  }
0xa7: {  	s6 =	sshll.u32 s26, $0x1;
	_ =	strace $0x80000046;
	[dreg:$0x1] =	wrdreg $0xFFFFFFFF  }
0xa8: {  	s28 =	simm.s32 $_size_execute0_lowered;
	s4 =	sadd.s32 s4, s6;
	[dreg:$0x0] =	wrdreg $0x0  }
0xa9: {  	s6 =	sshll.u32 s28, $0x1;
	[dreg:$0x2] =	wrdreg s4  }
0xaa: {  	[dreg:$0x3] =	wrdreg s6  }
0xab: {  	[dreg:$0x4] =	wrdreg $0xC0  }
0xac: {  	_ =	task [dreg:s8], $0x5FFFF  }
0xad: {  	[dreg:$0x1] =	wrdreg $0xFFFFFFFF  }
0xae: {  	[dreg:$0x0] =	wrdreg $0x60  }
0xaf: {  	[dreg:$0x2] =	wrdreg s2  }
0xb0: {  	[dreg:$0x3] =	wrdreg s18  }
0xb1: {  	[dreg:$0x4] =	wrdreg s24  }
0xb2: {  	[dreg:$0x5] =	wrdreg $0x9  }
0xb3: {  	_ =	task.clear_ibuf [dreg:s8], $0x6FFFF;
	_ =	strace $0x90000046  }
0xb4: {  	s29 =	simm.s32 $0x9;
	_ =	strace $0x80000048  }
0xb5: {  	_ =	swait.ge [sflag:s29], $0x1  }
0xb6: {  	[sflag:s29] =	ssyncadd.s32 $0xFFFFFFFF  }
0xb7: {  	_ =	strace $0x90000048  }
0xb8: {  	_ =	sfence  }
0xb9: {  	s30 =	sld [smem:$0x0];
	_ =	sdelay $0x2  }
0xba: {  	s31 =	sshll.u32 s1, $0xD;
	s1 =	sshrl.u32 s1, $0x2  }
0xbb: {  	s3 =	sand.u32 $0x4000, s31;
	s1 =	sadd.s32 s1, s30  }
0xbc: {  	s0 =	sor.u32 s3, s0;
	s1 =	sshll.u32 s1, $0x11  }
0xbd: {  	s0 =	sor.u32 s1, s0  }
0xbe: {  	s0 =	sadd.s32 $0x8F2B, s0  }
0xbf: {  	[sflag:s0] =	ssyncadd.remote.s32 $0x1  }
0xc0: {  	_ =	sfence.sel $0xFFFF  }
0xc1: {  	[dreg:$0x0] =	wrdreg $0xFFFFFFFF;
	(pc) =	sbr.abs _section_cstart, $3  }
0xc2: {  	[dreg:$0x1] =	wrdreg $0xFFFFFFFF  }
0xc3: {  	_ =	task.clear_ibuf [dreg:s8], $0x2FFFF;
	_ =	strace $0x9FFFFFFF  }
0xc4: {  	(tm) =	ssettm $0x7FFFFFFF  }
0xc5: {  	_ =	shalt  }
tec
execute0_lowered:
.L_overlay_start_1:
0x0: {  	(tag) =	ssettag $0x1  }
0x1: {  	s7 =	rddreg [dreg:$0x0]  }
0x2: {  	s1 =	rddreg [dreg:$0x1]  }
0x3: {  	s4 =	rddreg [dreg:$0x2]  }
0x4: {  	s0 =	rddreg [dreg:$0x3];
	s5 =	srdreg.scid  }
0x5: {  	s3 =	simm.s32 $0x0;
	s2 =	stileid.u32;
	s14 =	simm.s32 $0x18100  }
0x6: {  	s15 =	simm.s32 $0x2;
	s16 =	simm.s32 $0x0;
	s8 =	sand.u32 $0x1, s5  }
0x7: {  	[smem:$0x7FF] =	sst s3;
	s6 =	sshll.u32 s2, $0x1;
	s10 =	sadd.s32 $0x800, s4  }
0x8: {  	s25 =	sshll.u32 s2, $0xD;
	s26 =	sshll.u32 s2, $0x5;
	s28 =	smul.u32 $0x30000, s2  }
0x9: {  	s13 =	sshll.u32 s2, $0x10;
	s5 =	ssub.s32 $0x2, s8;
	_ =	strace $0x80000047  }
0xa: {  	s6 =	sor.u32 s8, s6;
	s11 =	sshll.u32 s8, $0x4;
	s12 =	sshll.u32 s8, $0xC  }
0xb: {  	s29 =	smul.u32 $0x18000, s8;
	s8 =	sshll.u32 s8, $0xF;
	s9 =	sshrl.u32 s5, $0x1  }
0xc: {  	s24 =	smul.u32 $0x18000, s6;
	s6 =	sadd.s32 s25, s10;
	s8 =	sor.u32 s8, s13  }
0xd: {  	s13 =	simm.s32 $0x1;
	s5 =	ssub.s32 s5, s9;
	s9 =	sor.u32 s11, s26  }
0xe: {  	s6 =	sadd.s32 s12, s6;
	s11 =	sadd.s32 s28, s7;
	s31 =	sshrl.u32 s8, $0x3  }
0xf: {  	s12 =	simm.s32 $0xC100;
	s4 =	sadd.s32 s7, s24;
	s9 =	smul.u32 $0x1800, s9  }
0x10: {  	s5 =	smax.u32 s5, $0x1;
	s6 =	sadd.s32 $0x100, s6;
	s30 =	sadd.s32 s29, s11  }
0x11: {  	s11 =	simm.s32 $0x100;
	s8 =	sadd.s32 $0x3000, s30;
	s9 =	sadd.s32 s9, s7  }
0x12: {  	s7 =	sadd.s32 $0x1800, s9;
	s9 =	sadd.s32 s31, s10;
	s10 =	simm.s32 $0x3  }
.LBB2_1:
0x13: {  	[tilespmem:s3], [sflag:$0x3] =	stream.linear.gather [hbm4b:s1+s3], $0x100, $0x38;
	[tilespmem:$0x18900] =	vst v63  }
0x14: {  	_ =	swait.ge [sflag:s10], $0x100  }
0x15: {  	s17 =	smov.u32 s8;
	[sflag:s10] =	ssyncset.done $0x0  }
0x16: {  	s18 =	smov.u32 s7;
	s19 =	simm.s32 $0x0;
	[sflag:s10] =	ssyncadd.s32 $0xFFFFFF00  }
0x17: {  	[tilespmem:s11], [sflag:$0x1] =	stream.linear.gather [hbm4b:s4+s3], $0xC000, $0x38;
	[tilespmem:$0x18900] =	vst v63  }
.LBB2_2:
0x18: {  	[tilespmem:s12], [sflag:$0x2] =	stream.linear.gather [hbm4b:s18+s3], $0xC000, $0x38;
	[tilespmem:$0x18900] =	vst v63  }
0x19: {  	_ =	swait.ge [sflag:s13], $0xC000  }
0x1a: {  	[sflag:s13] =	ssyncset.done $0x0  }
0x1b: {  	[sflag:s13] =	ssyncadd.s32 $0xFFFF4000  }
0x1c: {  	v0 =	vld [tilespmem:$0x0];
	_ =	sdelay $0x4  }
0x1d: {  	v1 =	vshll.u32 v0, $0x3  }
0x1e: {  	v0 =	vand.u32 $0x7F, v0;
	v1 =	vand.u32 $0xFFFFFC00, v1  }
0x1f: {  	v0 =	vor.u32 v0, v1  }
0x20: {  	v1 =	vor.u32 $0x80, v0;
	_ =	sdelay $0x1  }
0x21: {  	v2 =	vadd.s32 $0x6000, v0;
	_ =	sdelay $0x1  }
0x22: {  	v4 =	vadd.s32 $0x6080, v0;
	v3 =	vld.idx.msk [tilespmem:v0+s11+$0x0], $0xffff  }
0x23: {  	v1 =	vld.idx.msk [tilespmem:v1+s11+$0x0], $0xffff;
	_ =	sdelay $0x1  }
0x24: {  	v2 =	vld.idx.msk [tilespmem:v2+s11+$0x0], $0xffff;
	_ =	sdelay $0x1  }
0x25: {  	v4 =	vld.idx.msk [tilespmem:v4+s11+$0x0], $0xffff  }
0x26: {  	v1 =	vadd.f32 v1, v3;
	_ =	sdelay $0x1  }
0x27: {  	v1 =	vadd.f32 v2, v1;
	_ =	sdelay $0x1  }
0x28: {  	v31 =	vor.u32 $0x100, v0;
	v1 =	vadd.f32 v4, v1  }
0x29: {  	v32 =	vor.u32 $0x180, v0  }
0x2a: {  	v1 =	vmul.f32 $2.500000000e-01, v1  }
0x2b: {  	v33 =	vadd.s32 $0x6100, v0  }
0x2c: {  	[tilespmem:$0x18100] =	vst v1  }
0x2d: {  	v34 =	vadd.s32 $0x6180, v0;
	v1 =	vld.idx.msk [tilespmem:v31+s11+$0x0], $0xffff  }
0x2e: {  	v3 =	vld.idx.msk [tilespmem:v32+s11+$0x0], $0xffff;
	_ =	sdelay $0x1  }
0x2f: {  	v4 =	vld.idx.msk [tilespmem:v33+s11+$0x0], $0xffff;
	_ =	sdelay $0x1  }
0x30: {  	v2 =	vld.idx.msk [tilespmem:v34+s11+$0x0], $0xffff  }
0x31: {  	v1 =	vadd.f32 v3, v1;
	_ =	sdelay $0x1  }
0x32: {  	v1 =	vadd.f32 v4, v1;
	_ =	sdelay $0x1  }
0x33: {  	v35 =	vor.u32 $0x200, v0;
	v1 =	vadd.f32 v2, v1  }
0x34: {  	v36 =	vor.u32 $0x280, v0  }
0x35: {  	v1 =	vmul.f32 $2.500000000e-01, v1  }
0x36: {  	v37 =	vadd.s32 $0x6200, v0  }
0x37: {  	[tilespmem:$0x18180] =	vst v1  }
0x38: {  	v38 =	vadd.s32 $0x6280, v0;
	v1 =	vld.idx.msk [tilespmem:v35+s11+$0x0], $0xffff  }
0x39: {  	v3 =	vld.idx.msk [tilespmem:v36+s11+$0x0], $0xffff;
	_ =	sdelay $0x1  }
0x3a: {  	v4 =	vld.idx.msk [tilespmem:v37+s11+$0x0], $0xffff;
	_ =	sdelay $0x1  }
0x3b: {  	v2 =	vld.idx.msk [tilespmem:v38+s11+$0x0], $0xffff  }
0x3c: {  	v1 =	vadd.f32 v3, v1;
	_ =	sdelay $0x1  }
0x3d: {  	v1 =	vadd.f32 v4, v1;
	_ =	sdelay $0x1  }
0x3e: {  	v39 =	vor.u32 $0x300, v0;
	v1 =	vadd.f32 v2, v1  }
0x3f: {  	v40 =	vor.u32 $0x380, v0  }
0x40: {  	v1 =	vmul.f32 $2.500000000e-01, v1  }
0x41: {  	v41 =	vadd.s32 $0x6300, v0  }
0x42: {  	[tilespmem:$0x18200] =	vst v1  }
0x43: {  	v42 =	vadd.s32 $0x6380, v0;
	v1 =	vld.idx.msk [tilespmem:v39+s11+$0x0], $0xffff  }
0x44: {  	v3 =	vld.idx.msk [tilespmem:v40+s11+$0x0], $0xffff;
	_ =	sdelay $0x1  }
0x45: {  	v4 =	vld.idx.msk [tilespmem:v41+s11+$0x0], $0xffff;
	_ =	sdelay $0x1  }
0x46: {  	v2 =	vld.idx.msk [tilespmem:v42+s11+$0x0], $0xffff  }
0x47: {  	v1 =	vadd.f32 v3, v1;
	_ =	sdelay $0x1  }
0x48: {  	v1 =	vadd.f32 v4, v1;
	_ =	sdelay $0x1  }
0x49: {  	v43 =	vadd.s32 $0x1800, v0;
	v1 =	vadd.f32 v2, v1  }
0x4a: {  	v44 =	vadd.s32 $0x1880, v0  }
0x4b: {  	v1 =	vmul.f32 $2.500000000e-01, v1  }
0x4c: {  	v45 =	vadd.s32 $0x7800, v0  }
0x4d: {  	[tilespmem:$0x18280] =	vst v1  }
0x4e: {  	v46 =	vadd.s32 $0x7880, v0;
	v1 =	vld.idx.msk [tilespmem:v43+s11+$0x0], $0xffff  }
0x4f: {  	v3 =	vld.idx.msk [tilespmem:v44+s11+$0x0], $0xffff;
	_ =	sdelay $0x1  }
0x50: {  	v4 =	vld.idx.msk [tilespmem:v45+s11+$0x0], $0xffff;
	_ =	sdelay $0x1  }
0x51: {  	v2 =	vld.idx.msk [tilespmem:v46+s11+$0x0], $0xffff  }
0x52: {  	v1 =	vadd.f32 v3, v1;
	_ =	sdelay $0x1  }
0x53: {  	v1 =	vadd.f32 v4, v1;
	_ =	sdelay $0x1  }
0x54: {  	v47 =	vadd.s32 $0x1900, v0;
	v1 =	vadd.f32 v2, v1  }
0x55: {  	v48 =	vadd.s32 $0x1980, v0  }
0x56: {  	v1 =	vmul.f32 $2.500000000e-01, v1  }
0x57: {  	v49 =	vadd.s32 $0x7900, v0  }
0x58: {  	[tilespmem:$0x18300] =	vst v1  }
0x59: {  	v50 =	vadd.s32 $0x7980, v0;
	v1 =	vld.idx.msk [tilespmem:v47+s11+$0x0], $0xffff  }
0x5a: {  	v3 =	vld.idx.msk [tilespmem:v48+s11+$0x0], $0xffff;
	_ =	sdelay $0x1  }
0x5b: {  	v4 =	vld.idx.msk [tilespmem:v49+s11+$0x0], $0xffff;
	_ =	sdelay $0x1  }
0x5c: {  	v2 =	vld.idx.msk [tilespmem:v50+s11+$0x0], $0xffff  }
0x5d: {  	v1 =	vadd.f32 v3, v1;
	_ =	sdelay $0x1  }
0x5e: {  	v1 =	vadd.f32 v4, v1;
	_ =	sdelay $0x1  }
0x5f: {  	v51 =	vadd.s32 $0x1A00, v0;
	v1 =	vadd.f32 v2, v1  }
0x60: {  	v52 =	vadd.s32 $0x1A80, v0  }
0x61: {  	v1 =	vmul.f32 $2.500000000e-01, v1  }
0x62: {  	v53 =	vadd.s32 $0x7A00, v0  }
0x63: {  	[tilespmem:$0x18380] =	vst v1  }
0x64: {  	v54 =	vadd.s32 $0x7A80, v0;
	v1 =	vld.idx.msk [tilespmem:v51+s11+$0x0], $0xffff  }
0x65: {  	v3 =	vld.idx.msk [tilespmem:v52+s11+$0x0], $0xffff;
	_ =	sdelay $0x1  }
0x66: {  	v4 =	vld.idx.msk [tilespmem:v53+s11+$0x0], $0xffff;
	_ =	sdelay $0x1  }
0x67: {  	v2 =	vld.idx.msk [tilespmem:v54+s11+$0x0], $0xffff  }
0x68: {  	v1 =	vadd.f32 v3, v1;
	_ =	sdelay $0x1  }
0x69: {  	v1 =	vadd.f32 v4, v1;
	_ =	sdelay $0x1  }
0x6a: {  	v55 =	vadd.s32 $0x1B00, v0;
	v1 =	vadd.f32 v2, v1  }
0x6b: {  	v56 =	vadd.s32 $0x1B80, v0  }
0x6c: {  	v1 =	vmul.f32 $2.500000000e-01, v1  }
0x6d: {  	v57 =	vadd.s32 $0x7B00, v0  }
0x6e: {  	[tilespmem:$0x18400] =	vst v1  }
0x6f: {  	v58 =	vadd.s32 $0x7B80, v0;
	v1 =	vld.idx.msk [tilespmem:v55+s11+$0x0], $0xffff  }
0x70: {  	v3 =	vld.idx.msk [tilespmem:v56+s11+$0x0], $0xffff;
	_ =	sdelay $0x1  }
0x71: {  	v4 =	vld.idx.msk [tilespmem:v57+s11+$0x0], $0xffff;
	_ =	sdelay $0x1  }
0x72: {  	v2 =	vld.idx.msk [tilespmem:v58+s11+$0x0], $0xffff  }
0x73: {  	v1 =	vadd.f32 v3, v1;
	_ =	sdelay $0x1  }
0x74: {  	v1 =	vadd.f32 v4, v1;
	_ =	sdelay $0x1  }
0x75: {  	v59 =	vadd.s32 $0x3000, v0;
	v1 =	vadd.f32 v2, v1  }
0x76: {  	v60 =	vadd.s32 $0x3080, v0  }
0x77: {  	v1 =	vmul.f32 $2.500000000e-01, v1  }
0x78: {  	v61 =	vadd.s32 $0x9000, v0  }
0x79: {  	[tilespmem:$0x18480] =	vst v1  }
0x7a: {  	v62 =	vadd.s32 $0x9080, v0;
	v1 =	vld.idx.msk [tilespmem:v59+s11+$0x0], $0xffff  }
0x7b: {  	v3 =	vld.idx.msk [tilespmem:v60+s11+$0x0], $0xffff;
	_ =	sdelay $0x1  }
0x7c: {  	v4 =	vld.idx.msk [tilespmem:v61+s11+$0x0], $0xffff;
	_ =	sdelay $0x1  }
0x7d: {  	v2 =	vld.idx.msk [tilespmem:v62+s11+$0x0], $0xffff  }
0x7e: {  	v1 =	vadd.f32 v3, v1;
	_ =	sdelay $0x1  }
0x7f: {  	v1 =	vadd.f32 v4, v1;
	_ =	sdelay $0x1  }
0x80: {  	v63 =	vadd.s32 $0x3100, v0;
	v1 =	vadd.f32 v2, v1  }
0x81: {  	v8 =	vadd.s32 $0x3180, v0  }
0x82: {  	v1 =	vmul.f32 $2.500000000e-01, v1  }
0x83: {  	v9 =	vadd.s32 $0x9100, v0  }
0x84: {  	[tilespmem:$0x18500] =	vst v1  }
0x85: {  	v10 =	vadd.s32 $0x9180, v0;
	v1 =	vld.idx.msk [tilespmem:v63+s11+$0x0], $0xffff  }
0x86: {  	v3 =	vld.idx.msk [tilespmem:v8+s11+$0x0], $0xffff;
	_ =	sdelay $0x1  }
0x87: {  	v4 =	vld.idx.msk [tilespmem:v9+s11+$0x0], $0xffff;
	_ =	sdelay $0x1  }
0x88: {  	v2 =	vld.idx.msk [tilespmem:v10+s11+$0x0], $0xffff  }
0x89: {  	v1 =	vadd.f32 v3, v1;
	_ =	sdelay $0x1  }
0x8a: {  	v1 =	vadd.f32 v4, v1;
	_ =	sdelay $0x1  }
0x8b: {  	v11 =	vadd.s32 $0x3200, v0;
	v1 =	vadd.f32 v2, v1  }
0x8c: {  	v12 =	vadd.s32 $0x3280, v0  }
0x8d: {  	v1 =	vmul.f32 $2.500000000e-01, v1  }
0x8e: {  	v13 =	vadd.s32 $0x9200, v0  }
0x8f: {  	[tilespmem:$0x18580] =	vst v1  }
0x90: {  	v14 =	vadd.s32 $0x9280, v0;
	v1 =	vld.idx.msk [tilespmem:v11+s11+$0x0], $0xffff  }
0x91: {  	v3 =	vld.idx.msk [tilespmem:v12+s11+$0x0], $0xffff;
	_ =	sdelay $0x1  }
0x92: {  	v4 =	vld.idx.msk [tilespmem:v13+s11+$0x0], $0xffff;
	_ =	sdelay $0x1  }
0x93: {  	v2 =	vld.idx.msk [tilespmem:v14+s11+$0x0], $0xffff  }
0x94: {  	v1 =	vadd.f32 v3, v1;
	_ =	sdelay $0x1  }
0x95: {  	v1 =	vadd.f32 v4, v1;
	_ =	sdelay $0x1  }
0x96: {  	v15 =	vadd.s32 $0x3300, v0;
	v1 =	vadd.f32 v2, v1  }
0x97: {  	v16 =	vadd.s32 $0x3380, v0  }
0x98: {  	v1 =	vmul.f32 $2.500000000e-01, v1  }
0x99: {  	v17 =	vadd.s32 $0x9300, v0  }
0x9a: {  	[tilespmem:$0x18600] =	vst v1  }
0x9b: {  	v18 =	vadd.s32 $0x9380, v0;
	v1 =	vld.idx.msk [tilespmem:v15+s11+$0x0], $0xffff  }
0x9c: {  	v3 =	vld.idx.msk [tilespmem:v16+s11+$0x0], $0xffff;
	_ =	sdelay $0x1  }
0x9d: {  	v4 =	vld.idx.msk [tilespmem:v17+s11+$0x0], $0xffff;
	_ =	sdelay $0x1  }
0x9e: {  	v2 =	vld.idx.msk [tilespmem:v18+s11+$0x0], $0xffff  }
0x9f: {  	v1 =	vadd.f32 v3, v1;
	_ =	sdelay $0x1  }
0xa0: {  	v1 =	vadd.f32 v4, v1;
	_ =	sdelay $0x1  }
0xa1: {  	v19 =	vadd.s32 $0x4800, v0;
	v1 =	vadd.f32 v2, v1  }
0xa2: {  	v20 =	vadd.s32 $0x4880, v0  }
0xa3: {  	v1 =	vmul.f32 $2.500000000e-01, v1  }
0xa4: {  	v21 =	vadd.s32 $0xA800, v0  }
0xa5: {  	[tilespmem:$0x18680] =	vst v1  }
0xa6: {  	v22 =	vadd.s32 $0xA880, v0;
	v1 =	vld.idx.msk [tilespmem:v19+s11+$0x0], $0xffff  }
0xa7: {  	v3 =	vld.idx.msk [tilespmem:v20+s11+$0x0], $0xffff;
	_ =	sdelay $0x1  }
0xa8: {  	v4 =	vld.idx.msk [tilespmem:v21+s11+$0x0], $0xffff;
	_ =	sdelay $0x1  }
0xa9: {  	v2 =	vld.idx.msk [tilespmem:v22+s11+$0x0], $0xffff  }
0xaa: {  	v1 =	vadd.f32 v3, v1;
	_ =	sdelay $0x1  }
0xab: {  	v1 =	vadd.f32 v4, v1;
	_ =	sdelay $0x1  }
0xac: {  	v23 =	vadd.s32 $0x4900, v0;
	v1 =	vadd.f32 v2, v1  }
0xad: {  	v24 =	vadd.s32 $0x4980, v0  }
0xae: {  	v1 =	vmul.f32 $2.500000000e-01, v1  }
0xaf: {  	v25 =	vadd.s32 $0xA900, v0  }
0xb0: {  	[tilespmem:$0x18700] =	vst v1  }
0xb1: {  	v26 =	vadd.s32 $0xA980, v0;
	v1 =	vld.idx.msk [tilespmem:v23+s11+$0x0], $0xffff  }
0xb2: {  	v3 =	vld.idx.msk [tilespmem:v24+s11+$0x0], $0xffff;
	_ =	sdelay $0x1  }
0xb3: {  	v4 =	vld.idx.msk [tilespmem:v25+s11+$0x0], $0xffff;
	_ =	sdelay $0x1  }
0xb4: {  	v2 =	vld.idx.msk [tilespmem:v26+s11+$0x0], $0xffff  }
0xb5: {  	v1 =	vadd.f32 v3, v1;
	_ =	sdelay $0x1  }
0xb6: {  	v1 =	vadd.f32 v4, v1;
	_ =	sdelay $0x1  }
0xb7: {  	v27 =	vadd.s32 $0x4A00, v0;
	v1 =	vadd.f32 v2, v1  }
0xb8: {  	v28 =	vadd.s32 $0x4A80, v0  }
0xb9: {  	v1 =	vmul.f32 $2.500000000e-01, v1  }
0xba: {  	v29 =	vadd.s32 $0xAA00, v0  }
0xbb: {  	[tilespmem:$0x18780] =	vst v1  }
0xbc: {  	v30 =	vadd.s32 $0xAA80, v0;
	v1 =	vld.idx.msk [tilespmem:v27+s11+$0x0], $0xffff  }
0xbd: {  	v3 =	vld.idx.msk [tilespmem:v28+s11+$0x0], $0xffff;
	_ =	sdelay $0x1  }
0xbe: {  	v4 =	vld.idx.msk [tilespmem:v29+s11+$0x0], $0xffff;
	_ =	sdelay $0x1  }
0xbf: {  	v2 =	vld.idx.msk [tilespmem:v30+s11+$0x0], $0xffff  }
0xc0: {  	v1 =	vadd.f32 v3, v1;
	_ =	sdelay $0x1  }
0xc1: {  	v1 =	vadd.f32 v4, v1;
	_ =	sdelay $0x1  }
0xc2: {  	v31 =	vadd.s32 $0x4B00, v0;
	v1 =	vadd.f32 v2, v1  }
0xc3: {  	v32 =	vadd.s32 $0x4B80, v0  }
0xc4: {  	v1 =	vmul.f32 $2.500000000e-01, v1  }
0xc5: {  	v33 =	vadd.s32 $0xAB00, v0  }
0xc6: {  	[tilespmem:$0x18800] =	vst v1  }
0xc7: {  	v0 =	vadd.s32 $0xAB80, v0;
	v1 =	vld.idx.msk [tilespmem:v31+s11+$0x0], $0xffff  }
0xc8: {  	v34 =	vld.idx.msk [tilespmem:v32+s11+$0x0], $0xffff  }
0xc9: {  	v36 =	vld [tilespmem:$0x80]  }
0xca: {  	v35 =	vld.idx.msk [tilespmem:v33+s11+$0x0], $0xffff;
	_ =	sdelay $0x1  }
0xcb: {  	v0 =	vld.idx.msk [tilespmem:v0+s11+$0x0], $0xffff  }
0xcc: {  	v1 =	vadd.f32 v34, v1;
	_ =	sdelay $0x1  }
0xcd: {  	v37 =	vshll.u32 v36, $0x3;
	v1 =	vadd.f32 v35, v1  }
0xce: {  	v38 =	vand.u32 $0x7F, v36;
	v2 =	vand.u32 $0xFFFFFC00, v37  }
0xcf: {  	v1 =	vadd.f32 v0, v1;
	v0 =	vor.u32 v38, v2  }
0xd0: {  	v2 =	vor.u32 $0x80, v0  }
0xd1: {  	v1 =	vmul.f32 $2.500000000e-01, v1  }
0xd2: {  	v3 =	vadd.s32 $0x6000, v0  }
0xd3: {  	[tilespmem:$0x18880] =	vst v1  }
0xd4: {  	v39 =	vadd.s32 $0x6080, v0;
	v1 =	vld.idx.msk [tilespmem:v0+s11+$0x0], $0xffff  }
0xd5: {  	v2 =	vld.idx.msk [tilespmem:v2+s11+$0x0], $0xffff;
	_ =	sdelay $0x1  }
0xd6: {  	v3 =	vld.idx.msk [tilespmem:v3+s11+$0x0], $0xffff;
	_ =	sdelay $0x1  }
0xd7: {  	v4 =	vld.idx.msk [tilespmem:v39+s11+$0x0], $0xffff  }
0xd8: {  	v1 =	vadd.f32 v2, v1;
	_ =	sdelay $0x1  }
0xd9: {  	v1 =	vadd.f32 v3, v1;
	_ =	sdelay $0x1  }
0xda: {  	v40 =	vor.u32 $0x100, v0;
	v1 =	vadd.f32 v4, v1  }
0xdb: {  	v41 =	vor.u32 $0x180, v0  }
0xdc: {  	v1 =	vmul.f32 $2.500000000e-01, v1  }
0xdd: {  	v42 =	vadd.s32 $0x6100, v0  }
0xde: {  	[tilespmem:$0x18110] =	vst v1  }
0xdf: {  	v43 =	vadd.s32 $0x6180, v0;
	v1 =	vld.idx.msk [tilespmem:v40+s11+$0x0], $0xffff  }
0xe0: {  	v3 =	vld.idx.msk [tilespmem:v41+s11+$0x0], $0xffff;
	_ =	sdelay $0x1  }
0xe1: {  	v4 =	vld.idx.msk [tilespmem:v42+s11+$0x0], $0xffff;
	_ =	sdelay $0x1  }
0xe2: {  	v2 =	vld.idx.msk [tilespmem:v43+s11+$0x0], $0xffff  }
0xe3: {  	v1 =	vadd.f32 v3, v1;
	_ =	sdelay $0x1  }
0xe4: {  	v1 =	vadd.f32 v4, v1;
	_ =	sdelay $0x1  }
0xe5: {  	v44 =	vor.u32 $0x200, v0;
	v1 =	vadd.f32 v2, v1  }
0xe6: {  	v45 =	vor.u32 $0x280, v0  }
0xe7: {  	v1 =	vmul.f32 $2.500000000e-01, v1  }
0xe8: {  	v46 =	vadd.s32 $0x6200, v0  }
0xe9: {  	[tilespmem:$0x18190] =	vst v1  }
0xea: {  	v47 =	vadd.s32 $0x6280, v0;
	v1 =	vld.idx.msk [tilespmem:v44+s11+$0x0], $0xffff  }
0xeb: {  	v3 =	vld.idx.msk [tilespmem:v45+s11+$0x0], $0xffff;
	_ =	sdelay $0x1  }
0xec: {  	v4 =	vld.idx.msk [tilespmem:v46+s11+$0x0], $0xffff;
	_ =	sdelay $0x1  }
0xed: {  	v2 =	vld.idx.msk [tilespmem:v47+s11+$0x0], $0xffff  }
0xee: {  	v1 =	vadd.f32 v3, v1;
	_ =	sdelay $0x1  }
0xef: {  	v1 =	vadd.f32 v4, v1;
	_ =	sdelay $0x1  }
0xf0: {  	v48 =	vor.u32 $0x300, v0;
	v1 =	vadd.f32 v2, v1  }
0xf1: {  	v49 =	vor.u32 $0x380, v0  }
0xf2: {  	v1 =	vmul.f32 $2.500000000e-01, v1  }
0xf3: {  	v50 =	vadd.s32 $0x6300, v0  }
0xf4: {  	[tilespmem:$0x18210] =	vst v1  }
0xf5: {  	v51 =	vadd.s32 $0x6380, v0;
	v1 =	vld.idx.msk [tilespmem:v48+s11+$0x0], $0xffff  }
0xf6: {  	v3 =	vld.idx.msk [tilespmem:v49+s11+$0x0], $0xffff;
	_ =	sdelay $0x1  }
0xf7: {  	v4 =	vld.idx.msk [tilespmem:v50+s11+$0x0], $0xffff;
	_ =	sdelay $0x1  }
0xf8: {  	v2 =	vld.idx.msk [tilespmem:v51+s11+$0x0], $0xffff  }
0xf9: {  	v1 =	vadd.f32 v3, v1;
	_ =	sdelay $0x1  }
0xfa: {  	v1 =	vadd.f32 v4, v1;
	_ =	sdelay $0x1  }
0xfb: {  	v52 =	vadd.s32 $0x1800, v0;
	v1 =	vadd.f32 v2, v1  }
0xfc: {  	v53 =	vadd.s32 $0x1880, v0  }
0xfd: {  	v1 =	vmul.f32 $2.500000000e-01, v1  }
0xfe: {  	v54 =	vadd.s32 $0x7800, v0  }
0xff: {  	[tilespmem:$0x18290] =	vst v1  }
0x100: {  	v55 =	vadd.s32 $0x7880, v0;
	v1 =	vld.idx.msk [tilespmem:v52+s11+$0x0], $0xffff  }
0x101: {  	v3 =	vld.idx.msk [tilespmem:v53+s11+$0x0], $0xffff;
	_ =	sdelay $0x1  }
0x102: {  	v4 =	vld.idx.msk [tilespmem:v54+s11+$0x0], $0xffff;
	_ =	sdelay $0x1  }
0x103: {  	v2 =	vld.idx.msk [tilespmem:v55+s11+$0x0], $0xffff  }
0x104: {  	v1 =	vadd.f32 v3, v1;
	_ =	sdelay $0x1  }
0x105: {  	v1 =	vadd.f32 v4, v1;
	_ =	sdelay $0x1  }
0x106: {  	v56 =	vadd.s32 $0x1900, v0;
	v1 =	vadd.f32 v2, v1  }
0x107: {  	v57 =	vadd.s32 $0x1980, v0  }
0x108: {  	v1 =	vmul.f32 $2.500000000e-01, v1  }
0x109: {  	v58 =	vadd.s32 $0x7900, v0  }
0x10a: {  	[tilespmem:$0x18310] =	vst v1  }
0x10b: {  	v59 =	vadd.s32 $0x7980, v0;
	v1 =	vld.idx.msk [tilespmem:v56+s11+$0x0], $0xffff  }
0x10c: {  	v3 =	vld.idx.msk [tilespmem:v57+s11+$0x0], $0xffff;
	_ =	sdelay $0x1  }
0x10d: {  	v4 =	vld.idx.msk [tilespmem:v58+s11+$0x0], $0xffff;
	_ =	sdelay $0x1  }
0x10e: {  	v2 =	vld.idx.msk [tilespmem:v59+s11+$0x0], $0xffff  }
0x10f: {  	v1 =	vadd.f32 v3, v1;
	_ =	sdelay $0x1  }
0x110: {  	v1 =	vadd.f32 v4, v1;
	_ =	sdelay $0x1  }
0x111: {  	v60 =	vadd.s32 $0x1A00, v0;
	v1 =	vadd.f32 v2, v1  }
0x112: {  	v61 =	vadd.s32 $0x1A80, v0  }
0x113: {  	v1 =	vmul.f32 $2.500000000e-01, v1  }
0x114: {  	v62 =	vadd.s32 $0x7A00, v0  }
0x115: {  	[tilespmem:$0x18390] =	vst v1  }
0x116: {  	v63 =	vadd.s32 $0x7A80, v0;
	v1 =	vld.idx.msk [tilespmem:v60+s11+$0x0], $0xffff  }
0x117: {  	v3 =	vld.idx.msk [tilespmem:v61+s11+$0x0], $0xffff;
	_ =	sdelay $0x1  }
0x118: {  	v4 =	vld.idx.msk [tilespmem:v62+s11+$0x0], $0xffff;
	_ =	sdelay $0x1  }
0x119: {  	v2 =	vld.idx.msk [tilespmem:v63+s11+$0x0], $0xffff  }
0x11a: {  	v1 =	vadd.f32 v3, v1;
	_ =	sdelay $0x1  }
0x11b: {  	v1 =	vadd.f32 v4, v1;
	_ =	sdelay $0x1  }
0x11c: {  	v8 =	vadd.s32 $0x1B00, v0;
	v1 =	vadd.f32 v2, v1  }
0x11d: {  	v9 =	vadd.s32 $0x1B80, v0  }
0x11e: {  	v1 =	vmul.f32 $2.500000000e-01, v1  }
0x11f: {  	v10 =	vadd.s32 $0x7B00, v0  }
0x120: {  	[tilespmem:$0x18410] =	vst v1  }
0x121: {  	v11 =	vadd.s32 $0x7B80, v0;
	v1 =	vld.idx.msk [tilespmem:v8+s11+$0x0], $0xffff  }
0x122: {  	v3 =	vld.idx.msk [tilespmem:v9+s11+$0x0], $0xffff;
	_ =	sdelay $0x1  }
0x123: {  	v4 =	vld.idx.msk [tilespmem:v10+s11+$0x0], $0xffff;
	_ =	sdelay $0x1  }
0x124: {  	v2 =	vld.idx.msk [tilespmem:v11+s11+$0x0], $0xffff  }
0x125: {  	v1 =	vadd.f32 v3, v1;
	_ =	sdelay $0x1  }
0x126: {  	v1 =	vadd.f32 v4, v1;
	_ =	sdelay $0x1  }
0x127: {  	v12 =	vadd.s32 $0x3000, v0;
	v1 =	vadd.f32 v2, v1  }
0x128: {  	v13 =	vadd.s32 $0x3080, v0  }
0x129: {  	v1 =	vmul.f32 $2.500000000e-01, v1  }
0x12a: {  	v14 =	vadd.s32 $0x9000, v0  }
0x12b: {  	[tilespmem:$0x18490] =	vst v1  }
0x12c: {  	v15 =	vadd.s32 $0x9080, v0;
	v1 =	vld.idx.msk [tilespmem:v12+s11+$0x0], $0xffff  }
0x12d: {  	v3 =	vld.idx.msk [tilespmem:v13+s11+$0x0], $0xffff;
	_ =	sdelay $0x1  }
0x12e: {  	v4 =	vld.idx.msk [tilespmem:v14+s11+$0x0], $0xffff;
	_ =	sdelay $0x1  }
0x12f: {  	v2 =	vld.idx.msk [tilespmem:v15+s11+$0x0], $0xffff  }
0x130: {  	v1 =	vadd.f32 v3, v1;
	_ =	sdelay $0x1  }
0x131: {  	v1 =	vadd.f32 v4, v1;
	_ =	sdelay $0x1  }
0x132: {  	v16 =	vadd.s32 $0x3100, v0;
	v1 =	vadd.f32 v2, v1  }
0x133: {  	v17 =	vadd.s32 $0x3180, v0  }
0x134: {  	v1 =	vmul.f32 $2.500000000e-01, v1  }
0x135: {  	v18 =	vadd.s32 $0x9100, v0  }
0x136: {  	[tilespmem:$0x18510] =	vst v1  }
0x137: {  	v19 =	vadd.s32 $0x9180, v0;
	v1 =	vld.idx.msk [tilespmem:v16+s11+$0x0], $0xffff  }
0x138: {  	v3 =	vld.idx.msk [tilespmem:v17+s11+$0x0], $0xffff;
	_ =	sdelay $0x1  }
0x139: {  	v4 =	vld.idx.msk [tilespmem:v18+s11+$0x0], $0xffff;
	_ =	sdelay $0x1  }
0x13a: {  	v2 =	vld.idx.msk [tilespmem:v19+s11+$0x0], $0xffff  }
0x13b: {  	v1 =	vadd.f32 v3, v1;
	_ =	sdelay $0x1  }
0x13c: {  	v1 =	vadd.f32 v4, v1;
	_ =	sdelay $0x1  }
0x13d: {  	v20 =	vadd.s32 $0x3200, v0;
	v1 =	vadd.f32 v2, v1  }
0x13e: {  	v21 =	vadd.s32 $0x3280, v0  }
0x13f: {  	v1 =	vmul.f32 $2.500000000e-01, v1  }
0x140: {  	v22 =	vadd.s32 $0x9200, v0  }
0x141: {  	[tilespmem:$0x18590] =	vst v1  }
0x142: {  	v23 =	vadd.s32 $0x9280, v0;
	v1 =	vld.idx.msk [tilespmem:v20+s11+$0x0], $0xffff  }
0x143: {  	v3 =	vld.idx.msk [tilespmem:v21+s11+$0x0], $0xffff;
	_ =	sdelay $0x1  }
0x144: {  	v4 =	vld.idx.msk [tilespmem:v22+s11+$0x0], $0xffff;
	_ =	sdelay $0x1  }
0x145: {  	v2 =	vld.idx.msk [tilespmem:v23+s11+$0x0], $0xffff  }
0x146: {  	v1 =	vadd.f32 v3, v1;
	_ =	sdelay $0x1  }
0x147: {  	v1 =	vadd.f32 v4, v1;
	_ =	sdelay $0x1  }
0x148: {  	v24 =	vadd.s32 $0x3300, v0;
	v1 =	vadd.f32 v2, v1  }
0x149: {  	v25 =	vadd.s32 $0x3380, v0  }
0x14a: {  	v1 =	vmul.f32 $2.500000000e-01, v1  }
0x14b: {  	v26 =	vadd.s32 $0x9300, v0  }
0x14c: {  	[tilespmem:$0x18610] =	vst v1  }
0x14d: {  	v27 =	vadd.s32 $0x9380, v0;
	v1 =	vld.idx.msk [tilespmem:v24+s11+$0x0], $0xffff  }
0x14e: {  	v3 =	vld.idx.msk [tilespmem:v25+s11+$0x0], $0xffff;
	_ =	sdelay $0x1  }
0x14f: {  	v4 =	vld.idx.msk [tilespmem:v26+s11+$0x0], $0xffff;
	_ =	sdelay $0x1  }
0x150: {  	v2 =	vld.idx.msk [tilespmem:v27+s11+$0x0], $0xffff  }
0x151: {  	v1 =	vadd.f32 v3, v1;
	_ =	sdelay $0x1  }
0x152: {  	v1 =	vadd.f32 v4, v1;
	_ =	sdelay $0x1  }
0x153: {  	v28 =	vadd.s32 $0x4800, v0;
	v1 =	vadd.f32 v2, v1  }
0x154: {  	v29 =	vadd.s32 $0x4880, v0  }
0x155: {  	v1 =	vmul.f32 $2.500000000e-01, v1  }
0x156: {  	v30 =	vadd.s32 $0xA800, v0  }
0x157: {  	[tilespmem:$0x18690] =	vst v1  }
0x158: {  	v31 =	vadd.s32 $0xA880, v0;
	v1 =	vld.idx.msk [tilespmem:v28+s11+$0x0], $0xffff  }
0x159: {  	v3 =	vld.idx.msk [tilespmem:v29+s11+$0x0], $0xffff;
	_ =	sdelay $0x1  }
0x15a: {  	v4 =	vld.idx.msk [tilespmem:v30+s11+$0x0], $0xffff;
	_ =	sdelay $0x1  }
0x15b: {  	v2 =	vld.idx.msk [tilespmem:v31+s11+$0x0], $0xffff  }
0x15c: {  	v1 =	vadd.f32 v3, v1;
	_ =	sdelay $0x1  }
0x15d: {  	v1 =	vadd.f32 v4, v1;
	_ =	sdelay $0x1  }
0x15e: {  	v32 =	vadd.s32 $0x4900, v0;
	v1 =	vadd.f32 v2, v1  }
0x15f: {  	v33 =	vadd.s32 $0x4980, v0  }
0x160: {  	v1 =	vmul.f32 $2.500000000e-01, v1  }
0x161: {  	v34 =	vadd.s32 $0xA900, v0  }
0x162: {  	[tilespmem:$0x18710] =	vst v1  }
0x163: {  	v35 =	vadd.s32 $0xA980, v0;
	v1 =	vld.idx.msk [tilespmem:v32+s11+$0x0], $0xffff  }
0x164: {  	v3 =	vld.idx.msk [tilespmem:v33+s11+$0x0], $0xffff;
	_ =	sdelay $0x1  }
0x165: {  	v4 =	vld.idx.msk [tilespmem:v34+s11+$0x0], $0xffff;
	_ =	sdelay $0x1  }
0x166: {  	v2 =	vld.idx.msk [tilespmem:v35+s11+$0x0], $0xffff  }
0x167: {  	v1 =	vadd.f32 v3, v1;
	_ =	sdelay $0x1  }
0x168: {  	v1 =	vadd.f32 v4, v1;
	_ =	sdelay $0x1  }
0x169: {  	v36 =	vadd.s32 $0x4A00, v0;
	v1 =	vadd.f32 v2, v1  }
0x16a: {  	v37 =	vadd.s32 $0x4A80, v0  }
0x16b: {  	v1 =	vmul.f32 $2.500000000e-01, v1  }
0x16c: {  	v38 =	vadd.s32 $0xAA00, v0  }
0x16d: {  	[tilespmem:$0x18790] =	vst v1  }
0x16e: {  	v39 =	vadd.s32 $0xAA80, v0;
	v1 =	vld.idx.msk [tilespmem:v36+s11+$0x0], $0xffff  }
0x16f: {  	v3 =	vld.idx.msk [tilespmem:v37+s11+$0x0], $0xffff;
	_ =	sdelay $0x1  }
0x170: {  	v4 =	vld.idx.msk [tilespmem:v38+s11+$0x0], $0xffff;
	_ =	sdelay $0x1  }
0x171: {  	v2 =	vld.idx.msk [tilespmem:v39+s11+$0x0], $0xffff  }
0x172: {  	v1 =	vadd.f32 v3, v1;
	_ =	sdelay $0x1  }
0x173: {  	v1 =	vadd.f32 v4, v1;
	_ =	sdelay $0x1  }
0x174: {  	v40 =	vadd.s32 $0x4B00, v0;
	v1 =	vadd.f32 v2, v1  }
0x175: {  	v41 =	vadd.s32 $0x4B80, v0  }
0x176: {  	v1 =	vmul.f32 $2.500000000e-01, v1  }
0x177: {  	v42 =	vadd.s32 $0xAB00, v0  }
0x178: {  	[tilespmem:$0x18810] =	vst v1  }
0x179: {  	v0 =	vadd.s32 $0xAB80, v0;
	v1 =	vld.idx.msk [tilespmem:v40+s11+$0x0], $0xffff  }
0x17a: {  	v43 =	vld.idx.msk [tilespmem:v41+s11+$0x0], $0xffff;
	_ =	sdelay $0x1  }
0x17b: {  	v44 =	vld.idx.msk [tilespmem:v42+s11+$0x0], $0xffff;
	_ =	sdelay $0x1  }
0x17c: {  	v0 =	vld.idx.msk [tilespmem:v0+s11+$0x0], $0xffff  }
0x17d: {  	v1 =	vadd.f32 v43, v1;
	_ =	sdelay $0x1  }
0x17e: {  	v1 =	vadd.f32 v44, v1;
	_ =	sdelay $0x1  }
0x17f: {  	v0 =	vadd.f32 v0, v1;
	_ =	sdelay $0x1  }
0x180: {  	v0 =	vmul.f32 $2.500000000e-01, v0;
	_ =	sdelay $0x1  }
0x181: {  	s20 =	sadd.s32 s19, s9;
	[tilespmem:$0x18890] =	vst v0  }
0x182: {  	[hbm4b:s20+s3] =	stream.linear.scatter [tilespmem:s14], [sflag:$0x3], $0x800, $0x38;
	[tilespmem:$0x18900] =	vst v63  }
0x183: {  	_ =	swait.ge [sflag:s10], $0x800  }
0x184: {  	p0 =	seq.s32 s19, $0xE00;
	[sflag:s10] =	ssyncset.done $0x0  }
0x185: {  	s21 =	simm.s32 @!p0 $0x100;
	s20 =	simm.s32 @!p0 $0x0;
	[sflag:s10] =	ssyncadd.s32 $0xFFFFF800  }
0x186: {  	[tilespmem:s21], [sflag:$0x1] =	stream.linear.gather @!p0 [hbm4b:s17+s20], $0xC000, $0x38;
	[tilespmem:$0x18900] =	vst v63  }
0x187: {  	_ =	swait.ge [sflag:s15], $0xC000  }
0x188: {  	[sflag:s15] =	ssyncset.done $0x0  }
0x189: {  	[sflag:s15] =	ssyncadd.s32 $0xFFFF4000  }
0x18a: {  	v45 =	vld [tilespmem:$0x0];
	_ =	sdelay $0x4  }
0x18b: {  	v46 =	vshll.u32 v45, $0x3  }
0x18c: {  	v0 =	vand.u32 $0x7F, v45;
	v1 =	vand.u32 $0xFFFFFC00, v46  }
0x18d: {  	v0 =	vor.u32 v0, v1  }
0x18e: {  	v1 =	vor.u32 $0x80, v0;
	_ =	sdelay $0x1  }
0x18f: {  	v47 =	vadd.s32 $0x6000, v0;
	_ =	sdelay $0x1  }
0x190: {  	v49 =	vadd.s32 $0x6080, v0;
	v48 =	vld.idx.msk [tilespmem:v0+s12+$0x0], $0xffff  }
0x191: {  	v1 =	vld.idx.msk [tilespmem:v1+s12+$0x0], $0xffff;
	_ =	sdelay $0x1  }
0x192: {  	v2 =	vld.idx.msk [tilespmem:v47+s12+$0x0], $0xffff;
	_ =	sdelay $0x1  }
0x193: {  	v4 =	vld.idx.msk [tilespmem:v49+s12+$0x0], $0xffff  }
0x194: {  	v1 =	vadd.f32 v1, v48;
	_ =	sdelay $0x1  }
0x195: {  	v1 =	vadd.f32 v2, v1;
	_ =	sdelay $0x1  }
0x196: {  	v50 =	vor.u32 $0x100, v0;
	v1 =	vadd.f32 v4, v1  }
0x197: {  	v51 =	vor.u32 $0x180, v0  }
0x198: {  	v1 =	vmul.f32 $2.500000000e-01, v1  }
0x199: {  	v52 =	vadd.s32 $0x6100, v0  }
0x19a: {  	[tilespmem:$0x18100] =	vst v1  }
0x19b: {  	v53 =	vadd.s32 $0x6180, v0;
	v1 =	vld.idx.msk [tilespmem:v50+s12+$0x0], $0xffff  }
0x19c: {  	v3 =	vld.idx.msk [tilespmem:v51+s12+$0x0], $0xffff;
	_ =	sdelay $0x1  }
0x19d: {  	v4 =	vld.idx.msk [tilespmem:v52+s12+$0x0], $0xffff;
	_ =	sdelay $0x1  }
0x19e: {  	v2 =	vld.idx.msk [tilespmem:v53+s12+$0x0], $0xffff  }
0x19f: {  	v1 =	vadd.f32 v3, v1;
	_ =	sdelay $0x1  }
0x1a0: {  	v1 =	vadd.f32 v4, v1;
	_ =	sdelay $0x1  }
0x1a1: {  	v54 =	vor.u32 $0x200, v0;
	v1 =	vadd.f32 v2, v1  }
0x1a2: {  	v55 =	vor.u32 $0x280, v0  }
0x1a3: {  	v1 =	vmul.f32 $2.500000000e-01, v1  }
0x1a4: {  	v56 =	vadd.s32 $0x6200, v0  }
0x1a5: {  	[tilespmem:$0x18180] =	vst v1  }
0x1a6: {  	v57 =	vadd.s32 $0x6280, v0;
	v1 =	vld.idx.msk [tilespmem:v54+s12+$0x0], $0xffff  }
0x1a7: {  	v3 =	vld.idx.msk [tilespmem:v55+s12+$0x0], $0xffff;
	_ =	sdelay $0x1  }
0x1a8: {  	v4 =	vld.idx.msk [tilespmem:v56+s12+$0x0], $0xffff;
	_ =	sdelay $0x1  }
0x1a9: {  	v2 =	vld.idx.msk [tilespmem:v57+s12+$0x0], $0xffff  }
0x1aa: {  	v1 =	vadd.f32 v3, v1;
	_ =	sdelay $0x1  }
0x1ab: {  	v1 =	vadd.f32 v4, v1;
	_ =	sdelay $0x1  }
0x1ac: {  	v58 =	vor.u32 $0x300, v0;
	v1 =	vadd.f32 v2, v1  }
0x1ad: {  	v59 =	vor.u32 $0x380, v0  }
0x1ae: {  	v1 =	vmul.f32 $2.500000000e-01, v1  }
0x1af: {  	v60 =	vadd.s32 $0x6300, v0  }
0x1b0: {  	[tilespmem:$0x18200] =	vst v1  }
0x1b1: {  	v61 =	vadd.s32 $0x6380, v0;
	v1 =	vld.idx.msk [tilespmem:v58+s12+$0x0], $0xffff  }
0x1b2: {  	v3 =	vld.idx.msk [tilespmem:v59+s12+$0x0], $0xffff;
	_ =	sdelay $0x1  }
0x1b3: {  	v4 =	vld.idx.msk [tilespmem:v60+s12+$0x0], $0xffff;
	_ =	sdelay $0x1  }
0x1b4: {  	v2 =	vld.idx.msk [tilespmem:v61+s12+$0x0], $0xffff  }
0x1b5: {  	v1 =	vadd.f32 v3, v1;
	_ =	sdelay $0x1  }
0x1b6: {  	v1 =	vadd.f32 v4, v1;
	_ =	sdelay $0x1  }
0x1b7: {  	v62 =	vadd.s32 $0x1800, v0;
	v1 =	vadd.f32 v2, v1  }
0x1b8: {  	v63 =	vadd.s32 $0x1880, v0  }
0x1b9: {  	v1 =	vmul.f32 $2.500000000e-01, v1  }
0x1ba: {  	v8 =	vadd.s32 $0x7800, v0  }
0x1bb: {  	[tilespmem:$0x18280] =	vst v1  }
0x1bc: {  	v9 =	vadd.s32 $0x7880, v0;
	v1 =	vld.idx.msk [tilespmem:v62+s12+$0x0], $0xffff  }
0x1bd: {  	v3 =	vld.idx.msk [tilespmem:v63+s12+$0x0], $0xffff;
	_ =	sdelay $0x1  }
0x1be: {  	v4 =	vld.idx.msk [tilespmem:v8+s12+$0x0], $0xffff;
	_ =	sdelay $0x1  }
0x1bf: {  	v2 =	vld.idx.msk [tilespmem:v9+s12+$0x0], $0xffff  }
0x1c0: {  	v1 =	vadd.f32 v3, v1;
	_ =	sdelay $0x1  }
0x1c1: {  	v1 =	vadd.f32 v4, v1;
	_ =	sdelay $0x1  }
0x1c2: {  	v10 =	vadd.s32 $0x1900, v0;
	v1 =	vadd.f32 v2, v1  }
0x1c3: {  	v11 =	vadd.s32 $0x1980, v0  }
0x1c4: {  	v1 =	vmul.f32 $2.500000000e-01, v1  }
0x1c5: {  	v12 =	vadd.s32 $0x7900, v0  }
0x1c6: {  	[tilespmem:$0x18300] =	vst v1  }
0x1c7: {  	v13 =	vadd.s32 $0x7980, v0;
	v1 =	vld.idx.msk [tilespmem:v10+s12+$0x0], $0xffff  }
0x1c8: {  	v3 =	vld.idx.msk [tilespmem:v11+s12+$0x0], $0xffff;
	_ =	sdelay $0x1  }
0x1c9: {  	v4 =	vld.idx.msk [tilespmem:v12+s12+$0x0], $0xffff;
	_ =	sdelay $0x1  }
0x1ca: {  	v2 =	vld.idx.msk [tilespmem:v13+s12+$0x0], $0xffff  }
0x1cb: {  	v1 =	vadd.f32 v3, v1;
	_ =	sdelay $0x1  }
0x1cc: {  	v1 =	vadd.f32 v4, v1;
	_ =	sdelay $0x1  }
0x1cd: {  	v14 =	vadd.s32 $0x1A00, v0;
	v1 =	vadd.f32 v2, v1  }
0x1ce: {  	v15 =	vadd.s32 $0x1A80, v0  }
0x1cf: {  	v1 =	vmul.f32 $2.500000000e-01, v1  }
0x1d0: {  	v16 =	vadd.s32 $0x7A00, v0  }
0x1d1: {  	[tilespmem:$0x18380] =	vst v1  }
0x1d2: {  	v17 =	vadd.s32 $0x7A80, v0;
	v1 =	vld.idx.msk [tilespmem:v14+s12+$0x0], $0xffff  }
0x1d3: {  	v3 =	vld.idx.msk [tilespmem:v15+s12+$0x0], $0xffff;
	_ =	sdelay $0x1  }
0x1d4: {  	v4 =	vld.idx.msk [tilespmem:v16+s12+$0x0], $0xffff;
	_ =	sdelay $0x1  }
0x1d5: {  	v2 =	vld.idx.msk [tilespmem:v17+s12+$0x0], $0xffff  }
0x1d6: {  	v1 =	vadd.f32 v3, v1;
	_ =	sdelay $0x1  }
0x1d7: {  	v1 =	vadd.f32 v4, v1;
	_ =	sdelay $0x1  }
0x1d8: {  	v18 =	vadd.s32 $0x1B00, v0;
	v1 =	vadd.f32 v2, v1  }
0x1d9: {  	v19 =	vadd.s32 $0x1B80, v0  }
0x1da: {  	v1 =	vmul.f32 $2.500000000e-01, v1  }
0x1db: {  	v20 =	vadd.s32 $0x7B00, v0  }
0x1dc: {  	[tilespmem:$0x18400] =	vst v1  }
0x1dd: {  	v21 =	vadd.s32 $0x7B80, v0;
	v1 =	vld.idx.msk [tilespmem:v18+s12+$0x0], $0xffff  }
0x1de: {  	v3 =	vld.idx.msk [tilespmem:v19+s12+$0x0], $0xffff;
	_ =	sdelay $0x1  }
0x1df: {  	v4 =	vld.idx.msk [tilespmem:v20+s12+$0x0], $0xffff;
	_ =	sdelay $0x1  }
0x1e0: {  	v2 =	vld.idx.msk [tilespmem:v21+s12+$0x0], $0xffff  }
0x1e1: {  	v1 =	vadd.f32 v3, v1;
	_ =	sdelay $0x1  }
0x1e2: {  	v1 =	vadd.f32 v4, v1;
	_ =	sdelay $0x1  }
0x1e3: {  	v22 =	vadd.s32 $0x3000, v0;
	v1 =	vadd.f32 v2, v1  }
0x1e4: {  	v23 =	vadd.s32 $0x3080, v0  }
0x1e5: {  	v1 =	vmul.f32 $2.500000000e-01, v1  }
0x1e6: {  	v24 =	vadd.s32 $0x9000, v0  }
0x1e7: {  	[tilespmem:$0x18480] =	vst v1  }
0x1e8: {  	v25 =	vadd.s32 $0x9080, v0;
	v1 =	vld.idx.msk [tilespmem:v22+s12+$0x0], $0xffff  }
0x1e9: {  	v3 =	vld.idx.msk [tilespmem:v23+s12+$0x0], $0xffff;
	_ =	sdelay $0x1  }
0x1ea: {  	v4 =	vld.idx.msk [tilespmem:v24+s12+$0x0], $0xffff;
	_ =	sdelay $0x1  }
0x1eb: {  	v2 =	vld.idx.msk [tilespmem:v25+s12+$0x0], $0xffff  }
0x1ec: {  	v1 =	vadd.f32 v3, v1;
	_ =	sdelay $0x1  }
0x1ed: {  	v1 =	vadd.f32 v4, v1;
	_ =	sdelay $0x1  }
0x1ee: {  	v26 =	vadd.s32 $0x3100, v0;
	v1 =	vadd.f32 v2, v1  }
0x1ef: {  	v27 =	vadd.s32 $0x3180, v0  }
0x1f0: {  	v1 =	vmul.f32 $2.500000000e-01, v1  }
0x1f1: {  	v28 =	vadd.s32 $0x9100, v0  }
0x1f2: {  	[tilespmem:$0x18500] =	vst v1  }
0x1f3: {  	v29 =	vadd.s32 $0x9180, v0;
	v1 =	vld.idx.msk [tilespmem:v26+s12+$0x0], $0xffff  }
0x1f4: {  	v3 =	vld.idx.msk [tilespmem:v27+s12+$0x0], $0xffff;
	_ =	sdelay $0x1  }
0x1f5: {  	v4 =	vld.idx.msk [tilespmem:v28+s12+$0x0], $0xffff;
	_ =	sdelay $0x1  }
0x1f6: {  	v2 =	vld.idx.msk [tilespmem:v29+s12+$0x0], $0xffff  }
0x1f7: {  	v1 =	vadd.f32 v3, v1;
	_ =	sdelay $0x1  }
0x1f8: {  	v1 =	vadd.f32 v4, v1;
	_ =	sdelay $0x1  }
0x1f9: {  	v30 =	vadd.s32 $0x3200, v0;
	v1 =	vadd.f32 v2, v1  }
0x1fa: {  	v31 =	vadd.s32 $0x3280, v0  }
0x1fb: {  	v1 =	vmul.f32 $2.500000000e-01, v1  }
0x1fc: {  	v32 =	vadd.s32 $0x9200, v0  }
0x1fd: {  	[tilespmem:$0x18580] =	vst v1  }
0x1fe: {  	v33 =	vadd.s32 $0x9280, v0;
	v1 =	vld.idx.msk [tilespmem:v30+s12+$0x0], $0xffff  }
0x1ff: {  	v3 =	vld.idx.msk [tilespmem:v31+s12+$0x0], $0xffff;
	_ =	sdelay $0x1  }
0x200: {  	v4 =	vld.idx.msk [tilespmem:v32+s12+$0x0], $0xffff;
	_ =	sdelay $0x1  }
0x201: {  	v2 =	vld.idx.msk [tilespmem:v33+s12+$0x0], $0xffff  }
0x202: {  	v1 =	vadd.f32 v3, v1;
	_ =	sdelay $0x1  }
0x203: {  	v1 =	vadd.f32 v4, v1;
	_ =	sdelay $0x1  }
0x204: {  	v34 =	vadd.s32 $0x3300, v0;
	v1 =	vadd.f32 v2, v1  }
0x205: {  	v35 =	vadd.s32 $0x3380, v0  }
0x206: {  	v1 =	vmul.f32 $2.500000000e-01, v1  }
0x207: {  	v36 =	vadd.s32 $0x9300, v0  }
0x208: {  	[tilespmem:$0x18600] =	vst v1  }
0x209: {  	v37 =	vadd.s32 $0x9380, v0;
	v1 =	vld.idx.msk [tilespmem:v34+s12+$0x0], $0xffff  }
0x20a: {  	v3 =	vld.idx.msk [tilespmem:v35+s12+$0x0], $0xffff;
	_ =	sdelay $0x1  }
0x20b: {  	v4 =	vld.idx.msk [tilespmem:v36+s12+$0x0], $0xffff;
	_ =	sdelay $0x1  }
0x20c: {  	v2 =	vld.idx.msk [tilespmem:v37+s12+$0x0], $0xffff  }
0x20d: {  	v1 =	vadd.f32 v3, v1;
	_ =	sdelay $0x1  }
0x20e: {  	v1 =	vadd.f32 v4, v1;
	_ =	sdelay $0x1  }
0x20f: {  	v38 =	vadd.s32 $0x4800, v0;
	v1 =	vadd.f32 v2, v1  }
0x210: {  	v39 =	vadd.s32 $0x4880, v0  }
0x211: {  	v1 =	vmul.f32 $2.500000000e-01, v1  }
0x212: {  	v40 =	vadd.s32 $0xA800, v0  }
0x213: {  	[tilespmem:$0x18680] =	vst v1  }
0x214: {  	v41 =	vadd.s32 $0xA880, v0;
	v1 =	vld.idx.msk [tilespmem:v38+s12+$0x0], $0xffff  }
0x215: {  	v3 =	vld.idx.msk [tilespmem:v39+s12+$0x0], $0xffff;
	_ =	sdelay $0x1  }
0x216: {  	v4 =	vld.idx.msk [tilespmem:v40+s12+$0x0], $0xffff;
	_ =	sdelay $0x1  }
0x217: {  	v2 =	vld.idx.msk [tilespmem:v41+s12+$0x0], $0xffff  }
0x218: {  	v1 =	vadd.f32 v3, v1;
	_ =	sdelay $0x1  }
0x219: {  	v1 =	vadd.f32 v4, v1;
	_ =	sdelay $0x1  }
0x21a: {  	v42 =	vadd.s32 $0x4900, v0;
	v1 =	vadd.f32 v2, v1  }
0x21b: {  	v43 =	vadd.s32 $0x4980, v0  }
0x21c: {  	v1 =	vmul.f32 $2.500000000e-01, v1  }
0x21d: {  	v44 =	vadd.s32 $0xA900, v0  }
0x21e: {  	[tilespmem:$0x18700] =	vst v1  }
0x21f: {  	v45 =	vadd.s32 $0xA980, v0;
	v1 =	vld.idx.msk [tilespmem:v42+s12+$0x0], $0xffff  }
0x220: {  	v3 =	vld.idx.msk [tilespmem:v43+s12+$0x0], $0xffff;
	_ =	sdelay $0x1  }
0x221: {  	v4 =	vld.idx.msk [tilespmem:v44+s12+$0x0], $0xffff;
	_ =	sdelay $0x1  }
0x222: {  	v2 =	vld.idx.msk [tilespmem:v45+s12+$0x0], $0xffff  }
0x223: {  	v1 =	vadd.f32 v3, v1;
	_ =	sdelay $0x1  }
0x224: {  	v1 =	vadd.f32 v4, v1;
	_ =	sdelay $0x1  }
0x225: {  	v46 =	vadd.s32 $0x4A00, v0;
	v1 =	vadd.f32 v2, v1  }
0x226: {  	v47 =	vadd.s32 $0x4A80, v0  }
0x227: {  	v1 =	vmul.f32 $2.500000000e-01, v1  }
0x228: {  	v48 =	vadd.s32 $0xAA00, v0  }
0x229: {  	[tilespmem:$0x18780] =	vst v1  }
0x22a: {  	v49 =	vadd.s32 $0xAA80, v0;
	v1 =	vld.idx.msk [tilespmem:v46+s12+$0x0], $0xffff  }
0x22b: {  	v3 =	vld.idx.msk [tilespmem:v47+s12+$0x0], $0xffff;
	_ =	sdelay $0x1  }
0x22c: {  	v4 =	vld.idx.msk [tilespmem:v48+s12+$0x0], $0xffff;
	_ =	sdelay $0x1  }
0x22d: {  	v2 =	vld.idx.msk [tilespmem:v49+s12+$0x0], $0xffff  }
0x22e: {  	v1 =	vadd.f32 v3, v1;
	_ =	sdelay $0x1  }
0x22f: {  	v1 =	vadd.f32 v4, v1;
	_ =	sdelay $0x1  }
0x230: {  	v50 =	vadd.s32 $0x4B00, v0;
	v1 =	vadd.f32 v2, v1  }
0x231: {  	v51 =	vadd.s32 $0x4B80, v0  }
0x232: {  	v1 =	vmul.f32 $2.500000000e-01, v1  }
0x233: {  	v52 =	vadd.s32 $0xAB00, v0  }
0x234: {  	[tilespmem:$0x18800] =	vst v1  }
0x235: {  	v0 =	vadd.s32 $0xAB80, v0;
	v1 =	vld.idx.msk [tilespmem:v50+s12+$0x0], $0xffff  }
0x236: {  	v53 =	vld.idx.msk [tilespmem:v51+s12+$0x0], $0xffff  }
0x237: {  	v55 =	vld [tilespmem:$0x80]  }
0x238: {  	v54 =	vld.idx.msk [tilespmem:v52+s12+$0x0], $0xffff;
	_ =	sdelay $0x1  }
0x239: {  	v0 =	vld.idx.msk [tilespmem:v0+s12+$0x0], $0xffff  }
0x23a: {  	v1 =	vadd.f32 v53, v1;
	_ =	sdelay $0x1  }
0x23b: {  	v56 =	vshll.u32 v55, $0x3;
	v1 =	vadd.f32 v54, v1  }
0x23c: {  	v57 =	vand.u32 $0x7F, v55;
	v2 =	vand.u32 $0xFFFFFC00, v56  }
0x23d: {  	v1 =	vadd.f32 v0, v1;
	v0 =	vor.u32 v57, v2  }
0x23e: {  	v2 =	vor.u32 $0x80, v0  }
0x23f: {  	v1 =	vmul.f32 $2.500000000e-01, v1  }
0x240: {  	v3 =	vadd.s32 $0x6000, v0  }
0x241: {  	[tilespmem:$0x18880] =	vst v1  }
0x242: {  	v58 =	vadd.s32 $0x6080, v0;
	v1 =	vld.idx.msk [tilespmem:v0+s12+$0x0], $0xffff  }
0x243: {  	v2 =	vld.idx.msk [tilespmem:v2+s12+$0x0], $0xffff;
	_ =	sdelay $0x1  }
0x244: {  	v3 =	vld.idx.msk [tilespmem:v3+s12+$0x0], $0xffff;
	_ =	sdelay $0x1  }
0x245: {  	v4 =	vld.idx.msk [tilespmem:v58+s12+$0x0], $0xffff  }
0x246: {  	v1 =	vadd.f32 v2, v1;
	_ =	sdelay $0x1  }
0x247: {  	v1 =	vadd.f32 v3, v1;
	_ =	sdelay $0x1  }
0x248: {  	v59 =	vor.u32 $0x100, v0;
	v1 =	vadd.f32 v4, v1  }
0x249: {  	v60 =	vor.u32 $0x180, v0  }
0x24a: {  	v1 =	vmul.f32 $2.500000000e-01, v1  }
0x24b: {  	v61 =	vadd.s32 $0x6100, v0  }
0x24c: {  	[tilespmem:$0x18110] =	vst v1  }
0x24d: {  	v62 =	vadd.s32 $0x6180, v0;
	v1 =	vld.idx.msk [tilespmem:v59+s12+$0x0], $0xffff  }
0x24e: {  	v3 =	vld.idx.msk [tilespmem:v60+s12+$0x0], $0xffff;
	_ =	sdelay $0x1  }
0x24f: {  	v4 =	vld.idx.msk [tilespmem:v61+s12+$0x0], $0xffff;
	_ =	sdelay $0x1  }
0x250: {  	v2 =	vld.idx.msk [tilespmem:v62+s12+$0x0], $0xffff  }
0x251: {  	v1 =	vadd.f32 v3, v1;
	_ =	sdelay $0x1  }
0x252: {  	v1 =	vadd.f32 v4, v1;
	_ =	sdelay $0x1  }
0x253: {  	v63 =	vor.u32 $0x200, v0;
	v1 =	vadd.f32 v2, v1  }
0x254: {  	v8 =	vor.u32 $0x280, v0  }
0x255: {  	v1 =	vmul.f32 $2.500000000e-01, v1  }
0x256: {  	v9 =	vadd.s32 $0x6200, v0  }
0x257: {  	[tilespmem:$0x18190] =	vst v1  }
0x258: {  	v10 =	vadd.s32 $0x6280, v0;
	v1 =	vld.idx.msk [tilespmem:v63+s12+$0x0], $0xffff  }
0x259: {  	v3 =	vld.idx.msk [tilespmem:v8+s12+$0x0], $0xffff;
	_ =	sdelay $0x1  }
0x25a: {  	v4 =	vld.idx.msk [tilespmem:v9+s12+$0x0], $0xffff;
	_ =	sdelay $0x1  }
0x25b: {  	v2 =	vld.idx.msk [tilespmem:v10+s12+$0x0], $0xffff  }
0x25c: {  	v1 =	vadd.f32 v3, v1;
	_ =	sdelay $0x1  }
0x25d: {  	v1 =	vadd.f32 v4, v1;
	_ =	sdelay $0x1  }
0x25e: {  	v11 =	vor.u32 $0x300, v0;
	v1 =	vadd.f32 v2, v1  }
0x25f: {  	v12 =	vor.u32 $0x380, v0  }
0x260: {  	v1 =	vmul.f32 $2.500000000e-01, v1  }
0x261: {  	v13 =	vadd.s32 $0x6300, v0  }
0x262: {  	[tilespmem:$0x18210] =	vst v1  }
0x263: {  	v14 =	vadd.s32 $0x6380, v0;
	v1 =	vld.idx.msk [tilespmem:v11+s12+$0x0], $0xffff  }
0x264: {  	v3 =	vld.idx.msk [tilespmem:v12+s12+$0x0], $0xffff;
	_ =	sdelay $0x1  }
0x265: {  	v4 =	vld.idx.msk [tilespmem:v13+s12+$0x0], $0xffff;
	_ =	sdelay $0x1  }
0x266: {  	v2 =	vld.idx.msk [tilespmem:v14+s12+$0x0], $0xffff  }
0x267: {  	v1 =	vadd.f32 v3, v1;
	_ =	sdelay $0x1  }
0x268: {  	v1 =	vadd.f32 v4, v1;
	_ =	sdelay $0x1  }
0x269: {  	v15 =	vadd.s32 $0x1800, v0;
	v1 =	vadd.f32 v2, v1  }
0x26a: {  	v16 =	vadd.s32 $0x1880, v0  }
0x26b: {  	v1 =	vmul.f32 $2.500000000e-01, v1  }
0x26c: {  	v17 =	vadd.s32 $0x7800, v0  }
0x26d: {  	[tilespmem:$0x18290] =	vst v1  }
0x26e: {  	v18 =	vadd.s32 $0x7880, v0;
	v1 =	vld.idx.msk [tilespmem:v15+s12+$0x0], $0xffff  }
0x26f: {  	v3 =	vld.idx.msk [tilespmem:v16+s12+$0x0], $0xffff;
	_ =	sdelay $0x1  }
0x270: {  	v4 =	vld.idx.msk [tilespmem:v17+s12+$0x0], $0xffff;
	_ =	sdelay $0x1  }
0x271: {  	v2 =	vld.idx.msk [tilespmem:v18+s12+$0x0], $0xffff  }
0x272: {  	v1 =	vadd.f32 v3, v1;
	_ =	sdelay $0x1  }
0x273: {  	v1 =	vadd.f32 v4, v1;
	_ =	sdelay $0x1  }
0x274: {  	v19 =	vadd.s32 $0x1900, v0;
	v1 =	vadd.f32 v2, v1  }
0x275: {  	v20 =	vadd.s32 $0x1980, v0  }
0x276: {  	v1 =	vmul.f32 $2.500000000e-01, v1  }
0x277: {  	v21 =	vadd.s32 $0x7900, v0  }
0x278: {  	[tilespmem:$0x18310] =	vst v1  }
0x279: {  	v22 =	vadd.s32 $0x7980, v0;
	v1 =	vld.idx.msk [tilespmem:v19+s12+$0x0], $0xffff  }
0x27a: {  	v3 =	vld.idx.msk [tilespmem:v20+s12+$0x0], $0xffff;
	_ =	sdelay $0x1  }
0x27b: {  	v4 =	vld.idx.msk [tilespmem:v21+s12+$0x0], $0xffff;
	_ =	sdelay $0x1  }
0x27c: {  	v2 =	vld.idx.msk [tilespmem:v22+s12+$0x0], $0xffff  }
0x27d: {  	v1 =	vadd.f32 v3, v1;
	_ =	sdelay $0x1  }
0x27e: {  	v1 =	vadd.f32 v4, v1;
	_ =	sdelay $0x1  }
0x27f: {  	v23 =	vadd.s32 $0x1A00, v0;
	v1 =	vadd.f32 v2, v1  }
0x280: {  	v24 =	vadd.s32 $0x1A80, v0  }
0x281: {  	v1 =	vmul.f32 $2.500000000e-01, v1  }
0x282: {  	v25 =	vadd.s32 $0x7A00, v0  }
0x283: {  	[tilespmem:$0x18390] =	vst v1  }
0x284: {  	v26 =	vadd.s32 $0x7A80, v0;
	v1 =	vld.idx.msk [tilespmem:v23+s12+$0x0], $0xffff  }
0x285: {  	v3 =	vld.idx.msk [tilespmem:v24+s12+$0x0], $0xffff;
	_ =	sdelay $0x1  }
0x286: {  	v4 =	vld.idx.msk [tilespmem:v25+s12+$0x0], $0xffff;
	_ =	sdelay $0x1  }
0x287: {  	v2 =	vld.idx.msk [tilespmem:v26+s12+$0x0], $0xffff  }
0x288: {  	v1 =	vadd.f32 v3, v1;
	_ =	sdelay $0x1  }
0x289: {  	v1 =	vadd.f32 v4, v1;
	_ =	sdelay $0x1  }
0x28a: {  	v27 =	vadd.s32 $0x1B00, v0;
	v1 =	vadd.f32 v2, v1  }
0x28b: {  	v28 =	vadd.s32 $0x1B80, v0  }
0x28c: {  	v1 =	vmul.f32 $2.500000000e-01, v1  }
0x28d: {  	v29 =	vadd.s32 $0x7B00, v0  }
0x28e: {  	[tilespmem:$0x18410] =	vst v1  }
0x28f: {  	v30 =	vadd.s32 $0x7B80, v0;
	v1 =	vld.idx.msk [tilespmem:v27+s12+$0x0], $0xffff  }
0x290: {  	v3 =	vld.idx.msk [tilespmem:v28+s12+$0x0], $0xffff;
	_ =	sdelay $0x1  }
0x291: {  	v4 =	vld.idx.msk [tilespmem:v29+s12+$0x0], $0xffff;
	_ =	sdelay $0x1  }
0x292: {  	v2 =	vld.idx.msk [tilespmem:v30+s12+$0x0], $0xffff  }
0x293: {  	v1 =	vadd.f32 v3, v1;
	_ =	sdelay $0x1  }
0x294: {  	v1 =	vadd.f32 v4, v1;
	_ =	sdelay $0x1  }
0x295: {  	v31 =	vadd.s32 $0x3000, v0;
	v1 =	vadd.f32 v2, v1  }
0x296: {  	v32 =	vadd.s32 $0x3080, v0  }
0x297: {  	v1 =	vmul.f32 $2.500000000e-01, v1  }
0x298: {  	v33 =	vadd.s32 $0x9000, v0  }
0x299: {  	[tilespmem:$0x18490] =	vst v1  }
0x29a: {  	v34 =	vadd.s32 $0x9080, v0;
	v1 =	vld.idx.msk [tilespmem:v31+s12+$0x0], $0xffff  }
0x29b: {  	v3 =	vld.idx.msk [tilespmem:v32+s12+$0x0], $0xffff;
	_ =	sdelay $0x1  }
0x29c: {  	v4 =	vld.idx.msk [tilespmem:v33+s12+$0x0], $0xffff;
	_ =	sdelay $0x1  }
0x29d: {  	v2 =	vld.idx.msk [tilespmem:v34+s12+$0x0], $0xffff  }
0x29e: {  	v1 =	vadd.f32 v3, v1;
	_ =	sdelay $0x1  }
0x29f: {  	v1 =	vadd.f32 v4, v1;
	_ =	sdelay $0x1  }
0x2a0: {  	v35 =	vadd.s32 $0x3100, v0;
	v1 =	vadd.f32 v2, v1  }
0x2a1: {  	v36 =	vadd.s32 $0x3180, v0  }
0x2a2: {  	v1 =	vmul.f32 $2.500000000e-01, v1  }
0x2a3: {  	v37 =	vadd.s32 $0x9100, v0  }
0x2a4: {  	[tilespmem:$0x18510] =	vst v1  }
0x2a5: {  	v38 =	vadd.s32 $0x9180, v0;
	v1 =	vld.idx.msk [tilespmem:v35+s12+$0x0], $0xffff  }
0x2a6: {  	v3 =	vld.idx.msk [tilespmem:v36+s12+$0x0], $0xffff;
	_ =	sdelay $0x1  }
0x2a7: {  	v4 =	vld.idx.msk [tilespmem:v37+s12+$0x0], $0xffff;
	_ =	sdelay $0x1  }
0x2a8: {  	v2 =	vld.idx.msk [tilespmem:v38+s12+$0x0], $0xffff  }
0x2a9: {  	v1 =	vadd.f32 v3, v1;
	_ =	sdelay $0x1  }
0x2aa: {  	v1 =	vadd.f32 v4, v1;
	_ =	sdelay $0x1  }
0x2ab: {  	v39 =	vadd.s32 $0x3200, v0;
	v1 =	vadd.f32 v2, v1  }
0x2ac: {  	v40 =	vadd.s32 $0x3280, v0  }
0x2ad: {  	v1 =	vmul.f32 $2.500000000e-01, v1  }
0x2ae: {  	v41 =	vadd.s32 $0x9200, v0  }
0x2af: {  	[tilespmem:$0x18590] =	vst v1  }
0x2b0: {  	v42 =	vadd.s32 $0x9280, v0;
	v1 =	vld.idx.msk [tilespmem:v39+s12+$0x0], $0xffff  }
0x2b1: {  	v3 =	vld.idx.msk [tilespmem:v40+s12+$0x0], $0xffff;
	_ =	sdelay $0x1  }
0x2b2: {  	v4 =	vld.idx.msk [tilespmem:v41+s12+$0x0], $0xffff;
	_ =	sdelay $0x1  }
0x2b3: {  	v2 =	vld.idx.msk [tilespmem:v42+s12+$0x0], $0xffff  }
0x2b4: {  	v1 =	vadd.f32 v3, v1;
	_ =	sdelay $0x1  }
0x2b5: {  	v1 =	vadd.f32 v4, v1;
	_ =	sdelay $0x1  }
0x2b6: {  	v43 =	vadd.s32 $0x3300, v0;
	v1 =	vadd.f32 v2, v1  }
0x2b7: {  	v44 =	vadd.s32 $0x3380, v0  }
0x2b8: {  	v1 =	vmul.f32 $2.500000000e-01, v1  }
0x2b9: {  	v45 =	vadd.s32 $0x9300, v0  }
0x2ba: {  	[tilespmem:$0x18610] =	vst v1  }
0x2bb: {  	v46 =	vadd.s32 $0x9380, v0;
	v1 =	vld.idx.msk [tilespmem:v43+s12+$0x0], $0xffff  }
0x2bc: {  	v3 =	vld.idx.msk [tilespmem:v44+s12+$0x0], $0xffff;
	_ =	sdelay $0x1  }
0x2bd: {  	v4 =	vld.idx.msk [tilespmem:v45+s12+$0x0], $0xffff;
	_ =	sdelay $0x1  }
0x2be: {  	v2 =	vld.idx.msk [tilespmem:v46+s12+$0x0], $0xffff  }
0x2bf: {  	v1 =	vadd.f32 v3, v1;
	_ =	sdelay $0x1  }
0x2c0: {  	v1 =	vadd.f32 v4, v1;
	_ =	sdelay $0x1  }
0x2c1: {  	v47 =	vadd.s32 $0x4800, v0;
	v1 =	vadd.f32 v2, v1  }
0x2c2: {  	v48 =	vadd.s32 $0x4880, v0  }
0x2c3: {  	v1 =	vmul.f32 $2.500000000e-01, v1  }
0x2c4: {  	v49 =	vadd.s32 $0xA800, v0  }
0x2c5: {  	[tilespmem:$0x18690] =	vst v1  }
0x2c6: {  	v50 =	vadd.s32 $0xA880, v0;
	v1 =	vld.idx.msk [tilespmem:v47+s12+$0x0], $0xffff  }
0x2c7: {  	v3 =	vld.idx.msk [tilespmem:v48+s12+$0x0], $0xffff;
	_ =	sdelay $0x1  }
0x2c8: {  	v4 =	vld.idx.msk [tilespmem:v49+s12+$0x0], $0xffff;
	_ =	sdelay $0x1  }
0x2c9: {  	v2 =	vld.idx.msk [tilespmem:v50+s12+$0x0], $0xffff  }
0x2ca: {  	v1 =	vadd.f32 v3, v1;
	_ =	sdelay $0x1  }
0x2cb: {  	v1 =	vadd.f32 v4, v1;
	_ =	sdelay $0x1  }
0x2cc: {  	v51 =	vadd.s32 $0x4900, v0;
	v1 =	vadd.f32 v2, v1  }
0x2cd: {  	v52 =	vadd.s32 $0x4980, v0  }
0x2ce: {  	v1 =	vmul.f32 $2.500000000e-01, v1  }
0x2cf: {  	v53 =	vadd.s32 $0xA900, v0  }
0x2d0: {  	[tilespmem:$0x18710] =	vst v1  }
0x2d1: {  	v54 =	vadd.s32 $0xA980, v0;
	v1 =	vld.idx.msk [tilespmem:v51+s12+$0x0], $0xffff  }
0x2d2: {  	v3 =	vld.idx.msk [tilespmem:v52+s12+$0x0], $0xffff;
	_ =	sdelay $0x1  }
0x2d3: {  	v4 =	vld.idx.msk [tilespmem:v53+s12+$0x0], $0xffff;
	_ =	sdelay $0x1  }
0x2d4: {  	v2 =	vld.idx.msk [tilespmem:v54+s12+$0x0], $0xffff  }
0x2d5: {  	v1 =	vadd.f32 v3, v1;
	_ =	sdelay $0x1  }
0x2d6: {  	v1 =	vadd.f32 v4, v1;
	_ =	sdelay $0x1  }
0x2d7: {  	v55 =	vadd.s32 $0x4A00, v0;
	v1 =	vadd.f32 v2, v1  }
0x2d8: {  	v56 =	vadd.s32 $0x4A80, v0  }
0x2d9: {  	v1 =	vmul.f32 $2.500000000e-01, v1  }
0x2da: {  	v57 =	vadd.s32 $0xAA00, v0  }
0x2db: {  	[tilespmem:$0x18790] =	vst v1  }
0x2dc: {  	v58 =	vadd.s32 $0xAA80, v0;
	v1 =	vld.idx.msk [tilespmem:v55+s12+$0x0], $0xffff  }
0x2dd: {  	v3 =	vld.idx.msk [tilespmem:v56+s12+$0x0], $0xffff;
	_ =	sdelay $0x1  }
0x2de: {  	v4 =	vld.idx.msk [tilespmem:v57+s12+$0x0], $0xffff;
	_ =	sdelay $0x1  }
0x2df: {  	v2 =	vld.idx.msk [tilespmem:v58+s12+$0x0], $0xffff  }
0x2e0: {  	v1 =	vadd.f32 v3, v1;
	_ =	sdelay $0x1  }
0x2e1: {  	v1 =	vadd.f32 v4, v1;
	_ =	sdelay $0x1  }
0x2e2: {  	v59 =	vadd.s32 $0x4B00, v0;
	v1 =	vadd.f32 v2, v1  }
0x2e3: {  	v60 =	vadd.s32 $0x4B80, v0  }
0x2e4: {  	v1 =	vmul.f32 $2.500000000e-01, v1  }
0x2e5: {  	v61 =	vadd.s32 $0xAB00, v0  }
0x2e6: {  	[tilespmem:$0x18810] =	vst v1  }
0x2e7: {  	v0 =	vadd.s32 $0xAB80, v0;
	v1 =	vld.idx.msk [tilespmem:v59+s12+$0x0], $0xffff  }
0x2e8: {  	v62 =	vld.idx.msk [tilespmem:v60+s12+$0x0], $0xffff;
	_ =	sdelay $0x1  }
0x2e9: {  	v63 =	vld.idx.msk [tilespmem:v61+s12+$0x0], $0xffff;
	_ =	sdelay $0x1  }
0x2ea: {  	v0 =	vld.idx.msk [tilespmem:v0+s12+$0x0], $0xffff  }
0x2eb: {  	v1 =	vadd.f32 v62, v1;
	_ =	sdelay $0x1  }
0x2ec: {  	v1 =	vadd.f32 v63, v1;
	_ =	sdelay $0x1  }
0x2ed: {  	v0 =	vadd.f32 v0, v1;
	_ =	sdelay $0x1  }
0x2ee: {  	s31 =	sadd.s32 s19, s6;
	s19 =	sadd.s32 $0x200, s19;
	v0 =	vmul.f32 $2.500000000e-01, v0  }
0x2ef: {  	p0 =	sne.s32 s19, $0x1000  }
.Ltmp0:
0x2f0: {  	[tilespmem:$0x18890] =	vst v0;
	(pc) =	sbr.rel @p0 .LBB2_2-.Ltmp0, $4  }
0x2f1: {  	[hbm4b:s31+s3] =	stream.linear.scatter [tilespmem:s14], [sflag:$0x3], $0x800, $0x38;
	[tilespmem:$0x18900] =	vst v63  }
0x2f2: {  	_ =	swait.ge [sflag:s10], $0x800  }
0x2f3: {  	[sflag:s10] =	ssyncset.done $0x0  }
0x2f4: {  	s18 =	sadd.s32 $0x3000, s18;
	s17 =	sadd.s32 $0x3000, s17;
	[sflag:s10] =	ssyncadd.s32 $0xFFFFF800  }
0x2f5: {  	s16 =	sadd.s32 $0x1, s16  }
0x2f6: {  	p0 =	sne.s32 s16, s5  }
.Ltmp1:
0x2f7: {  	_ = 	snop;
	(pc) =	sbr.rel @p0 .LBB2_1-.Ltmp1, $1  }
0x2f8: {  	_ =	sdelay $0x3  }
0x2f9: {  	_ =	sfence.sel $0x180000  }
0x2fa: {  	[bflag:$0x0] =	sbarrier.arrive $0xFFFF  }
0x2fb: {  	p0 =	sne.s32 s2, $0x0;
	_ =	strace $0x90000047  }
0x2fc: {  	s0 =	sadd.s32 @!p0 $0x100000, s0;
	[bflag:$0x2] =	sbarrier.arrive $0xFFFF  }
0x2fd: {  	[sflag:s0] =	ssyncadd.tile.s32 @!p0 $0x1;
	_ =	shalt  }
.Lfunc_end2:
_tile_overlayer_lowered:
.L_overlay_start_2:
0x2fe: {  	(tag) =	ssettag $0x2  }
0x2ff: {  	s0 =	rddreg [dreg:$0x0];
	s2 =	stileid.u32  }
0x300: {  	s1 =	rddreg [dreg:$0x1];
	p0 =	sne.s32 s2, $0x0  }
0x301: {  	s3 =	rddreg [dreg:$0x2];
	[bflag:$0x3] =	sbarrier.arrive $0xFFFF;
	s2 =	simm.s32 @!p0 $0x1C03  }
0x302: {  	[timem:s3], [sflag:s2] =	dma.local @!p0 [hbm:s0], s1  }
0x303: {  	s0 =	simm.s32 @!p0 $0x3  }
0x304: {  	_ =	swait.ge @!p0 [sflag:s0], s1  }
0x305: {  	s1 =	ssub.s32 @!p0 $0x0, s1;
	[sflag:s0] =	ssyncset.done @!p0 $0x0  }
0x306: {  	[sflag:s0] =	ssyncadd.s32 @!p0 s1  }
0x307: {  	[bflag:$0x3] =	sbarrier.arrive $0xFFFF  }
0x308: {  	_ =	shalt  }

</sc_bundles>
